<compile_context>
chip_gen: v7x
topology: tpu7x:2x2x1
jax: 0.10.2.dev20260603
libtpu: 0.0.44.dev20260713+nightly
codegen_flags: <defaults>
</compile_context>

<pallas_src>
import functools

import jax
import jax.numpy as jnp
from jax import lax
from jax.experimental import pallas as pl
from jax.experimental.pallas import tpu as pltpu
from jax.experimental.pallas import tpu_sc as plsc

NC = 2
NS = 16
NW = NC * NS
K = 128


def _mesh():
    return plsc.VectorSubcoreMesh(
        core_axis_name="c", subcore_axis_name="s", num_cores=NC, num_subcores=NS
    )


def _row_chunks(rpt, k):
    chunks = [k] * (rpt // k)
    if rpt % k:
        chunks.append(rpt % k)
    return chunks


def _deg_kernel(n_acc, nch):
    rpt = n_acc // NS

    @functools.partial(
        pl.kernel,
        out_type=jax.ShapeDtypeStruct((NC * n_acc,), jnp.float32),
        mesh=_mesh(),
        scratch_types=[
            pltpu.VMEM((nch, K), jnp.int32),
            pltpu.VMEM((K,), jnp.float32),
            pltpu.VMEM((rpt,), jnp.float32),
            pltpu.VMEM_SHARED((n_acc,), jnp.float32),
            pltpu.SemaphoreType.DMA,
        ],
    )
    def deg_k(dst_hbm, ones_hbm, zeros1_hbm, out_hbm, idx_v, ones_v, zbuf, acc,
              sem):
        c = lax.axis_index("c")
        s = lax.axis_index("s")
        wid = s * NC + c
        r0 = s * rpt
        pltpu.sync_copy(zeros1_hbm, zbuf)
        pltpu.sync_copy(zbuf, acc.at[pl.ds(r0, rpt)])
        pltpu.sync_copy(ones_hbm, ones_v)
        pltpu.sync_copy(dst_hbm.at[wid], idx_v)
        plsc.subcore_barrier()

        def body(j, carry):
            pltpu.sync_copy(ones_v, acc.at[idx_v.at[j]], add=True)
            return carry

        lax.fori_loop(0, nch, body, 0)
        plsc.subcore_barrier()
        pltpu.sync_copy(acc.at[pl.ds(r0, rpt)], zbuf)
        pltpu.sync_copy(zbuf, out_hbm.at[pl.ds(c * n_acc + r0, rpt)])

    return deg_k


def _scatter_kernel(n, d, n_acc, nch):
    rpt = n_acc // NS
    G = 16
    assert nch % G == 0

    @functools.partial(
        pl.kernel,
        out_type=jax.ShapeDtypeStruct((NC, n_acc, d), jnp.float32),
        mesh=_mesh(),
        scratch_types=[
            pltpu.VMEM((G, K), jnp.int32),
            pltpu.VMEM((G, K), jnp.int32),
            [pltpu.VMEM((K, d), jnp.float32)] * 2,
            pltpu.VMEM_SHARED((n_acc, d), jnp.float32),
            [pltpu.SemaphoreType.DMA] * 2,
            [pltpu.SemaphoreType.DMA] * 2,
        ],
    )
    def scat_k(y_hbm, src_hbm, dst_hbm, zeros2_hbm, out_hbm,
               sidx, didx, bufs, acc, gsems, ssems):
        c = lax.axis_index("c")
        s = lax.axis_index("s")
        wid = s * NC + c
        r0 = s * rpt
        pltpu.sync_copy(zeros2_hbm, bufs[0])
        off = 0
        for ck in _row_chunks(rpt, K):
            pltpu.sync_copy(
                bufs[0].at[pl.ds(0, ck)], acc.at[pl.ds(r0 + off, ck)]
            )
            off += ck
        plsc.subcore_barrier()

        def group_body(g, carry):
            pltpu.sync_copy(src_hbm.at[wid, pl.ds(g * G, G)], sidx)
            pltpu.sync_copy(dst_hbm.at[wid, pl.ds(g * G, G)], didx)
            pltpu.async_copy(y_hbm.at[sidx.at[0]], bufs[0], gsems[0])
            for t in range(G):
                b = t % 2
                bo = 1 - b
                if t + 1 < G:
                    if t >= 1:
                        pltpu.make_async_copy(
                            bufs[bo], acc.at[didx.at[t - 1]], ssems[bo]
                        ).wait()
                    pltpu.async_copy(
                        y_hbm.at[sidx.at[t + 1]], bufs[bo], gsems[bo]
                    )
                pltpu.make_async_copy(
                    y_hbm.at[sidx.at[t]], bufs[b], gsems[b]
                ).wait()
                pltpu.async_copy(
                    bufs[b], acc.at[didx.at[t]], ssems[b], add=True
                )
            for t in (G - 2, G - 1):
                pltpu.make_async_copy(
                    bufs[t % 2], acc.at[didx.at[t]], ssems[t % 2]
                ).wait()
            return carry

        lax.fori_loop(0, nch // G, group_body, 0)
        plsc.subcore_barrier()
        off = 0
        for ck in _row_chunks(rpt, K):
            pltpu.sync_copy(
                acc.at[pl.ds(r0 + off, ck)], bufs[0].at[pl.ds(0, ck)]
            )
            pltpu.sync_copy(
                bufs[0].at[pl.ds(0, ck)], out_hbm.at[c, pl.ds(r0 + off, ck)]
            )
            off += ck

    return scat_k


def kernel(x, edge_index, W_conv, b_conv, W_reg, b_reg):
    n, d = x.shape
    e = edge_index.shape[1]

    ew = -(-e // (NW * K)) * K
    if (ew // K) % 16:
        ew = -(-ew // (16 * K)) * (16 * K)
    nch = ew // K
    e_pad = ew * NW
    n_acc = -(-n // (8 * NS)) * (8 * NS)
    if n_acc - n < NS:
        n_acc += 8 * NS
    rpt = n_acc // NS

    npad = e_pad - e
    pad_i = jnp.arange(npad, dtype=jnp.int32)
    src_p = jnp.concatenate([edge_index[0], pad_i % n])
    dst_p = jnp.concatenate([edge_index[1], n + pad_i % (n_acc - n)])
    src3 = src_p.reshape(NW, nch, K)
    dst3 = dst_p.reshape(NW, nch, K)

    ones_k = jnp.ones((K,), jnp.float32)
    zeros1 = jnp.zeros((rpt,), jnp.float32)
    zeros2 = jnp.zeros((K, d), jnp.float32)

    bn = 2048
    gb = -(-n // bn)

    def xw_body(x_ref, w_ref, o_ref):
        o_ref[...] = jnp.dot(
            x_ref[...], w_ref[...], preferred_element_type=jnp.float32
        )

    xw = pl.pallas_call(
        xw_body,
        grid=(gb,),
        in_specs=[
            pl.BlockSpec((bn, d), lambda j: (j, 0)),
            pl.BlockSpec((d, d), lambda j: (0, 0)),
        ],
        out_specs=pl.BlockSpec((bn, d), lambda j: (j, 0)),
        out_shape=jax.ShapeDtypeStruct((n, d), jnp.float32),
    )(x, W_conv)

    degp = _deg_kernel(n_acc, nch)(dst3, ones_k, zeros1)
    degt = degp.reshape(NC, n_acc).T

    def y_body(xw_ref, degt_ref, y_ref):
        ds_ = degt_ref[...]
        dinv = lax.rsqrt(ds_[:, 0:1] + ds_[:, 1:2] + 1.0)
        y_ref[...] = xw_ref[...] * dinv

    y = pl.pallas_call(
        y_body,
        grid=(gb,),
        in_specs=[
            pl.BlockSpec((bn, d), lambda j: (j, 0)),
            pl.BlockSpec((bn, NC), lambda j: (j, 0)),
        ],
        out_specs=pl.BlockSpec((bn, d), lambda j: (j, 0)),
        out_shape=jax.ShapeDtypeStruct((n, d), jnp.float32),
    )(xw, degt)

    sp = _scatter_kernel(n, d, n_acc, nch)(y, src3, dst3, zeros2)

    b_conv2 = b_conv.reshape(1, d)
    b_reg2 = b_reg.reshape(1, 1)

    def head_body(s_ref, y_ref, degt_ref, bc_ref, wr_ref, br_ref, o_ref):
        ds_ = degt_ref[...]
        dinv = lax.rsqrt(ds_[:, 0:1] + ds_[:, 1:2] + 1.0)
        tot = s_ref[0] + s_ref[1] + y_ref[...]
        agg = tot * dinv + bc_ref[...]
        h = jnp.maximum(agg, 0.0)
        o = jnp.dot(h, wr_ref[...], preferred_element_type=jnp.float32)
        o_ref[...] = o + br_ref[...]

    out = pl.pallas_call(
        head_body,
        grid=(gb,),
        in_specs=[
            pl.BlockSpec((NC, bn, d), lambda j: (0, j, 0)),
            pl.BlockSpec((bn, d), lambda j: (j, 0)),
            pl.BlockSpec((bn, NC), lambda j: (j, 0)),
            pl.BlockSpec((1, d), lambda j: (0, 0)),
            pl.BlockSpec((d, 1), lambda j: (0, 0)),
            pl.BlockSpec((1, 1), lambda j: (0, 0)),
        ],
        out_specs=pl.BlockSpec((bn, 1), lambda j: (j, 0)),
        out_shape=jax.ShapeDtypeStruct((n, 1), jnp.float32),
    )(sp, y, degt, b_conv2, W_reg, b_reg2)

    return out

# --- scband reference (transcript-rebuilt; emitter-appended) ---
"""Pipeline reference for scband-gcncox-model-1786706395457 (READ-ONLY COPY).

The authoritative reference and input builder live on the scoring server;
editing this copy changes nothing except your own understanding.
"""

import jax, jax.numpy as jnp
import numpy as np

N = 10000
E = 320000
D = 128


def setup_inputs(seed: int = 0) -> dict:
    key = jax.random.key(seed)
    k1, k2, k3, k4 = jax.random.split(key, 4)
    x = jax.random.normal(k1, (N, D), dtype=jnp.float32)
    edge_index = jax.random.randint(k2, (2, E), 0, N, dtype=jnp.int32)
    W_conv = jax.random.normal(k3, (D, D), dtype=jnp.float32) * 0.05
    b_conv = jnp.zeros((D,), dtype=jnp.float32)
    W_reg = jax.random.normal(k4, (D, 1), dtype=jnp.float32) * 0.05
    b_reg = jnp.zeros((1,), dtype=jnp.float32)
    return {"x": x, "edge_index": edge_index, "W_conv": W_conv, "b_conv": b_conv, "W_reg": W_reg, "b_reg": b_reg}


def reference(x, edge_index, W_conv, b_conv, W_reg, b_reg):
    n = x.shape[0]
    # GCNConv: add self-loops, symmetric normalization, linear transform, sum-aggregate
    loop = jnp.arange(n, dtype=edge_index.dtype)
    src = jnp.concatenate([edge_index[0], loop])
    dst = jnp.concatenate([edge_index[1], loop])
    deg = jnp.zeros((n,), dtype=x.dtype).at[dst].add(1.0)
    dinv = jnp.where(deg > 0, jax.lax.rsqrt(deg), 0.0)
    norm = dinv[src] * dinv[dst]
    xw = x @ W_conv
    msg = xw[src] * norm[:, None]
    agg = jnp.zeros_like(xw).at[dst].add(msg) + b_conv
    h = jax.nn.relu(agg)
    out = h @ W_reg + b_reg
    return out

if __name__ == "__main__":
    import jax
    _d = setup_inputs()
    print(jax.jit(kernel)(*tuple(_d.values())))

</pallas_src>

<mosaic_0001>
#map = affine_map<(d0, d1) -> (0, 0)>
#map1 = affine_map<(d0, d1) -> (0, 0, 0)>
module attributes {stable_mosaic.version = 14 : i64} {
  func.func @scat_k(%arg0: i32, %arg1: i32, %arg2: memref<10000x128xf32, #tpu.memory_space<hbm>>, %arg3: memref<32x80x128xi32, #tpu.memory_space<hbm>>, %arg4: memref<32x80x128xi32, #tpu.memory_space<hbm>>, %arg5: memref<128x128xf32, #tpu.memory_space<hbm>>, %arg6: memref<2x10112x128xf32, #tpu.memory_space<hbm>>, %arg7: memref<16x128xi32, #tpu.memory_space<vmem>>, %arg8: memref<16x128xi32, #tpu.memory_space<vmem>>, %arg9: memref<128x128xf32, #tpu.memory_space<vmem>>, %arg10: memref<128x128xf32, #tpu.memory_space<vmem>>, %arg11: memref<10112x128xf32, #tpu.memory_space<vmem_shared>>, %arg12: memref<!tpu.dma_semaphore, #tpu.memory_space<semaphore_mem>>, %arg13: memref<!tpu.dma_semaphore, #tpu.memory_space<semaphore_mem>>, %arg14: memref<!tpu.dma_semaphore, #tpu.memory_space<semaphore_mem>>, %arg15: memref<!tpu.dma_semaphore, #tpu.memory_space<semaphore_mem>>) attributes {dimension_semantics = [#tpu.dimension_semantics<core_parallel>, #tpu.dimension_semantics<subcore_parallel>], iteration_bounds = array<i64: 2, 16>, scalar_prefetch = 0 : i64, scratch_operands = 9 : i64, tpu.core_type = #tpu.core_type<sc_vector_subcore>, window_params = [{transform_indices = #map}, {transform_indices = #map1}, {transform_indices = #map1}, {transform_indices = #map}, {transform_indices = #map1}]} {
    %mul3A = arith.constant 2 : i32
    %mul3A_0 = arith.muli %arg1, %mul3A : i32
    %add3A = arith.addi %mul3A_0, %arg0 : i32
    %mul3A_1 = arith.constant 632 : i32
    %mul3A_2 = arith.muli %arg1, %mul3A_1 : i32
    "tpu.region"() ({
      %run_scoped3A = tpu.sem_alloc : memref<!tpu.dma_semaphore, #tpu.memory_space<semaphore_mem>>
      tpu.enqueue_dma source(%arg5 : memref<128x128xf32, #tpu.memory_space<hbm>>) target(%arg9 : memref<128x128xf32, #tpu.memory_space<vmem>>) target_semaphore(%run_scoped3A : memref<!tpu.dma_semaphore, #tpu.memory_space<semaphore_mem>>)
      tpu.wait_dma2 semaphore(%run_scoped3A : memref<!tpu.dma_semaphore, #tpu.memory_space<semaphore_mem>>) src(%arg5 : memref<128x128xf32, #tpu.memory_space<hbm>>) dst(%arg9 : memref<128x128xf32, #tpu.memory_space<vmem>>)
      tpu.yield
    }) : () -> ()
    %add3A_3 = arith.constant 0 : i32
    %add3A_4 = arith.addi %mul3A_2, %add3A_3 : i32
    "tpu.region"() ({
      %run_scoped3A = tpu.sem_alloc : memref<!tpu.dma_semaphore, #tpu.memory_space<semaphore_mem>>
      %dma_start3A = arith.constant 0 : i32
      %dma_start3A_39 = arith.constant 0 : i32
      %dma_start3A_40 = tpu.memref_slice %arg9[%dma_start3A, %dma_start3A_39] : memref<128x128xf32, #tpu.memory_space<vmem>> -> memref<128x128xf32, #tpu.memory_space<vmem>>
      %dma_start3A_41 = arith.constant 0 : i32
      %dma_start3A_42 = tpu.memref_slice %arg11[%add3A_4, %dma_start3A_41] : memref<10112x128xf32, #tpu.memory_space<vmem_shared>> -> memref<128x128xf32, #tpu.memory_space<vmem_shared>>
      %dma_start3A_43 = arith.constant 0 : i32
      %dma_start3A_44 = tpu.memref_slice %arg11[%add3A_4, %dma_start3A_43] : memref<10112x128xf32, #tpu.memory_space<vmem_shared>> -> memref<128x128xf32, #tpu.memory_space<vmem_shared>>
      %dma_start3A_45 = arith.constant 0 : i32
      %dma_start3A_46 = arith.constant 0 : i32
      %dma_start3A_47 = tpu.memref_slice %arg9[%dma_start3A_45, %dma_start3A_46] : memref<128x128xf32, #tpu.memory_space<vmem>> -> memref<128x128xf32, #tpu.memory_space<vmem>>
      tpu.enqueue_dma source(%dma_start3A_47 : memref<128x128xf32, #tpu.memory_space<vmem>>) target(%dma_start3A_44 : memref<128x128xf32, #tpu.memory_space<vmem_shared>>) target_semaphore(%run_scoped3A : memref<!tpu.dma_semaphore, #tpu.memory_space<semaphore_mem>>)
      %dma_wait3A = arith.constant 0 : i32
      %dma_wait3A_48 = arith.constant 0 : i32
      %dma_wait3A_49 = tpu.memref_slice %arg9[%dma_wait3A, %dma_wait3A_48] : memref<128x128xf32, #tpu.memory_space<vmem>> -> memref<128x128xf32, #tpu.memory_space<vmem>>
      %dma_wait3A_50 = arith.constant 0 : i32
      %dma_wait3A_51 = tpu.memref_slice %arg11[%add3A_4, %dma_wait3A_50] : memref<10112x128xf32, #tpu.memory_space<vmem_shared>> -> memref<128x128xf32, #tpu.memory_space<vmem_shared>>
      %dma_wait3A_52 = arith.constant 0 : i32
      %dma_wait3A_53 = tpu.memref_slice %arg11[%add3A_4, %dma_wait3A_52] : memref<10112x128xf32, #tpu.memory_space<vmem_shared>> -> memref<128x128xf32, #tpu.memory_space<vmem_shared>>
      %dma_wait3A_54 = arith.constant 0 : i32
      %dma_wait3A_55 = arith.constant 0 : i32
      %dma_wait3A_56 = tpu.memref_slice %arg9[%dma_wait3A_54, %dma_wait3A_55] : memref<128x128xf32, #tpu.memory_space<vmem>> -> memref<128x128xf32, #tpu.memory_space<vmem>>
      tpu.wait_dma2 semaphore(%run_scoped3A : memref<!tpu.dma_semaphore, #tpu.memory_space<semaphore_mem>>) src(%dma_wait3A_56 : memref<128x128xf32, #tpu.memory_space<vmem>>) dst(%dma_wait3A_53 : memref<128x128xf32, #tpu.memory_space<vmem_shared>>)
      tpu.yield
    }) : () -> ()
    %add3A_5 = arith.constant 128 : i32
    %add3A_6 = arith.addi %mul3A_2, %add3A_5 : i32
    "tpu.region"() ({
      %run_scoped3A = tpu.sem_alloc : memref<!tpu.dma_semaphore, #tpu.memory_space<semaphore_mem>>
      %dma_start3A = arith.constant 0 : i32
      %dma_start3A_39 = arith.constant 0 : i32
      %dma_start3A_40 = tpu.memref_slice %arg9[%dma_start3A, %dma_start3A_39] : memref<128x128xf32, #tpu.memory_space<vmem>> -> memref<128x128xf32, #tpu.memory_space<vmem>>
      %dma_start3A_41 = arith.constant 0 : i32
      %dma_start3A_42 = tpu.memref_slice %arg11[%add3A_6, %dma_start3A_41] : memref<10112x128xf32, #tpu.memory_space<vmem_shared>> -> memref<128x128xf32, #tpu.memory_space<vmem_shared>>
      %dma_start3A_43 = arith.constant 0 : i32
      %dma_start3A_44 = tpu.memref_slice %arg11[%add3A_6, %dma_start3A_43] : memref<10112x128xf32, #tpu.memory_space<vmem_shared>> -> memref<128x128xf32, #tpu.memory_space<vmem_shared>>
      %dma_start3A_45 = arith.constant 0 : i32
      %dma_start3A_46 = arith.constant 0 : i32
      %dma_start3A_47 = tpu.memref_slice %arg9[%dma_start3A_45, %dma_start3A_46] : memref<128x128xf32, #tpu.memory_space<vmem>> -> memref<128x128xf32, #tpu.memory_space<vmem>>
      tpu.enqueue_dma source(%dma_start3A_47 : memref<128x128xf32, #tpu.memory_space<vmem>>) target(%dma_start3A_44 : memref<128x128xf32, #tpu.memory_space<vmem_shared>>) target_semaphore(%run_scoped3A : memref<!tpu.dma_semaphore, #tpu.memory_space<semaphore_mem>>)
      %dma_wait3A = arith.constant 0 : i32
      %dma_wait3A_48 = arith.constant 0 : i32
      %dma_wait3A_49 = tpu.memref_slice %arg9[%dma_wait3A, %dma_wait3A_48] : memref<128x128xf32, #tpu.memory_space<vmem>> -> memref<128x128xf32, #tpu.memory_space<vmem>>
      %dma_wait3A_50 = arith.constant 0 : i32
      %dma_wait3A_51 = tpu.memref_slice %arg11[%add3A_6, %dma_wait3A_50] : memref<10112x128xf32, #tpu.memory_space<vmem_shared>> -> memref<128x128xf32, #tpu.memory_space<vmem_shared>>
      %dma_wait3A_52 = arith.constant 0 : i32
      %dma_wait3A_53 = tpu.memref_slice %arg11[%add3A_6, %dma_wait3A_52] : memref<10112x128xf32, #tpu.memory_space<vmem_shared>> -> memref<128x128xf32, #tpu.memory_space<vmem_shared>>
      %dma_wait3A_54 = arith.constant 0 : i32
      %dma_wait3A_55 = arith.constant 0 : i32
      %dma_wait3A_56 = tpu.memref_slice %arg9[%dma_wait3A_54, %dma_wait3A_55] : memref<128x128xf32, #tpu.memory_space<vmem>> -> memref<128x128xf32, #tpu.memory_space<vmem>>
      tpu.wait_dma2 semaphore(%run_scoped3A : memref<!tpu.dma_semaphore, #tpu.memory_space<semaphore_mem>>) src(%dma_wait3A_56 : memref<128x128xf32, #tpu.memory_space<vmem>>) dst(%dma_wait3A_53 : memref<128x128xf32, #tpu.memory_space<vmem_shared>>)
      tpu.yield
    }) : () -> ()
    %add3A_7 = arith.constant 256 : i32
    %add3A_8 = arith.addi %mul3A_2, %add3A_7 : i32
    "tpu.region"() ({
      %run_scoped3A = tpu.sem_alloc : memref<!tpu.dma_semaphore, #tpu.memory_space<semaphore_mem>>
      %dma_start3A = arith.constant 0 : i32
      %dma_start3A_39 = arith.constant 0 : i32
      %dma_start3A_40 = tpu.memref_slice %arg9[%dma_start3A, %dma_start3A_39] : memref<128x128xf32, #tpu.memory_space<vmem>> -> memref<128x128xf32, #tpu.memory_space<vmem>>
      %dma_start3A_41 = arith.constant 0 : i32
      %dma_start3A_42 = tpu.memref_slice %arg11[%add3A_8, %dma_start3A_41] : memref<10112x128xf32, #tpu.memory_space<vmem_shared>> -> memref<128x128xf32, #tpu.memory_space<vmem_shared>>
      %dma_start3A_43 = arith.constant 0 : i32
      %dma_start3A_44 = tpu.memref_slice %arg11[%add3A_8, %dma_start3A_43] : memref<10112x128xf32, #tpu.memory_space<vmem_shared>> -> memref<128x128xf32, #tpu.memory_space<vmem_shared>>
      %dma_start3A_45 = arith.constant 0 : i32
      %dma_start3A_46 = arith.constant 0 : i32
      %dma_start3A_47 = tpu.memref_slice %arg9[%dma_start3A_45, %dma_start3A_46] : memref<128x128xf32, #tpu.memory_space<vmem>> -> memref<128x128xf32, #tpu.memory_space<vmem>>
      tpu.enqueue_dma source(%dma_start3A_47 : memref<128x128xf32, #tpu.memory_space<vmem>>) target(%dma_start3A_44 : memref<128x128xf32, #tpu.memory_space<vmem_shared>>) target_semaphore(%run_scoped3A : memref<!tpu.dma_semaphore, #tpu.memory_space<semaphore_mem>>)
      %dma_wait3A = arith.constant 0 : i32
      %dma_wait3A_48 = arith.constant 0 : i32
      %dma_wait3A_49 = tpu.memref_slice %arg9[%dma_wait3A, %dma_wait3A_48] : memref<128x128xf32, #tpu.memory_space<vmem>> -> memref<128x128xf32, #tpu.memory_space<vmem>>
      %dma_wait3A_50 = arith.constant 0 : i32
      %dma_wait3A_51 = tpu.memref_slice %arg11[%add3A_8, %dma_wait3A_50] : memref<10112x128xf32, #tpu.memory_space<vmem_shared>> -> memref<128x128xf32, #tpu.memory_space<vmem_shared>>
      %dma_wait3A_52 = arith.constant 0 : i32
      %dma_wait3A_53 = tpu.memref_slice %arg11[%add3A_8, %dma_wait3A_52] : memref<10112x128xf32, #tpu.memory_space<vmem_shared>> -> memref<128x128xf32, #tpu.memory_space<vmem_shared>>
      %dma_wait3A_54 = arith.constant 0 : i32
      %dma_wait3A_55 = arith.constant 0 : i32
      %dma_wait3A_56 = tpu.memref_slice %arg9[%dma_wait3A_54, %dma_wait3A_55] : memref<128x128xf32, #tpu.memory_space<vmem>> -> memref<128x128xf32, #tpu.memory_space<vmem>>
      tpu.wait_dma2 semaphore(%run_scoped3A : memref<!tpu.dma_semaphore, #tpu.memory_space<semaphore_mem>>) src(%dma_wait3A_56 : memref<128x128xf32, #tpu.memory_space<vmem>>) dst(%dma_wait3A_53 : memref<128x128xf32, #tpu.memory_space<vmem_shared>>)
      tpu.yield
    }) : () -> ()
    %add3A_9 = arith.constant 384 : i32
    %add3A_10 = arith.addi %mul3A_2, %add3A_9 : i32
    "tpu.region"() ({
      %run_scoped3A = tpu.sem_alloc : memref<!tpu.dma_semaphore, #tpu.memory_space<semaphore_mem>>
      %dma_start3A = arith.constant 0 : i32
      %dma_start3A_39 = arith.constant 0 : i32
      %dma_start3A_40 = tpu.memref_slice %arg9[%dma_start3A, %dma_start3A_39] : memref<128x128xf32, #tpu.memory_space<vmem>> -> memref<128x128xf32, #tpu.memory_space<vmem>>
      %dma_start3A_41 = arith.constant 0 : i32
      %dma_start3A_42 = tpu.memref_slice %arg11[%add3A_10, %dma_start3A_41] : memref<10112x128xf32, #tpu.memory_space<vmem_shared>> -> memref<128x128xf32, #tpu.memory_space<vmem_shared>>
      %dma_start3A_43 = arith.constant 0 : i32
      %dma_start3A_44 = tpu.memref_slice %arg11[%add3A_10, %dma_start3A_43] : memref<10112x128xf32, #tpu.memory_space<vmem_shared>> -> memref<128x128xf32, #tpu.memory_space<vmem_shared>>
      %dma_start3A_45 = arith.constant 0 : i32
      %dma_start3A_46 = arith.constant 0 : i32
      %dma_start3A_47 = tpu.memref_slice %arg9[%dma_start3A_45, %dma_start3A_46] : memref<128x128xf32, #tpu.memory_space<vmem>> -> memref<128x128xf32, #tpu.memory_space<vmem>>
      tpu.enqueue_dma source(%dma_start3A_47 : memref<128x128xf32, #tpu.memory_space<vmem>>) target(%dma_start3A_44 : memref<128x128xf32, #tpu.memory_space<vmem_shared>>) target_semaphore(%run_scoped3A : memref<!tpu.dma_semaphore, #tpu.memory_space<semaphore_mem>>)
      %dma_wait3A = arith.constant 0 : i32
      %dma_wait3A_48 = arith.constant 0 : i32
      %dma_wait3A_49 = tpu.memref_slice %arg9[%dma_wait3A, %dma_wait3A_48] : memref<128x128xf32, #tpu.memory_space<vmem>> -> memref<128x128xf32, #tpu.memory_space<vmem>>
      %dma_wait3A_50 = arith.constant 0 : i32
      %dma_wait3A_51 = tpu.memref_slice %arg11[%add3A_10, %dma_wait3A_50] : memref<10112x128xf32, #tpu.memory_space<vmem_shared>> -> memref<128x128xf32, #tpu.memory_space<vmem_shared>>
      %dma_wait3A_52 = arith.constant 0 : i32
      %dma_wait3A_53 = tpu.memref_slice %arg11[%add3A_10, %dma_wait3A_52] : memref<10112x128xf32, #tpu.memory_space<vmem_shared>> -> memref<128x128xf32, #tpu.memory_space<vmem_shared>>
      %dma_wait3A_54 = arith.constant 0 : i32
      %dma_wait3A_55 = arith.constant 0 : i32
      %dma_wait3A_56 = tpu.memref_slice %arg9[%dma_wait3A_54, %dma_wait3A_55] : memref<128x128xf32, #tpu.memory_space<vmem>> -> memref<128x128xf32, #tpu.memory_space<vmem>>
      tpu.wait_dma2 semaphore(%run_scoped3A : memref<!tpu.dma_semaphore, #tpu.memory_space<semaphore_mem>>) src(%dma_wait3A_56 : memref<128x128xf32, #tpu.memory_space<vmem>>) dst(%dma_wait3A_53 : memref<128x128xf32, #tpu.memory_space<vmem_shared>>)
      tpu.yield
    }) : () -> ()
    %add3A_11 = arith.constant 512 : i32
    %add3A_12 = arith.addi %mul3A_2, %add3A_11 : i32
    "tpu.region"() ({
      %run_scoped3A = tpu.sem_alloc : memref<!tpu.dma_semaphore, #tpu.memory_space<semaphore_mem>>
      %dma_start3A = arith.constant 0 : i32
      %dma_start3A_39 = arith.constant 0 : i32
      %dma_start3A_40 = tpu.memref_slice %arg9[%dma_start3A, %dma_start3A_39] : memref<128x128xf32, #tpu.memory_space<vmem>> -> memref<120x128xf32, #tpu.memory_space<vmem>>
      %dma_start3A_41 = arith.constant 0 : i32
      %dma_start3A_42 = tpu.memref_slice %arg11[%add3A_12, %dma_start3A_41] : memref<10112x128xf32, #tpu.memory_space<vmem_shared>> -> memref<120x128xf32, #tpu.memory_space<vmem_shared>>
      %dma_start3A_43 = arith.constant 0 : i32
      %dma_start3A_44 = tpu.memref_slice %arg11[%add3A_12, %dma_start3A_43] : memref<10112x128xf32, #tpu.memory_space<vmem_shared>> -> memref<120x128xf32, #tpu.memory_space<vmem_shared>>
      %dma_start3A_45 = arith.constant 0 : i32
      %dma_start3A_46 = arith.constant 0 : i32
      %dma_start3A_47 = tpu.memref_slice %arg9[%dma_start3A_45, %dma_start3A_46] : memref<128x128xf32, #tpu.memory_space<vmem>> -> memref<120x128xf32, #tpu.memory_space<vmem>>
      tpu.enqueue_dma source(%dma_start3A_47 : memref<120x128xf32, #tpu.memory_space<vmem>>) target(%dma_start3A_44 : memref<120x128xf32, #tpu.memory_space<vmem_shared>>) target_semaphore(%run_scoped3A : memref<!tpu.dma_semaphore, #tpu.memory_space<semaphore_mem>>)
      %dma_wait3A = arith.constant 0 : i32
      %dma_wait3A_48 = arith.constant 0 : i32
      %dma_wait3A_49 = tpu.memref_slice %arg9[%dma_wait3A, %dma_wait3A_48] : memref<128x128xf32, #tpu.memory_space<vmem>> -> memref<120x128xf32, #tpu.memory_space<vmem>>
      %dma_wait3A_50 = arith.constant 0 : i32
      %dma_wait3A_51 = tpu.memref_slice %arg11[%add3A_12, %dma_wait3A_50] : memref<10112x128xf32, #tpu.memory_space<vmem_shared>> -> memref<120x128xf32, #tpu.memory_space<vmem_shared>>
      %dma_wait3A_52 = arith.constant 0 : i32
      %dma_wait3A_53 = tpu.memref_slice %arg11[%add3A_12, %dma_wait3A_52] : memref<10112x128xf32, #tpu.memory_space<vmem_shared>> -> memref<120x128xf32, #tpu.memory_space<vmem_shared>>
      %dma_wait3A_54 = arith.constant 0 : i32
      %dma_wait3A_55 = arith.constant 0 : i32
      %dma_wait3A_56 = tpu.memref_slice %arg9[%dma_wait3A_54, %dma_wait3A_55] : memref<128x128xf32, #tpu.memory_space<vmem>> -> memref<120x128xf32, #tpu.memory_space<vmem>>
      tpu.wait_dma2 semaphore(%run_scoped3A : memref<!tpu.dma_semaphore, #tpu.memory_space<semaphore_mem>>) src(%dma_wait3A_56 : memref<120x128xf32, #tpu.memory_space<vmem>>) dst(%dma_wait3A_53 : memref<120x128xf32, #tpu.memory_space<vmem_shared>>)
      tpu.yield
    }) : () -> ()
    %barrier3A = arith.constant 0 : index
    tpu.barrier barrier_id(%barrier3A)
    %scan3A = arith.constant 0 : i32
    %scan3A_13 = arith.constant 0 : i32
    %scan3A_14 = arith.constant 5 : i32
    %scan3A_15 = arith.addi %scan3A_13, %scan3A_14 : i32
    %scan3A_16 = arith.constant 1 : i32
    scf.for %scan3A_39 = %scan3A_13 to %scan3A_15 step %scan3A_16  : i32 {
      %mul3A_40 = arith.constant 16 : i32
      %mul3A_41 = arith.muli %scan3A_39, %mul3A_40 : i32
      "tpu.region"() ({
        %run_scoped3A = tpu.sem_alloc : memref<!tpu.dma_semaphore, #tpu.memory_space<semaphore_mem>>
        %dma_start3A_490 = arith.constant 0 : i32
        %dma_start3A_491 = tpu.memref_slice %arg3[%add3A, %mul3A_41, %dma_start3A_490] : memref<32x80x128xi32, #tpu.memory_space<hbm>> -> memref<1x16x128xi32, #tpu.memory_space<hbm>>
        %dma_start3A_492 = tpu.memref_squeeze %dma_start3A_491 : memref<1x16x128xi32, #tpu.memory_space<hbm>> -> memref<16x128xi32, #tpu.memory_space<hbm>>
        %dma_start3A_493 = arith.constant 0 : i32
        %dma_start3A_494 = tpu.memref_slice %arg3[%add3A, %mul3A_41, %dma_start3A_493] : memref<32x80x128xi32, #tpu.memory_space<hbm>> -> memref<1x16x128xi32, #tpu.memory_space<hbm>>
        %dma_start3A_495 = tpu.memref_squeeze %dma_start3A_494 : memref<1x16x128xi32, #tpu.memory_space<hbm>> -> memref<16x128xi32, #tpu.memory_space<hbm>>
        tpu.enqueue_dma source(%dma_start3A_495 : memref<16x128xi32, #tpu.memory_space<hbm>>) target(%arg7 : memref<16x128xi32, #tpu.memory_space<vmem>>) target_semaphore(%run_scoped3A : memref<!tpu.dma_semaphore, #tpu.memory_space<semaphore_mem>>)
        %dma_wait3A_496 = arith.constant 0 : i32
        %dma_wait3A_497 = tpu.memref_slice %arg3[%add3A, %mul3A_41, %dma_wait3A_496] : memref<32x80x128xi32, #tpu.memory_space<hbm>> -> memref<1x16x128xi32, #tpu.memory_space<hbm>>
        %dma_wait3A_498 = tpu.memref_squeeze %dma_wait3A_497 : memref<1x16x128xi32, #tpu.memory_space<hbm>> -> memref<16x128xi32, #tpu.memory_space<hbm>>
        %dma_wait3A_499 = arith.constant 0 : i32
        %dma_wait3A_500 = tpu.memref_slice %arg3[%add3A, %mul3A_41, %dma_wait3A_499] : memref<32x80x128xi32, #tpu.memory_space<hbm>> -> memref<1x16x128xi32, #tpu.memory_space<hbm>>
        %dma_wait3A_501 = tpu.memref_squeeze %dma_wait3A_500 : memref<1x16x128xi32, #tpu.memory_space<hbm>> -> memref<16x128xi32, #tpu.memory_space<hbm>>
        tpu.wait_dma2 semaphore(%run_scoped3A : memref<!tpu.dma_semaphore, #tpu.memory_space<semaphore_mem>>) src(%dma_wait3A_501 : memref<16x128xi32, #tpu.memory_space<hbm>>) dst(%arg7 : memref<16x128xi32, #tpu.memory_space<vmem>>)
        tpu.yield
      }) : () -> ()
      %mul3A_42 = arith.constant 16 : i32
      %mul3A_43 = arith.muli %scan3A_39, %mul3A_42 : i32
      "tpu.region"() ({
        %run_scoped3A = tpu.sem_alloc : memref<!tpu.dma_semaphore, #tpu.memory_space<semaphore_mem>>
        %dma_start3A_490 = arith.constant 0 : i32
        %dma_start3A_491 = tpu.memref_slice %arg4[%add3A, %mul3A_43, %dma_start3A_490] : memref<32x80x128xi32, #tpu.memory_space<hbm>> -> memref<1x16x128xi32, #tpu.memory_space<hbm>>
        %dma_start3A_492 = tpu.memref_squeeze %dma_start3A_491 : memref<1x16x128xi32, #tpu.memory_space<hbm>> -> memref<16x128xi32, #tpu.memory_space<hbm>>
        %dma_start3A_493 = arith.constant 0 : i32
        %dma_start3A_494 = tpu.memref_slice %arg4[%add3A, %mul3A_43, %dma_start3A_493] : memref<32x80x128xi32, #tpu.memory_space<hbm>> -> memref<1x16x128xi32, #tpu.memory_space<hbm>>
        %dma_start3A_495 = tpu.memref_squeeze %dma_start3A_494 : memref<1x16x128xi32, #tpu.memory_space<hbm>> -> memref<16x128xi32, #tpu.memory_space<hbm>>
        tpu.enqueue_dma source(%dma_start3A_495 : memref<16x128xi32, #tpu.memory_space<hbm>>) target(%arg8 : memref<16x128xi32, #tpu.memory_space<vmem>>) target_semaphore(%run_scoped3A : memref<!tpu.dma_semaphore, #tpu.memory_space<semaphore_mem>>)
        %dma_wait3A_496 = arith.constant 0 : i32
        %dma_wait3A_497 = tpu.memref_slice %arg4[%add3A, %mul3A_43, %dma_wait3A_496] : memref<32x80x128xi32, #tpu.memory_space<hbm>> -> memref<1x16x128xi32, #tpu.memory_space<hbm>>
        %dma_wait3A_498 = tpu.memref_squeeze %dma_wait3A_497 : memref<1x16x128xi32, #tpu.memory_space<hbm>> -> memref<16x128xi32, #tpu.memory_space<hbm>>
        %dma_wait3A_499 = arith.constant 0 : i32
        %dma_wait3A_500 = tpu.memref_slice %arg4[%add3A, %mul3A_43, %dma_wait3A_499] : memref<32x80x128xi32, #tpu.memory_space<hbm>> -> memref<1x16x128xi32, #tpu.memory_space<hbm>>
        %dma_wait3A_501 = tpu.memref_squeeze %dma_wait3A_500 : memref<1x16x128xi32, #tpu.memory_space<hbm>> -> memref<16x128xi32, #tpu.memory_space<hbm>>
        tpu.wait_dma2 semaphore(%run_scoped3A : memref<!tpu.dma_semaphore, #tpu.memory_space<semaphore_mem>>) src(%dma_wait3A_501 : memref<16x128xi32, #tpu.memory_space<hbm>>) dst(%arg8 : memref<16x128xi32, #tpu.memory_space<vmem>>)
        tpu.yield
      }) : () -> ()
      %dma_start3A = arith.constant 0 : i32
      %dma_start3A_44 = arith.constant 0 : i32
      %dma_start3A_45 = tpu.memref_slice %arg7[%dma_start3A, %dma_start3A_44] : memref<16x128xi32, #tpu.memory_space<vmem>> -> memref<1x128xi32, #tpu.memory_space<vmem>>
      %dma_start3A_46 = tpu.memref_squeeze %dma_start3A_45 : memref<1x128xi32, #tpu.memory_space<vmem>> -> memref<128xi32, #tpu.memory_space<vmem>>
      %dma_start3A_47 = arith.constant 0 : i32
      %dma_start3A_48 = arith.constant 0 : i32
      %dma_start3A_49 = tpu.memref_slice %arg2[%dma_start3A_47, %dma_start3A_48] : memref<10000x128xf32, #tpu.memory_space<hbm>> -> memref<10000x128xf32, #tpu.memory_space<hbm>>
      tpu.enqueue_indirect_dma source(%dma_start3A_49 : memref<10000x128xf32, #tpu.memory_space<hbm>>) target(%arg9 : memref<128x128xf32, #tpu.memory_space<vmem>>) offsets(%dma_start3A_46 : memref<128xi32, #tpu.memory_space<vmem>>) semaphore(%arg12 : memref<!tpu.dma_semaphore, #tpu.memory_space<semaphore_mem>>)
      %dma_start3A_50 = arith.constant 1 : i32
      %dma_start3A_51 = arith.constant 0 : i32
      %dma_start3A_52 = tpu.memref_slice %arg7[%dma_start3A_50, %dma_start3A_51] : memref<16x128xi32, #tpu.memory_space<vmem>> -> memref<1x128xi32, #tpu.memory_space<vmem>>
      %dma_start3A_53 = tpu.memref_squeeze %dma_start3A_52 : memref<1x128xi32, #tpu.memory_space<vmem>> -> memref<128xi32, #tpu.memory_space<vmem>>
      %dma_start3A_54 = arith.constant 0 : i32
      %dma_start3A_55 = arith.constant 0 : i32
      %dma_start3A_56 = tpu.memref_slice %arg2[%dma_start3A_54, %dma_start3A_55] : memref<10000x128xf32, #tpu.memory_space<hbm>> -> memref<10000x128xf32, #tpu.memory_space<hbm>>
      tpu.enqueue_indirect_dma source(%dma_start3A_56 : memref<10000x128xf32, #tpu.memory_space<hbm>>) target(%arg10 : memref<128x128xf32, #tpu.memory_space<vmem>>) offsets(%dma_start3A_53 : memref<128xi32, #tpu.memory_space<vmem>>) semaphore(%arg13 : memref<!tpu.dma_semaphore, #tpu.memory_space<semaphore_mem>>)
      %dma_wait3A = arith.constant 0 : i32
      %dma_wait3A_57 = arith.constant 0 : i32
      %dma_wait3A_58 = tpu.memref_slice %arg7[%dma_wait3A, %dma_wait3A_57] : memref<16x128xi32, #tpu.memory_space<vmem>> -> memref<1x128xi32, #tpu.memory_space<vmem>>
      %dma_wait3A_59 = tpu.memref_squeeze %dma_wait3A_58 : memref<1x128xi32, #tpu.memory_space<vmem>> -> memref<128xi32, #tpu.memory_space<vmem>>
      %dma_wait3A_60 = arith.constant 0 : i32
      %dma_wait3A_61 = arith.constant 0 : i32
      %dma_wait3A_62 = tpu.memref_slice %arg2[%dma_wait3A_60, %dma_wait3A_61] : memref<10000x128xf32, #tpu.memory_space<hbm>> -> memref<10000x128xf32, #tpu.memory_space<hbm>>
      tpu.wait_indirect_dma semaphore(%arg12 : memref<!tpu.dma_semaphore, #tpu.memory_space<semaphore_mem>>) src(%dma_wait3A_62 : memref<10000x128xf32, #tpu.memory_space<hbm>>) dst(%arg9 : memref<128x128xf32, #tpu.memory_space<vmem>>)
      %dma_start3A_63 = arith.constant 0 : i32
      %dma_start3A_64 = arith.constant 0 : i32
      %dma_start3A_65 = tpu.memref_slice %arg8[%dma_start3A_63, %dma_start3A_64] : memref<16x128xi32, #tpu.memory_space<vmem>> -> memref<1x128xi32, #tpu.memory_space<vmem>>
      %dma_start3A_66 = tpu.memref_squeeze %dma_start3A_65 : memref<1x128xi32, #tpu.memory_space<vmem>> -> memref<128xi32, #tpu.memory_space<vmem>>
      %dma_start3A_67 = arith.constant 0 : i32
      %dma_start3A_68 = arith.constant 0 : i32
      %dma_start3A_69 = tpu.memref_slice %arg11[%dma_start3A_67, %dma_start3A_68] : memref<10112x128xf32, #tpu.memory_space<vmem_shared>> -> memref<10112x128xf32, #tpu.memory_space<vmem_shared>>
      tpu.enqueue_indirect_dma source(%arg9 : memref<128x128xf32, #tpu.memory_space<vmem>>) target(%dma_start3A_69 : memref<10112x128xf32, #tpu.memory_space<vmem_shared>>) offsets(%dma_start3A_66 : memref<128xi32, #tpu.memory_space<vmem>>) semaphore(%arg14 : memref<!tpu.dma_semaphore, #tpu.memory_space<semaphore_mem>>) {add = true}
      %dma_wait3A_70 = arith.constant 0 : i32
      %dma_wait3A_71 = arith.constant 0 : i32
      %dma_wait3A_72 = tpu.memref_slice %arg8[%dma_wait3A_70, %dma_wait3A_71] : memref<16x128xi32, #tpu.memory_space<vmem>> -> memref<1x128xi32, #tpu.memory_space<vmem>>
      %dma_wait3A_73 = tpu.memref_squeeze %dma_wait3A_72 : memref<1x128xi32, #tpu.memory_space<vmem>> -> memref<128xi32, #tpu.memory_space<vmem>>
      %dma_wait3A_74 = arith.constant 0 : i32
      %dma_wait3A_75 = arith.constant 0 : i32
      %dma_wait3A_76 = tpu.memref_slice %arg11[%dma_wait3A_74, %dma_wait3A_75] : memref<10112x128xf32, #tpu.memory_space<vmem_shared>> -> memref<10112x128xf32, #tpu.memory_space<vmem_shared>>
      tpu.wait_indirect_dma semaphore(%arg14 : memref<!tpu.dma_semaphore, #tpu.memory_space<semaphore_mem>>) src(%arg9 : memref<128x128xf32, #tpu.memory_space<vmem>>) dst(%dma_wait3A_76 : memref<10112x128xf32, #tpu.memory_space<vmem_shared>>)
      %dma_start3A_77 = arith.constant 2 : i32
      %dma_start3A_78 = arith.constant 0 : i32
      %dma_start3A_79 = tpu.memref_slice %arg7[%dma_start3A_77, %dma_start3A_78] : memref<16x128xi32, #tpu.memory_space<vmem>> -> memref<1x128xi32, #tpu.memory_space<vmem>>
      %dma_start3A_80 = tpu.memref_squeeze %dma_start3A_79 : memref<1x128xi32, #tpu.memory_space<vmem>> -> memref<128xi32, #tpu.memory_space<vmem>>
      %dma_start3A_81 = arith.constant 0 : i32
      %dma_start3A_82 = arith.constant 0 : i32
      %dma_start3A_83 = tpu.memref_slice %arg2[%dma_start3A_81, %dma_start3A_82] : memref<10000x128xf32, #tpu.memory_space<hbm>> -> memref<10000x128xf32, #tpu.memory_space<hbm>>
      tpu.enqueue_indirect_dma source(%dma_start3A_83 : memref<10000x128xf32, #tpu.memory_space<hbm>>) target(%arg9 : memref<128x128xf32, #tpu.memory_space<vmem>>) offsets(%dma_start3A_80 : memref<128xi32, #tpu.memory_space<vmem>>) semaphore(%arg12 : memref<!tpu.dma_semaphore, #tpu.memory_space<semaphore_mem>>)
      %dma_wait3A_84 = arith.constant 1 : i32
      %dma_wait3A_85 = arith.constant 0 : i32
      %dma_wait3A_86 = tpu.memref_slice %arg7[%dma_wait3A_84, %dma_wait3A_85] : memref<16x128xi32, #tpu.memory_space<vmem>> -> memref<1x128xi32, #tpu.memory_space<vmem>>
      %dma_wait3A_87 = tpu.memref_squeeze %dma_wait3A_86 : memref<1x128xi32, #tpu.memory_space<vmem>> -> memref<128xi32, #tpu.memory_space<vmem>>
      %dma_wait3A_88 = arith.constant 0 : i32
      %dma_wait3A_89 = arith.constant 0 : i32
      %dma_wait3A_90 = tpu.memref_slice %arg2[%dma_wait3A_88, %dma_wait3A_89] : memref<10000x128xf32, #tpu.memory_space<hbm>> -> memref<10000x128xf32, #tpu.memory_space<hbm>>
      tpu.wait_indirect_dma semaphore(%arg13 : memref<!tpu.dma_semaphore, #tpu.memory_space<semaphore_mem>>) src(%dma_wait3A_90 : memref<10000x128xf32, #tpu.memory_space<hbm>>) dst(%arg10 : memref<128x128xf32, #tpu.memory_space<vmem>>)
      %dma_start3A_91 = arith.constant 1 : i32
      %dma_start3A_92 = arith.constant 0 : i32
      %dma_start3A_93 = tpu.memref_slice %arg8[%dma_start3A_91, %dma_start3A_92] : memref<16x128xi32, #tpu.memory_space<vmem>> -> memref<1x128xi32, #tpu.memory_space<vmem>>
      %dma_start3A_94 = tpu.memref_squeeze %dma_start3A_93 : memref<1x128xi32, #tpu.memory_space<vmem>> -> memref<128xi32, #tpu.memory_space<vmem>>
      %dma_start3A_95 = arith.constant 0 : i32
      %dma_start3A_96 = arith.constant 0 : i32
      %dma_start3A_97 = tpu.memref_slice %arg11[%dma_start3A_95, %dma_start3A_96] : memref<10112x128xf32, #tpu.memory_space<vmem_shared>> -> memref<10112x128xf32, #tpu.memory_space<vmem_shared>>
      tpu.enqueue_indirect_dma source(%arg10 : memref<128x128xf32, #tpu.memory_space<vmem>>) target(%dma_start3A_97 : memref<10112x128xf32, #tpu.memory_space<vmem_shared>>) offsets(%dma_start3A_94 : memref<128xi32, #tpu.memory_space<vmem>>) semaphore(%arg15 : memref<!tpu.dma_semaphore, #tpu.memory_space<semaphore_mem>>) {add = true}
      %dma_wait3A_98 = arith.constant 1 : i32
      %dma_wait3A_99 = arith.constant 0 : i32
      %dma_wait3A_100 = tpu.memref_slice %arg8[%dma_wait3A_98, %dma_wait3A_99] : memref<16x128xi32, #tpu.memory_space<vmem>> -> memref<1x128xi32, #tpu.memory_space<vmem>>
      %dma_wait3A_101 = tpu.memref_squeeze %dma_wait3A_100 : memref<1x128xi32, #tpu.memory_space<vmem>> -> memref<128xi32, #tpu.memory_space<vmem>>
      %dma_wait3A_102 = arith.constant 0 : i32
      %dma_wait3A_103 = arith.constant 0 : i32
      %dma_wait3A_104 = tpu.memref_slice %arg11[%dma_wait3A_102, %dma_wait3A_103] : memref<10112x128xf32, #tpu.memory_space<vmem_shared>> -> memref<10112x128xf32, #tpu.memory_space<vmem_shared>>
      tpu.wait_indirect_dma semaphore(%arg15 : memref<!tpu.dma_semaphore, #tpu.memory_space<semaphore_mem>>) src(%arg10 : memref<128x128xf32, #tpu.memory_space<vmem>>) dst(%dma_wait3A_104 : memref<10112x128xf32, #tpu.memory_space<vmem_shared>>)
      %dma_start3A_105 = arith.constant 3 : i32
      %dma_start3A_106 = arith.constant 0 : i32
      %dma_start3A_107 = tpu.memref_slice %arg7[%dma_start3A_105, %dma_start3A_106] : memref<16x128xi32, #tpu.memory_space<vmem>> -> memref<1x128xi32, #tpu.memory_space<vmem>>
      %dma_start3A_108 = tpu.memref_squeeze %dma_start3A_107 : memref<1x128xi32, #tpu.memory_space<vmem>> -> memref<128xi32, #tpu.memory_space<vmem>>
      %dma_start3A_109 = arith.constant 0 : i32
      %dma_start3A_110 = arith.constant 0 : i32
      %dma_start3A_111 = tpu.memref_slice %arg2[%dma_start3A_109, %dma_start3A_110] : memref<10000x128xf32, #tpu.memory_space<hbm>> -> memref<10000x128xf32, #tpu.memory_space<hbm>>
      tpu.enqueue_indirect_dma source(%dma_start3A_111 : memref<10000x128xf32, #tpu.memory_space<hbm>>) target(%arg10 : memref<128x128xf32, #tpu.memory_space<vmem>>) offsets(%dma_start3A_108 : memref<128xi32, #tpu.memory_space<vmem>>) semaphore(%arg13 : memref<!tpu.dma_semaphore, #tpu.memory_space<semaphore_mem>>)
      %dma_wait3A_112 = arith.constant 2 : i32
      %dma_wait3A_113 = arith.constant 0 : i32
      %dma_wait3A_114 = tpu.memref_slice %arg7[%dma_wait3A_112, %dma_wait3A_113] : memref<16x128xi32, #tpu.memory_space<vmem>> -> memref<1x128xi32, #tpu.memory_space<vmem>>
      %dma_wait3A_115 = tpu.memref_squeeze %dma_wait3A_114 : memref<1x128xi32, #tpu.memory_space<vmem>> -> memref<128xi32, #tpu.memory_space<vmem>>
      %dma_wait3A_116 = arith.constant 0 : i32
      %dma_wait3A_117 = arith.constant 0 : i32
      %dma_wait3A_118 = tpu.memref_slice %arg2[%dma_wait3A_116, %dma_wait3A_117] : memref<10000x128xf32, #tpu.memory_space<hbm>> -> memref<10000x128xf32, #tpu.memory_space<hbm>>
      tpu.wait_indirect_dma semaphore(%arg12 : memref<!tpu.dma_semaphore, #tpu.memory_space<semaphore_mem>>) src(%dma_wait3A_118 : memref<10000x128xf32, #tpu.memory_space<hbm>>) dst(%arg9 : memref<128x128xf32, #tpu.memory_space<vmem>>)
      %dma_start3A_119 = arith.constant 2 : i32
      %dma_start3A_120 = arith.constant 0 : i32
      %dma_start3A_121 = tpu.memref_slice %arg8[%dma_start3A_119, %dma_start3A_120] : memref<16x128xi32, #tpu.memory_space<vmem>> -> memref<1x128xi32, #tpu.memory_space<vmem>>
      %dma_start3A_122 = tpu.memref_squeeze %dma_start3A_121 : memref<1x128xi32, #tpu.memory_space<vmem>> -> memref<128xi32, #tpu.memory_space<vmem>>
      %dma_start3A_123 = arith.constant 0 : i32
      %dma_start3A_124 = arith.constant 0 : i32
      %dma_start3A_125 = tpu.memref_slice %arg11[%dma_start3A_123, %dma_start3A_124] : memref<10112x128xf32, #tpu.memory_space<vmem_shared>> -> memref<10112x128xf32, #tpu.memory_space<vmem_shared>>
      tpu.enqueue_indirect_dma source(%arg9 : memref<128x128xf32, #tpu.memory_space<vmem>>) target(%dma_start3A_125 : memref<10112x128xf32, #tpu.memory_space<vmem_shared>>) offsets(%dma_start3A_122 : memref<128xi32, #tpu.memory_space<vmem>>) semaphore(%arg14 : memref<!tpu.dma_semaphore, #tpu.memory_space<semaphore_mem>>) {add = true}
      %dma_wait3A_126 = arith.constant 2 : i32
      %dma_wait3A_127 = arith.constant 0 : i32
      %dma_wait3A_128 = tpu.memref_slice %arg8[%dma_wait3A_126, %dma_wait3A_127] : memref<16x128xi32, #tpu.memory_space<vmem>> -> memref<1x128xi32, #tpu.memory_space<vmem>>
      %dma_wait3A_129 = tpu.memref_squeeze %dma_wait3A_128 : memref<1x128xi32, #tpu.memory_space<vmem>> -> memref<128xi32, #tpu.memory_space<vmem>>
      %dma_wait3A_130 = arith.constant 0 : i32
      %dma_wait3A_131 = arith.constant 0 : i32
      %dma_wait3A_132 = tpu.memref_slice %arg11[%dma_wait3A_130, %dma_wait3A_131] : memref<10112x128xf32, #tpu.memory_space<vmem_shared>> -> memref<10112x128xf32, #tpu.memory_space<vmem_shared>>
      tpu.wait_indirect_dma semaphore(%arg14 : memref<!tpu.dma_semaphore, #tpu.memory_space<semaphore_mem>>) src(%arg9 : memref<128x128xf32, #tpu.memory_space<vmem>>) dst(%dma_wait3A_132 : memref<10112x128xf32, #tpu.memory_space<vmem_shared>>)
      %dma_start3A_133 = arith.constant 4 : i32
      %dma_start3A_134 = arith.constant 0 : i32
      %dma_start3A_135 = tpu.memref_slice %arg7[%dma_start3A_133, %dma_start3A_134] : memref<16x128xi32, #tpu.memory_space<vmem>> -> memref<1x128xi32, #tpu.memory_space<vmem>>
      %dma_start3A_136 = tpu.memref_squeeze %dma_start3A_135 : memref<1x128xi32, #tpu.memory_space<vmem>> -> memref<128xi32, #tpu.memory_space<vmem>>
      %dma_start3A_137 = arith.constant 0 : i32
      %dma_start3A_138 = arith.constant 0 : i32
      %dma_start3A_139 = tpu.memref_slice %arg2[%dma_start3A_137, %dma_start3A_138] : memref<10000x128xf32, #tpu.memory_space<hbm>> -> memref<10000x128xf32, #tpu.memory_space<hbm>>
      tpu.enqueue_indirect_dma source(%dma_start3A_139 : memref<10000x128xf32, #tpu.memory_space<hbm>>) target(%arg9 : memref<128x128xf32, #tpu.memory_space<vmem>>) offsets(%dma_start3A_136 : memref<128xi32, #tpu.memory_space<vmem>>) semaphore(%arg12 : memref<!tpu.dma_semaphore, #tpu.memory_space<semaphore_mem>>)
      %dma_wait3A_140 = arith.constant 3 : i32
      %dma_wait3A_141 = arith.constant 0 : i32
      %dma_wait3A_142 = tpu.memref_slice %arg7[%dma_wait3A_140, %dma_wait3A_141] : memref<16x128xi32, #tpu.memory_space<vmem>> -> memref<1x128xi32, #tpu.memory_space<vmem>>
      %dma_wait3A_143 = tpu.memref_squeeze %dma_wait3A_142 : memref<1x128xi32, #tpu.memory_space<vmem>> -> memref<128xi32, #tpu.memory_space<vmem>>
      %dma_wait3A_144 = arith.constant 0 : i32
      %dma_wait3A_145 = arith.constant 0 : i32
      %dma_wait3A_146 = tpu.memref_slice %arg2[%dma_wait3A_144, %dma_wait3A_145] : memref<10000x128xf32, #tpu.memory_space<hbm>> -> memref<10000x128xf32, #tpu.memory_space<hbm>>
      tpu.wait_indirect_dma semaphore(%arg13 : memref<!tpu.dma_semaphore, #tpu.memory_space<semaphore_mem>>) src(%dma_wait3A_146 : memref<10000x128xf32, #tpu.memory_space<hbm>>) dst(%arg10 : memref<128x128xf32, #tpu.memory_space<vmem>>)
      %dma_start3A_147 = arith.constant 3 : i32
      %dma_start3A_148 = arith.constant 0 : i32
      %dma_start3A_149 = tpu.memref_slice %arg8[%dma_start3A_147, %dma_start3A_148] : memref<16x128xi32, #tpu.memory_space<vmem>> -> memref<1x128xi32, #tpu.memory_space<vmem>>
      %dma_start3A_150 = tpu.memref_squeeze %dma_start3A_149 : memref<1x128xi32, #tpu.memory_space<vmem>> -> memref<128xi32, #tpu.memory_space<vmem>>
      %dma_start3A_151 = arith.constant 0 : i32
      %dma_start3A_152 = arith.constant 0 : i32
      %dma_start3A_153 = tpu.memref_slice %arg11[%dma_start3A_151, %dma_start3A_152] : memref<10112x128xf32, #tpu.memory_space<vmem_shared>> -> memref<10112x128xf32, #tpu.memory_space<vmem_shared>>
      tpu.enqueue_indirect_dma source(%arg10 : memref<128x128xf32, #tpu.memory_space<vmem>>) target(%dma_start3A_153 : memref<10112x128xf32, #tpu.memory_space<vmem_shared>>) offsets(%dma_start3A_150 : memref<128xi32, #tpu.memory_space<vmem>>) semaphore(%arg15 : memref<!tpu.dma_semaphore, #tpu.memory_space<semaphore_mem>>) {add = true}
      %dma_wait3A_154 = arith.constant 3 : i32
      %dma_wait3A_155 = arith.constant 0 : i32
      %dma_wait3A_156 = tpu.memref_slice %arg8[%dma_wait3A_154, %dma_wait3A_155] : memref<16x128xi32, #tpu.memory_space<vmem>> -> memref<1x128xi32, #tpu.memory_space<vmem>>
      %dma_wait3A_157 = tpu.memref_squeeze %dma_wait3A_156 : memref<1x128xi32, #tpu.memory_space<vmem>> -> memref<128xi32, #tpu.memory_space<vmem>>
      %dma_wait3A_158 = arith.constant 0 : i32
      %dma_wait3A_159 = arith.constant 0 : i32
      %dma_wait3A_160 = tpu.memref_slice %arg11[%dma_wait3A_158, %dma_wait3A_159] : memref<10112x128xf32, #tpu.memory_space<vmem_shared>> -> memref<10112x128xf32, #tpu.memory_space<vmem_shared>>
      tpu.wait_indirect_dma semaphore(%arg15 : memref<!tpu.dma_semaphore, #tpu.memory_space<semaphore_mem>>) src(%arg10 : memref<128x128xf32, #tpu.memory_space<vmem>>) dst(%dma_wait3A_160 : memref<10112x128xf32, #tpu.memory_space<vmem_shared>>)
      %dma_start3A_161 = arith.constant 5 : i32
      %dma_start3A_162 = arith.constant 0 : i32
      %dma_start3A_163 = tpu.memref_slice %arg7[%dma_start3A_161, %dma_start3A_162] : memref<16x128xi32, #tpu.memory_space<vmem>> -> memref<1x128xi32, #tpu.memory_space<vmem>>
      %dma_start3A_164 = tpu.memref_squeeze %dma_start3A_163 : memref<1x128xi32, #tpu.memory_space<vmem>> -> memref<128xi32, #tpu.memory_space<vmem>>
      %dma_start3A_165 = arith.constant 0 : i32
      %dma_start3A_166 = arith.constant 0 : i32
      %dma_start3A_167 = tpu.memref_slice %arg2[%dma_start3A_165, %dma_start3A_166] : memref<10000x128xf32, #tpu.memory_space<hbm>> -> memref<10000x128xf32, #tpu.memory_space<hbm>>
      tpu.enqueue_indirect_dma source(%dma_start3A_167 : memref<10000x128xf32, #tpu.memory_space<hbm>>) target(%arg10 : memref<128x128xf32, #tpu.memory_space<vmem>>) offsets(%dma_start3A_164 : memref<128xi32, #tpu.memory_space<vmem>>) semaphore(%arg13 : memref<!tpu.dma_semaphore, #tpu.memory_space<semaphore_mem>>)
      %dma_wait3A_168 = arith.constant 4 : i32
      %dma_wait3A_169 = arith.constant 0 : i32
      %dma_wait3A_170 = tpu.memref_slice %arg7[%dma_wait3A_168, %dma_wait3A_169] : memref<16x128xi32, #tpu.memory_space<vmem>> -> memref<1x128xi32, #tpu.memory_space<vmem>>
      %dma_wait3A_171 = tpu.memref_squeeze %dma_wait3A_170 : memref<1x128xi32, #tpu.memory_space<vmem>> -> memref<128xi32, #tpu.memory_space<vmem>>
      %dma_wait3A_172 = arith.constant 0 : i32
      %dma_wait3A_173 = arith.constant 0 : i32
      %dma_wait3A_174 = tpu.memref_slice %arg2[%dma_wait3A_172, %dma_wait3A_173] : memref<10000x128xf32, #tpu.memory_space<hbm>> -> memref<10000x128xf32, #tpu.memory_space<hbm>>
      tpu.wait_indirect_dma semaphore(%arg12 : memref<!tpu.dma_semaphore, #tpu.memory_space<semaphore_mem>>) src(%dma_wait3A_174 : memref<10000x128xf32, #tpu.memory_space<hbm>>) dst(%arg9 : memref<128x128xf32, #tpu.memory_space<vmem>>)
      %dma_start3A_175 = arith.constant 4 : i32
      %dma_start3A_176 = arith.constant 0 : i32
      %dma_start3A_177 = tpu.memref_slice %arg8[%dma_start3A_175, %dma_start3A_176] : memref<16x128xi32, #tpu.memory_space<vmem>> -> memref<1x128xi32, #tpu.memory_space<vmem>>
      %dma_start3A_178 = tpu.memref_squeeze %dma_start3A_177 : memref<1x128xi32, #tpu.memory_space<vmem>> -> memref<128xi32, #tpu.memory_space<vmem>>
      %dma_start3A_179 = arith.constant 0 : i32
      %dma_start3A_180 = arith.constant 0 : i32
      %dma_start3A_181 = tpu.memref_slice %arg11[%dma_start3A_179, %dma_start3A_180] : memref<10112x128xf32, #tpu.memory_space<vmem_shared>> -> memref<10112x128xf32, #tpu.memory_space<vmem_shared>>
      tpu.enqueue_indirect_dma source(%arg9 : memref<128x128xf32, #tpu.memory_space<vmem>>) target(%dma_start3A_181 : memref<10112x128xf32, #tpu.memory_space<vmem_shared>>) offsets(%dma_start3A_178 : memref<128xi32, #tpu.memory_space<vmem>>) semaphore(%arg14 : memref<!tpu.dma_semaphore, #tpu.memory_space<semaphore_mem>>) {add = true}
      %dma_wait3A_182 = arith.constant 4 : i32
      %dma_wait3A_183 = arith.constant 0 : i32
      %dma_wait3A_184 = tpu.memref_slice %arg8[%dma_wait3A_182, %dma_wait3A_183] : memref<16x128xi32, #tpu.memory_space<vmem>> -> memref<1x128xi32, #tpu.memory_space<vmem>>
      %dma_wait3A_185 = tpu.memref_squeeze %dma_wait3A_184 : memref<1x128xi32, #tpu.memory_space<vmem>> -> memref<128xi32, #tpu.memory_space<vmem>>
      %dma_wait3A_186 = arith.constant 0 : i32
      %dma_wait3A_187 = arith.constant 0 : i32
      %dma_wait3A_188 = tpu.memref_slice %arg11[%dma_wait3A_186, %dma_wait3A_187] : memref<10112x128xf32, #tpu.memory_space<vmem_shared>> -> memref<10112x128xf32, #tpu.memory_space<vmem_shared>>
      tpu.wait_indirect_dma semaphore(%arg14 : memref<!tpu.dma_semaphore, #tpu.memory_space<semaphore_mem>>) src(%arg9 : memref<128x128xf32, #tpu.memory_space<vmem>>) dst(%dma_wait3A_188 : memref<10112x128xf32, #tpu.memory_space<vmem_shared>>)
      %dma_start3A_189 = arith.constant 6 : i32
      %dma_start3A_190 = arith.constant 0 : i32
      %dma_start3A_191 = tpu.memref_slice %arg7[%dma_start3A_189, %dma_start3A_190] : memref<16x128xi32, #tpu.memory_space<vmem>> -> memref<1x128xi32, #tpu.memory_space<vmem>>
      %dma_start3A_192 = tpu.memref_squeeze %dma_start3A_191 : memref<1x128xi32, #tpu.memory_space<vmem>> -> memref<128xi32, #tpu.memory_space<vmem>>
      %dma_start3A_193 = arith.constant 0 : i32
      %dma_start3A_194 = arith.constant 0 : i32
      %dma_start3A_195 = tpu.memref_slice %arg2[%dma_start3A_193, %dma_start3A_194] : memref<10000x128xf32, #tpu.memory_space<hbm>> -> memref<10000x128xf32, #tpu.memory_space<hbm>>
      tpu.enqueue_indirect_dma source(%dma_start3A_195 : memref<10000x128xf32, #tpu.memory_space<hbm>>) target(%arg9 : memref<128x128xf32, #tpu.memory_space<vmem>>) offsets(%dma_start3A_192 : memref<128xi32, #tpu.memory_space<vmem>>) semaphore(%arg12 : memref<!tpu.dma_semaphore, #tpu.memory_space<semaphore_mem>>)
      %dma_wait3A_196 = arith.constant 5 : i32
      %dma_wait3A_197 = arith.constant 0 : i32
      %dma_wait3A_198 = tpu.memref_slice %arg7[%dma_wait3A_196, %dma_wait3A_197] : memref<16x128xi32, #tpu.memory_space<vmem>> -> memref<1x128xi32, #tpu.memory_space<vmem>>
      %dma_wait3A_199 = tpu.memref_squeeze %dma_wait3A_198 : memref<1x128xi32, #tpu.memory_space<vmem>> -> memref<128xi32, #tpu.memory_space<vmem>>
      %dma_wait3A_200 = arith.constant 0 : i32
      %dma_wait3A_201 = arith.constant 0 : i32
      %dma_wait3A_202 = tpu.memref_slice %arg2[%dma_wait3A_200, %dma_wait3A_201] : memref<10000x128xf32, #tpu.memory_space<hbm>> -> memref<10000x128xf32, #tpu.memory_space<hbm>>
      tpu.wait_indirect_dma semaphore(%arg13 : memref<!tpu.dma_semaphore, #tpu.memory_space<semaphore_mem>>) src(%dma_wait3A_202 : memref<10000x128xf32, #tpu.memory_space<hbm>>) dst(%arg10 : memref<128x128xf32, #tpu.memory_space<vmem>>)
      %dma_start3A_203 = arith.constant 5 : i32
      %dma_start3A_204 = arith.constant 0 : i32
      %dma_start3A_205 = tpu.memref_slice %arg8[%dma_start3A_203, %dma_start3A_204] : memref<16x128xi32, #tpu.memory_space<vmem>> -> memref<1x128xi32, #tpu.memory_space<vmem>>
      %dma_start3A_206 = tpu.memref_squeeze %dma_start3A_205 : memref<1x128xi32, #tpu.memory_space<vmem>> -> memref<128xi32, #tpu.memory_space<vmem>>
      %dma_start3A_207 = arith.constant 0 : i32
      %dma_start3A_208 = arith.constant 0 : i32
      %dma_start3A_209 = tpu.memref_slice %arg11[%dma_start3A_207, %dma_start3A_208] : memref<10112x128xf32, #tpu.memory_space<vmem_shared>> -> memref<10112x128xf32, #tpu.memory_space<vmem_shared>>
      tpu.enqueue_indirect_dma source(%arg10 : memref<128x128xf32, #tpu.memory_space<vmem>>) target(%dma_start3A_209 : memref<10112x128xf32, #tpu.memory_space<vmem_shared>>) offsets(%dma_start3A_206 : memref<128xi32, #tpu.memory_space<vmem>>) semaphore(%arg15 : memref<!tpu.dma_semaphore, #tpu.memory_space<semaphore_mem>>) {add = true}
      %dma_wait3A_210 = arith.constant 5 : i32
      %dma_wait3A_211 = arith.constant 0 : i32
      %dma_wait3A_212 = tpu.memref_slice %arg8[%dma_wait3A_210, %dma_wait3A_211] : memref<16x128xi32, #tpu.memory_space<vmem>> -> memref<1x128xi32, #tpu.memory_space<vmem>>
      %dma_wait3A_213 = tpu.memref_squeeze %dma_wait3A_212 : memref<1x128xi32, #tpu.memory_space<vmem>> -> memref<128xi32, #tpu.memory_space<vmem>>
      %dma_wait3A_214 = arith.constant 0 : i32
      %dma_wait3A_215 = arith.constant 0 : i32
      %dma_wait3A_216 = tpu.memref_slice %arg11[%dma_wait3A_214, %dma_wait3A_215] : memref<10112x128xf32, #tpu.memory_space<vmem_shared>> -> memref<10112x128xf32, #tpu.memory_space<vmem_shared>>
      tpu.wait_indirect_dma semaphore(%arg15 : memref<!tpu.dma_semaphore, #tpu.memory_space<semaphore_mem>>) src(%arg10 : memref<128x128xf32, #tpu.memory_space<vmem>>) dst(%dma_wait3A_216 : memref<10112x128xf32, #tpu.memory_space<vmem_shared>>)
      %dma_start3A_217 = arith.constant 7 : i32
      %dma_start3A_218 = arith.constant 0 : i32
      %dma_start3A_219 = tpu.memref_slice %arg7[%dma_start3A_217, %dma_start3A_218] : memref<16x128xi32, #tpu.memory_space<vmem>> -> memref<1x128xi32, #tpu.memory_space<vmem>>
      %dma_start3A_220 = tpu.memref_squeeze %dma_start3A_219 : memref<1x128xi32, #tpu.memory_space<vmem>> -> memref<128xi32, #tpu.memory_space<vmem>>
      %dma_start3A_221 = arith.constant 0 : i32
      %dma_start3A_222 = arith.constant 0 : i32
      %dma_start3A_223 = tpu.memref_slice %arg2[%dma_start3A_221, %dma_start3A_222] : memref<10000x128xf32, #tpu.memory_space<hbm>> -> memref<10000x128xf32, #tpu.memory_space<hbm>>
      tpu.enqueue_indirect_dma source(%dma_start3A_223 : memref<10000x128xf32, #tpu.memory_space<hbm>>) target(%arg10 : memref<128x128xf32, #tpu.memory_space<vmem>>) offsets(%dma_start3A_220 : memref<128xi32, #tpu.memory_space<vmem>>) semaphore(%arg13 : memref<!tpu.dma_semaphore, #tpu.memory_space<semaphore_mem>>)
      %dma_wait3A_224 = arith.constant 6 : i32
      %dma_wait3A_225 = arith.constant 0 : i32
      %dma_wait3A_226 = tpu.memref_slice %arg7[%dma_wait3A_224, %dma_wait3A_225] : memref<16x128xi32, #tpu.memory_space<vmem>> -> memref<1x128xi32, #tpu.memory_space<vmem>>
      %dma_wait3A_227 = tpu.memref_squeeze %dma_wait3A_226 : memref<1x128xi32, #tpu.memory_space<vmem>> -> memref<128xi32, #tpu.memory_space<vmem>>
      %dma_wait3A_228 = arith.constant 0 : i32
      %dma_wait3A_229 = arith.constant 0 : i32
      %dma_wait3A_230 = tpu.memref_slice %arg2[%dma_wait3A_228, %dma_wait3A_229] : memref<10000x128xf32, #tpu.memory_space<hbm>> -> memref<10000x128xf32, #tpu.memory_space<hbm>>
      tpu.wait_indirect_dma semaphore(%arg12 : memref<!tpu.dma_semaphore, #tpu.memory_space<semaphore_mem>>) src(%dma_wait3A_230 : memref<10000x128xf32, #tpu.memory_space<hbm>>) dst(%arg9 : memref<128x128xf32, #tpu.memory_space<vmem>>)
      %dma_start3A_231 = arith.constant 6 : i32
      %dma_start3A_232 = arith.constant 0 : i32
      %dma_start3A_233 = tpu.memref_slice %arg8[%dma_start3A_231, %dma_start3A_232] : memref<16x128xi32, #tpu.memory_space<vmem>> -> memref<1x128xi32, #tpu.memory_space<vmem>>
      %dma_start3A_234 = tpu.memref_squeeze %dma_start3A_233 : memref<1x128xi32, #tpu.memory_space<vmem>> -> memref<128xi32, #tpu.memory_space<vmem>>
      %dma_start3A_235 = arith.constant 0 : i32
      %dma_start3A_236 = arith.constant 0 : i32
      %dma_start3A_237 = tpu.memref_slice %arg11[%dma_start3A_235, %dma_start3A_236] : memref<10112x128xf32, #tpu.memory_space<vmem_shared>> -> memref<10112x128xf32, #tpu.memory_space<vmem_shared>>
      tpu.enqueue_indirect_dma source(%arg9 : memref<128x128xf32, #tpu.memory_space<vmem>>) target(%dma_start3A_237 : memref<10112x128xf32, #tpu.memory_space<vmem_shared>>) offsets(%dma_start3A_234 : memref<128xi32, #tpu.memory_space<vmem>>) semaphore(%arg14 : memref<!tpu.dma_semaphore, #tpu.memory_space<semaphore_mem>>) {add = true}
      %dma_wait3A_238 = arith.constant 6 : i32
      %dma_wait3A_239 = arith.constant 0 : i32
      %dma_wait3A_240 = tpu.memref_slice %arg8[%dma_wait3A_238, %dma_wait3A_239] : memref<16x128xi32, #tpu.memory_space<vmem>> -> memref<1x128xi32, #tpu.memory_space<vmem>>
      %dma_wait3A_241 = tpu.memref_squeeze %dma_wait3A_240 : memref<1x128xi32, #tpu.memory_space<vmem>> -> memref<128xi32, #tpu.memory_space<vmem>>
      %dma_wait3A_242 = arith.constant 0 : i32
      %dma_wait3A_243 = arith.constant 0 : i32
      %dma_wait3A_244 = tpu.memref_slice %arg11[%dma_wait3A_242, %dma_wait3A_243] : memref<10112x128xf32, #tpu.memory_space<vmem_shared>> -> memref<10112x128xf32, #tpu.memory_space<vmem_shared>>
      tpu.wait_indirect_dma semaphore(%arg14 : memref<!tpu.dma_semaphore, #tpu.memory_space<semaphore_mem>>) src(%arg9 : memref<128x128xf32, #tpu.memory_space<vmem>>) dst(%dma_wait3A_244 : memref<10112x128xf32, #tpu.memory_space<vmem_shared>>)
      %dma_start3A_245 = arith.constant 8 : i32
      %dma_start3A_246 = arith.constant 0 : i32
      %dma_start3A_247 = tpu.memref_slice %arg7[%dma_start3A_245, %dma_start3A_246] : memref<16x128xi32, #tpu.memory_space<vmem>> -> memref<1x128xi32, #tpu.memory_space<vmem>>
      %dma_start3A_248 = tpu.memref_squeeze %dma_start3A_247 : memref<1x128xi32, #tpu.memory_space<vmem>> -> memref<128xi32, #tpu.memory_space<vmem>>
      %dma_start3A_249 = arith.constant 0 : i32
      %dma_start3A_250 = arith.constant 0 : i32
      %dma_start3A_251 = tpu.memref_slice %arg2[%dma_start3A_249, %dma_start3A_250] : memref<10000x128xf32, #tpu.memory_space<hbm>> -> memref<10000x128xf32, #tpu.memory_space<hbm>>
      tpu.enqueue_indirect_dma source(%dma_start3A_251 : memref<10000x128xf32, #tpu.memory_space<hbm>>) target(%arg9 : memref<128x128xf32, #tpu.memory_space<vmem>>) offsets(%dma_start3A_248 : memref<128xi32, #tpu.memory_space<vmem>>) semaphore(%arg12 : memref<!tpu.dma_semaphore, #tpu.memory_space<semaphore_mem>>)
      %dma_wait3A_252 = arith.constant 7 : i32
      %dma_wait3A_253 = arith.constant 0 : i32
      %dma_wait3A_254 = tpu.memref_slice %arg7[%dma_wait3A_252, %dma_wait3A_253] : memref<16x128xi32, #tpu.memory_space<vmem>> -> memref<1x128xi32, #tpu.memory_space<vmem>>
      %dma_wait3A_255 = tpu.memref_squeeze %dma_wait3A_254 : memref<1x128xi32, #tpu.memory_space<vmem>> -> memref<128xi32, #tpu.memory_space<vmem>>
      %dma_wait3A_256 = arith.constant 0 : i32
      %dma_wait3A_257 = arith.constant 0 : i32
      %dma_wait3A_258 = tpu.memref_slice %arg2[%dma_wait3A_256, %dma_wait3A_257] : memref<10000x128xf32, #tpu.memory_space<hbm>> -> memref<10000x128xf32, #tpu.memory_space<hbm>>
      tpu.wait_indirect_dma semaphore(%arg13 : memref<!tpu.dma_semaphore, #tpu.memory_space<semaphore_mem>>) src(%dma_wait3A_258 : memref<10000x128xf32, #tpu.memory_space<hbm>>) dst(%arg10 : memref<128x128xf32, #tpu.memory_space<vmem>>)
      %dma_start3A_259 = arith.constant 7 : i32
      %dma_start3A_260 = arith.constant 0 : i32
      %dma_start3A_261 = tpu.memref_slice %arg8[%dma_start3A_259, %dma_start3A_260] : memref<16x128xi32, #tpu.memory_space<vmem>> -> memref<1x128xi32, #tpu.memory_space<vmem>>
      %dma_start3A_262 = tpu.memref_squeeze %dma_start3A_261 : memref<1x128xi32, #tpu.memory_space<vmem>> -> memref<128xi32, #tpu.memory_space<vmem>>
      %dma_start3A_263 = arith.constant 0 : i32
      %dma_start3A_264 = arith.constant 0 : i32
      %dma_start3A_265 = tpu.memref_slice %arg11[%dma_start3A_263, %dma_start3A_264] : memref<10112x128xf32, #tpu.memory_space<vmem_shared>> -> memref<10112x128xf32, #tpu.memory_space<vmem_shared>>
      tpu.enqueue_indirect_dma source(%arg10 : memref<128x128xf32, #tpu.memory_space<vmem>>) target(%dma_start3A_265 : memref<10112x128xf32, #tpu.memory_space<vmem_shared>>) offsets(%dma_start3A_262 : memref<128xi32, #tpu.memory_space<vmem>>) semaphore(%arg15 : memref<!tpu.dma_semaphore, #tpu.memory_space<semaphore_mem>>) {add = true}
      %dma_wait3A_266 = arith.constant 7 : i32
      %dma_wait3A_267 = arith.constant 0 : i32
      %dma_wait3A_268 = tpu.memref_slice %arg8[%dma_wait3A_266, %dma_wait3A_267] : memref<16x128xi32, #tpu.memory_space<vmem>> -> memref<1x128xi32, #tpu.memory_space<vmem>>
      %dma_wait3A_269 = tpu.memref_squeeze %dma_wait3A_268 : memref<1x128xi32, #tpu.memory_space<vmem>> -> memref<128xi32, #tpu.memory_space<vmem>>
      %dma_wait3A_270 = arith.constant 0 : i32
      %dma_wait3A_271 = arith.constant 0 : i32
      %dma_wait3A_272 = tpu.memref_slice %arg11[%dma_wait3A_270, %dma_wait3A_271] : memref<10112x128xf32, #tpu.memory_space<vmem_shared>> -> memref<10112x128xf32, #tpu.memory_space<vmem_shared>>
      tpu.wait_indirect_dma semaphore(%arg15 : memref<!tpu.dma_semaphore, #tpu.memory_space<semaphore_mem>>) src(%arg10 : memref<128x128xf32, #tpu.memory_space<vmem>>) dst(%dma_wait3A_272 : memref<10112x128xf32, #tpu.memory_space<vmem_shared>>)
      %dma_start3A_273 = arith.constant 9 : i32
      %dma_start3A_274 = arith.constant 0 : i32
      %dma_start3A_275 = tpu.memref_slice %arg7[%dma_start3A_273, %dma_start3A_274] : memref<16x128xi32, #tpu.memory_space<vmem>> -> memref<1x128xi32, #tpu.memory_space<vmem>>
      %dma_start3A_276 = tpu.memref_squeeze %dma_start3A_275 : memref<1x128xi32, #tpu.memory_space<vmem>> -> memref<128xi32, #tpu.memory_space<vmem>>
      %dma_start3A_277 = arith.constant 0 : i32
      %dma_start3A_278 = arith.constant 0 : i32
      %dma_start3A_279 = tpu.memref_slice %arg2[%dma_start3A_277, %dma_start3A_278] : memref<10000x128xf32, #tpu.memory_space<hbm>> -> memref<10000x128xf32, #tpu.memory_space<hbm>>
      tpu.enqueue_indirect_dma source(%dma_start3A_279 : memref<10000x128xf32, #tpu.memory_space<hbm>>) target(%arg10 : memref<128x128xf32, #tpu.memory_space<vmem>>) offsets(%dma_start3A_276 : memref<128xi32, #tpu.memory_space<vmem>>) semaphore(%arg13 : memref<!tpu.dma_semaphore, #tpu.memory_space<semaphore_mem>>)
      %dma_wait3A_280 = arith.constant 8 : i32
      %dma_wait3A_281 = arith.constant 0 : i32
      %dma_wait3A_282 = tpu.memref_slice %arg7[%dma_wait3A_280, %dma_wait3A_281] : memref<16x128xi32, #tpu.memory_space<vmem>> -> memref<1x128xi32, #tpu.memory_space<vmem>>
      %dma_wait3A_283 = tpu.memref_squeeze %dma_wait3A_282 : memref<1x128xi32, #tpu.memory_space<vmem>> -> memref<128xi32, #tpu.memory_space<vmem>>
      %dma_wait3A_284 = arith.constant 0 : i32
      %dma_wait3A_285 = arith.constant 0 : i32
      %dma_wait3A_286 = tpu.memref_slice %arg2[%dma_wait3A_284, %dma_wait3A_285] : memref<10000x128xf32, #tpu.memory_space<hbm>> -> memref<10000x128xf32, #tpu.memory_space<hbm>>
      tpu.wait_indirect_dma semaphore(%arg12 : memref<!tpu.dma_semaphore, #tpu.memory_space<semaphore_mem>>) src(%dma_wait3A_286 : memref<10000x128xf32, #tpu.memory_space<hbm>>) dst(%arg9 : memref<128x128xf32, #tpu.memory_space<vmem>>)
      %dma_start3A_287 = arith.constant 8 : i32
      %dma_start3A_288 = arith.constant 0 : i32
      %dma_start3A_289 = tpu.memref_slice %arg8[%dma_start3A_287, %dma_start3A_288] : memref<16x128xi32, #tpu.memory_space<vmem>> -> memref<1x128xi32, #tpu.memory_space<vmem>>
      %dma_start3A_290 = tpu.memref_squeeze %dma_start3A_289 : memref<1x128xi32, #tpu.memory_space<vmem>> -> memref<128xi32, #tpu.memory_space<vmem>>
      %dma_start3A_291 = arith.constant 0 : i32
      %dma_start3A_292 = arith.constant 0 : i32
      %dma_start3A_293 = tpu.memref_slice %arg11[%dma_start3A_291, %dma_start3A_292] : memref<10112x128xf32, #tpu.memory_space<vmem_shared>> -> memref<10112x128xf32, #tpu.memory_space<vmem_shared>>
      tpu.enqueue_indirect_dma source(%arg9 : memref<128x128xf32, #tpu.memory_space<vmem>>) target(%dma_start3A_293 : memref<10112x128xf32, #tpu.memory_space<vmem_shared>>) offsets(%dma_start3A_290 : memref<128xi32, #tpu.memory_space<vmem>>) semaphore(%arg14 : memref<!tpu.dma_semaphore, #tpu.memory_space<semaphore_mem>>) {add = true}
      %dma_wait3A_294 = arith.constant 8 : i32
      %dma_wait3A_295 = arith.constant 0 : i32
      %dma_wait3A_296 = tpu.memref_slice %arg8[%dma_wait3A_294, %dma_wait3A_295] : memref<16x128xi32, #tpu.memory_space<vmem>> -> memref<1x128xi32, #tpu.memory_space<vmem>>
      %dma_wait3A_297 = tpu.memref_squeeze %dma_wait3A_296 : memref<1x128xi32, #tpu.memory_space<vmem>> -> memref<128xi32, #tpu.memory_space<vmem>>
      %dma_wait3A_298 = arith.constant 0 : i32
      %dma_wait3A_299 = arith.constant 0 : i32
      %dma_wait3A_300 = tpu.memref_slice %arg11[%dma_wait3A_298, %dma_wait3A_299] : memref<10112x128xf32, #tpu.memory_space<vmem_shared>> -> memref<10112x128xf32, #tpu.memory_space<vmem_shared>>
      tpu.wait_indirect_dma semaphore(%arg14 : memref<!tpu.dma_semaphore, #tpu.memory_space<semaphore_mem>>) src(%arg9 : memref<128x128xf32, #tpu.memory_space<vmem>>) dst(%dma_wait3A_300 : memref<10112x128xf32, #tpu.memory_space<vmem_shared>>)
      %dma_start3A_301 = arith.constant 10 : i32
      %dma_start3A_302 = arith.constant 0 : i32
      %dma_start3A_303 = tpu.memref_slice %arg7[%dma_start3A_301, %dma_start3A_302] : memref<16x128xi32, #tpu.memory_space<vmem>> -> memref<1x128xi32, #tpu.memory_space<vmem>>
      %dma_start3A_304 = tpu.memref_squeeze %dma_start3A_303 : memref<1x128xi32, #tpu.memory_space<vmem>> -> memref<128xi32, #tpu.memory_space<vmem>>
      %dma_start3A_305 = arith.constant 0 : i32
      %dma_start3A_306 = arith.constant 0 : i32
      %dma_start3A_307 = tpu.memref_slice %arg2[%dma_start3A_305, %dma_start3A_306] : memref<10000x128xf32, #tpu.memory_space<hbm>> -> memref<10000x128xf32, #tpu.memory_space<hbm>>
      tpu.enqueue_indirect_dma source(%dma_start3A_307 : memref<10000x128xf32, #tpu.memory_space<hbm>>) target(%arg9 : memref<128x128xf32, #tpu.memory_space<vmem>>) offsets(%dma_start3A_304 : memref<128xi32, #tpu.memory_space<vmem>>) semaphore(%arg12 : memref<!tpu.dma_semaphore, #tpu.memory_space<semaphore_mem>>)
      %dma_wait3A_308 = arith.constant 9 : i32
      %dma_wait3A_309 = arith.constant 0 : i32
      %dma_wait3A_310 = tpu.memref_slice %arg7[%dma_wait3A_308, %dma_wait3A_309] : memref<16x128xi32, #tpu.memory_space<vmem>> -> memref<1x128xi32, #tpu.memory_space<vmem>>
      %dma_wait3A_311 = tpu.memref_squeeze %dma_wait3A_310 : memref<1x128xi32, #tpu.memory_space<vmem>> -> memref<128xi32, #tpu.memory_space<vmem>>
      %dma_wait3A_312 = arith.constant 0 : i32
      %dma_wait3A_313 = arith.constant 0 : i32
      %dma_wait3A_314 = tpu.memref_slice %arg2[%dma_wait3A_312, %dma_wait3A_313] : memref<10000x128xf32, #tpu.memory_space<hbm>> -> memref<10000x128xf32, #tpu.memory_space<hbm>>
      tpu.wait_indirect_dma semaphore(%arg13 : memref<!tpu.dma_semaphore, #tpu.memory_space<semaphore_mem>>) src(%dma_wait3A_314 : memref<10000x128xf32, #tpu.memory_space<hbm>>) dst(%arg10 : memref<128x128xf32, #tpu.memory_space<vmem>>)
      %dma_start3A_315 = arith.constant 9 : i32
      %dma_start3A_316 = arith.constant 0 : i32
      %dma_start3A_317 = tpu.memref_slice %arg8[%dma_start3A_315, %dma_start3A_316] : memref<16x128xi32, #tpu.memory_space<vmem>> -> memref<1x128xi32, #tpu.memory_space<vmem>>
      %dma_start3A_318 = tpu.memref_squeeze %dma_start3A_317 : memref<1x128xi32, #tpu.memory_space<vmem>> -> memref<128xi32, #tpu.memory_space<vmem>>
      %dma_start3A_319 = arith.constant 0 : i32
      %dma_start3A_320 = arith.constant 0 : i32
      %dma_start3A_321 = tpu.memref_slice %arg11[%dma_start3A_319, %dma_start3A_320] : memref<10112x128xf32, #tpu.memory_space<vmem_shared>> -> memref<10112x128xf32, #tpu.memory_space<vmem_shared>>
      tpu.enqueue_indirect_dma source(%arg10 : memref<128x128xf32, #tpu.memory_space<vmem>>) target(%dma_start3A_321 : memref<10112x128xf32, #tpu.memory_space<vmem_shared>>) offsets(%dma_start3A_318 : memref<128xi32, #tpu.memory_space<vmem>>) semaphore(%arg15 : memref<!tpu.dma_semaphore, #tpu.memory_space<semaphore_mem>>) {add = true}
      %dma_wait3A_322 = arith.constant 9 : i32
      %dma_wait3A_323 = arith.constant 0 : i32
      %dma_wait3A_324 = tpu.memref_slice %arg8[%dma_wait3A_322, %dma_wait3A_323] : memref<16x128xi32, #tpu.memory_space<vmem>> -> memref<1x128xi32, #tpu.memory_space<vmem>>
      %dma_wait3A_325 = tpu.memref_squeeze %dma_wait3A_324 : memref<1x128xi32, #tpu.memory_space<vmem>> -> memref<128xi32, #tpu.memory_space<vmem>>
      %dma_wait3A_326 = arith.constant 0 : i32
      %dma_wait3A_327 = arith.constant 0 : i32
      %dma_wait3A_328 = tpu.memref_slice %arg11[%dma_wait3A_326, %dma_wait3A_327] : memref<10112x128xf32, #tpu.memory_space<vmem_shared>> -> memref<10112x128xf32, #tpu.memory_space<vmem_shared>>
      tpu.wait_indirect_dma semaphore(%arg15 : memref<!tpu.dma_semaphore, #tpu.memory_space<semaphore_mem>>) src(%arg10 : memref<128x128xf32, #tpu.memory_space<vmem>>) dst(%dma_wait3A_328 : memref<10112x128xf32, #tpu.memory_space<vmem_shared>>)
      %dma_start3A_329 = arith.constant 11 : i32
      %dma_start3A_330 = arith.constant 0 : i32
      %dma_start3A_331 = tpu.memref_slice %arg7[%dma_start3A_329, %dma_start3A_330] : memref<16x128xi32, #tpu.memory_space<vmem>> -> memref<1x128xi32, #tpu.memory_space<vmem>>
      %dma_start3A_332 = tpu.memref_squeeze %dma_start3A_331 : memref<1x128xi32, #tpu.memory_space<vmem>> -> memref<128xi32, #tpu.memory_space<vmem>>
      %dma_start3A_333 = arith.constant 0 : i32
      %dma_start3A_334 = arith.constant 0 : i32
      %dma_start3A_335 = tpu.memref_slice %arg2[%dma_start3A_333, %dma_start3A_334] : memref<10000x128xf32, #tpu.memory_space<hbm>> -> memref<10000x128xf32, #tpu.memory_space<hbm>>
      tpu.enqueue_indirect_dma source(%dma_start3A_335 : memref<10000x128xf32, #tpu.memory_space<hbm>>) target(%arg10 : memref<128x128xf32, #tpu.memory_space<vmem>>) offsets(%dma_start3A_332 : memref<128xi32, #tpu.memory_space<vmem>>) semaphore(%arg13 : memref<!tpu.dma_semaphore, #tpu.memory_space<semaphore_mem>>)
      %dma_wait3A_336 = arith.constant 10 : i32
      %dma_wait3A_337 = arith.constant 0 : i32
      %dma_wait3A_338 = tpu.memref_slice %arg7[%dma_wait3A_336, %dma_wait3A_337] : memref<16x128xi32, #tpu.memory_space<vmem>> -> memref<1x128xi32, #tpu.memory_space<vmem>>
      %dma_wait3A_339 = tpu.memref_squeeze %dma_wait3A_338 : memref<1x128xi32, #tpu.memory_space<vmem>> -> memref<128xi32, #tpu.memory_space<vmem>>
      %dma_wait3A_340 = arith.constant 0 : i32
      %dma_wait3A_341 = arith.constant 0 : i32
      %dma_wait3A_342 = tpu.memref_slice %arg2[%dma_wait3A_340, %dma_wait3A_341] : memref<10000x128xf32, #tpu.memory_space<hbm>> -> memref<10000x128xf32, #tpu.memory_space<hbm>>
      tpu.wait_indirect_dma semaphore(%arg12 : memref<!tpu.dma_semaphore, #tpu.memory_space<semaphore_mem>>) src(%dma_wait3A_342 : memref<10000x128xf32, #tpu.memory_space<hbm>>) dst(%arg9 : memref<128x128xf32, #tpu.memory_space<vmem>>)
      %dma_start3A_343 = arith.constant 10 : i32
      %dma_start3A_344 = arith.constant 0 : i32
      %dma_start3A_345 = tpu.memref_slice %arg8[%dma_start3A_343, %dma_start3A_344] : memref<16x128xi32, #tpu.memory_space<vmem>> -> memref<1x128xi32, #tpu.memory_space<vmem>>
      %dma_start3A_346 = tpu.memref_squeeze %dma_start3A_345 : memref<1x128xi32, #tpu.memory_space<vmem>> -> memref<128xi32, #tpu.memory_space<vmem>>
      %dma_start3A_347 = arith.constant 0 : i32
      %dma_start3A_348 = arith.constant 0 : i32
      %dma_start3A_349 = tpu.memref_slice %arg11[%dma_start3A_347, %dma_start3A_348] : memref<10112x128xf32, #tpu.memory_space<vmem_shared>> -> memref<10112x128xf32, #tpu.memory_space<vmem_shared>>
      tpu.enqueue_indirect_dma source(%arg9 : memref<128x128xf32, #tpu.memory_space<vmem>>) target(%dma_start3A_349 : memref<10112x128xf32, #tpu.memory_space<vmem_shared>>) offsets(%dma_start3A_346 : memref<128xi32, #tpu.memory_space<vmem>>) semaphore(%arg14 : memref<!tpu.dma_semaphore, #tpu.memory_space<semaphore_mem>>) {add = true}
      %dma_wait3A_350 = arith.constant 10 : i32
      %dma_wait3A_351 = arith.constant 0 : i32
      %dma_wait3A_352 = tpu.memref_slice %arg8[%dma_wait3A_350, %dma_wait3A_351] : memref<16x128xi32, #tpu.memory_space<vmem>> -> memref<1x128xi32, #tpu.memory_space<vmem>>
      %dma_wait3A_353 = tpu.memref_squeeze %dma_wait3A_352 : memref<1x128xi32, #tpu.memory_space<vmem>> -> memref<128xi32, #tpu.memory_space<vmem>>
      %dma_wait3A_354 = arith.constant 0 : i32
      %dma_wait3A_355 = arith.constant 0 : i32
      %dma_wait3A_356 = tpu.memref_slice %arg11[%dma_wait3A_354, %dma_wait3A_355] : memref<10112x128xf32, #tpu.memory_space<vmem_shared>> -> memref<10112x128xf32, #tpu.memory_space<vmem_shared>>
      tpu.wait_indirect_dma semaphore(%arg14 : memref<!tpu.dma_semaphore, #tpu.memory_space<semaphore_mem>>) src(%arg9 : memref<128x128xf32, #tpu.memory_space<vmem>>) dst(%dma_wait3A_356 : memref<10112x128xf32, #tpu.memory_space<vmem_shared>>)
      %dma_start3A_357 = arith.constant 12 : i32
      %dma_start3A_358 = arith.constant 0 : i32
      %dma_start3A_359 = tpu.memref_slice %arg7[%dma_start3A_357, %dma_start3A_358] : memref<16x128xi32, #tpu.memory_space<vmem>> -> memref<1x128xi32, #tpu.memory_space<vmem>>
      %dma_start3A_360 = tpu.memref_squeeze %dma_start3A_359 : memref<1x128xi32, #tpu.memory_space<vmem>> -> memref<128xi32, #tpu.memory_space<vmem>>
      %dma_start3A_361 = arith.constant 0 : i32
      %dma_start3A_362 = arith.constant 0 : i32
      %dma_start3A_363 = tpu.memref_slice %arg2[%dma_start3A_361, %dma_start3A_362] : memref<10000x128xf32, #tpu.memory_space<hbm>> -> memref<10000x128xf32, #tpu.memory_space<hbm>>
      tpu.enqueue_indirect_dma source(%dma_start3A_363 : memref<10000x128xf32, #tpu.memory_space<hbm>>) target(%arg9 : memref<128x128xf32, #tpu.memory_space<vmem>>) offsets(%dma_start3A_360 : memref<128xi32, #tpu.memory_space<vmem>>) semaphore(%arg12 : memref<!tpu.dma_semaphore, #tpu.memory_space<semaphore_mem>>)
      %dma_wait3A_364 = arith.constant 11 : i32
      %dma_wait3A_365 = arith.constant 0 : i32
      %dma_wait3A_366 = tpu.memref_slice %arg7[%dma_wait3A_364, %dma_wait3A_365] : memref<16x128xi32, #tpu.memory_space<vmem>> -> memref<1x128xi32, #tpu.memory_space<vmem>>
      %dma_wait3A_367 = tpu.memref_squeeze %dma_wait3A_366 : memref<1x128xi32, #tpu.memory_space<vmem>> -> memref<128xi32, #tpu.memory_space<vmem>>
      %dma_wait3A_368 = arith.constant 0 : i32
      %dma_wait3A_369 = arith.constant 0 : i32
      %dma_wait3A_370 = tpu.memref_slice %arg2[%dma_wait3A_368, %dma_wait3A_369] : memref<10000x128xf32, #tpu.memory_space<hbm>> -> memref<10000x128xf32, #tpu.memory_space<hbm>>
      tpu.wait_indirect_dma semaphore(%arg13 : memref<!tpu.dma_semaphore, #tpu.memory_space<semaphore_mem>>) src(%dma_wait3A_370 : memref<10000x128xf32, #tpu.memory_space<hbm>>) dst(%arg10 : memref<128x128xf32, #tpu.memory_space<vmem>>)
      %dma_start3A_371 = arith.constant 11 : i32
      %dma_start3A_372 = arith.constant 0 : i32
      %dma_start3A_373 = tpu.memref_slice %arg8[%dma_start3A_371, %dma_start3A_372] : memref<16x128xi32, #tpu.memory_space<vmem>> -> memref<1x128xi32, #tpu.memory_space<vmem>>
      %dma_start3A_374 = tpu.memref_squeeze %dma_start3A_373 : memref<1x128xi32, #tpu.memory_space<vmem>> -> memref<128xi32, #tpu.memory_space<vmem>>
      %dma_start3A_375 = arith.constant 0 : i32
      %dma_start3A_376 = arith.constant 0 : i32
      %dma_start3A_377 = tpu.memref_slice %arg11[%dma_start3A_375, %dma_start3A_376] : memref<10112x128xf32, #tpu.memory_space<vmem_shared>> -> memref<10112x128xf32, #tpu.memory_space<vmem_shared>>
      tpu.enqueue_indirect_dma source(%arg10 : memref<128x128xf32, #tpu.memory_space<vmem>>) target(%dma_start3A_377 : memref<10112x128xf32, #tpu.memory_space<vmem_shared>>) offsets(%dma_start3A_374 : memref<128xi32, #tpu.memory_space<vmem>>) semaphore(%arg15 : memref<!tpu.dma_semaphore, #tpu.memory_space<semaphore_mem>>) {add = true}
      %dma_wait3A_378 = arith.constant 11 : i32
      %dma_wait3A_379 = arith.constant 0 : i32
      %dma_wait3A_380 = tpu.memref_slice %arg8[%dma_wait3A_378, %dma_wait3A_379] : memref<16x128xi32, #tpu.memory_space<vmem>> -> memref<1x128xi32, #tpu.memory_space<vmem>>
      %dma_wait3A_381 = tpu.memref_squeeze %dma_wait3A_380 : memref<1x128xi32, #tpu.memory_space<vmem>> -> memref<128xi32, #tpu.memory_space<vmem>>
      %dma_wait3A_382 = arith.constant 0 : i32
      %dma_wait3A_383 = arith.constant 0 : i32
      %dma_wait3A_384 = tpu.memref_slice %arg11[%dma_wait3A_382, %dma_wait3A_383] : memref<10112x128xf32, #tpu.memory_space<vmem_shared>> -> memref<10112x128xf32, #tpu.memory_space<vmem_shared>>
      tpu.wait_indirect_dma semaphore(%arg15 : memref<!tpu.dma_semaphore, #tpu.memory_space<semaphore_mem>>) src(%arg10 : memref<128x128xf32, #tpu.memory_space<vmem>>) dst(%dma_wait3A_384 : memref<10112x128xf32, #tpu.memory_space<vmem_shared>>)
      %dma_start3A_385 = arith.constant 13 : i32
      %dma_start3A_386 = arith.constant 0 : i32
      %dma_start3A_387 = tpu.memref_slice %arg7[%dma_start3A_385, %dma_start3A_386] : memref<16x128xi32, #tpu.memory_space<vmem>> -> memref<1x128xi32, #tpu.memory_space<vmem>>
      %dma_start3A_388 = tpu.memref_squeeze %dma_start3A_387 : memref<1x128xi32, #tpu.memory_space<vmem>> -> memref<128xi32, #tpu.memory_space<vmem>>
      %dma_start3A_389 = arith.constant 0 : i32
      %dma_start3A_390 = arith.constant 0 : i32
      %dma_start3A_391 = tpu.memref_slice %arg2[%dma_start3A_389, %dma_start3A_390] : memref<10000x128xf32, #tpu.memory_space<hbm>> -> memref<10000x128xf32, #tpu.memory_space<hbm>>
      tpu.enqueue_indirect_dma source(%dma_start3A_391 : memref<10000x128xf32, #tpu.memory_space<hbm>>) target(%arg10 : memref<128x128xf32, #tpu.memory_space<vmem>>) offsets(%dma_start3A_388 : memref<128xi32, #tpu.memory_space<vmem>>) semaphore(%arg13 : memref<!tpu.dma_semaphore, #tpu.memory_space<semaphore_mem>>)
      %dma_wait3A_392 = arith.constant 12 : i32
      %dma_wait3A_393 = arith.constant 0 : i32
      %dma_wait3A_394 = tpu.memref_slice %arg7[%dma_wait3A_392, %dma_wait3A_393] : memref<16x128xi32, #tpu.memory_space<vmem>> -> memref<1x128xi32, #tpu.memory_space<vmem>>
      %dma_wait3A_395 = tpu.memref_squeeze %dma_wait3A_394 : memref<1x128xi32, #tpu.memory_space<vmem>> -> memref<128xi32, #tpu.memory_space<vmem>>
      %dma_wait3A_396 = arith.constant 0 : i32
      %dma_wait3A_397 = arith.constant 0 : i32
      %dma_wait3A_398 = tpu.memref_slice %arg2[%dma_wait3A_396, %dma_wait3A_397] : memref<10000x128xf32, #tpu.memory_space<hbm>> -> memref<10000x128xf32, #tpu.memory_space<hbm>>
      tpu.wait_indirect_dma semaphore(%arg12 : memref<!tpu.dma_semaphore, #tpu.memory_space<semaphore_mem>>) src(%dma_wait3A_398 : memref<10000x128xf32, #tpu.memory_space<hbm>>) dst(%arg9 : memref<128x128xf32, #tpu.memory_space<vmem>>)
      %dma_start3A_399 = arith.constant 12 : i32
      %dma_start3A_400 = arith.constant 0 : i32
      %dma_start3A_401 = tpu.memref_slice %arg8[%dma_start3A_399, %dma_start3A_400] : memref<16x128xi32, #tpu.memory_space<vmem>> -> memref<1x128xi32, #tpu.memory_space<vmem>>
      %dma_start3A_402 = tpu.memref_squeeze %dma_start3A_401 : memref<1x128xi32, #tpu.memory_space<vmem>> -> memref<128xi32, #tpu.memory_space<vmem>>
      %dma_start3A_403 = arith.constant 0 : i32
      %dma_start3A_404 = arith.constant 0 : i32
      %dma_start3A_405 = tpu.memref_slice %arg11[%dma_start3A_403, %dma_start3A_404] : memref<10112x128xf32, #tpu.memory_space<vmem_shared>> -> memref<10112x128xf32, #tpu.memory_space<vmem_shared>>
      tpu.enqueue_indirect_dma source(%arg9 : memref<128x128xf32, #tpu.memory_space<vmem>>) target(%dma_start3A_405 : memref<10112x128xf32, #tpu.memory_space<vmem_shared>>) offsets(%dma_start3A_402 : memref<128xi32, #tpu.memory_space<vmem>>) semaphore(%arg14 : memref<!tpu.dma_semaphore, #tpu.memory_space<semaphore_mem>>) {add = true}
      %dma_wait3A_406 = arith.constant 12 : i32
      %dma_wait3A_407 = arith.constant 0 : i32
      %dma_wait3A_408 = tpu.memref_slice %arg8[%dma_wait3A_406, %dma_wait3A_407] : memref<16x128xi32, #tpu.memory_space<vmem>> -> memref<1x128xi32, #tpu.memory_space<vmem>>
      %dma_wait3A_409 = tpu.memref_squeeze %dma_wait3A_408 : memref<1x128xi32, #tpu.memory_space<vmem>> -> memref<128xi32, #tpu.memory_space<vmem>>
      %dma_wait3A_410 = arith.constant 0 : i32
      %dma_wait3A_411 = arith.constant 0 : i32
      %dma_wait3A_412 = tpu.memref_slice %arg11[%dma_wait3A_410, %dma_wait3A_411] : memref<10112x128xf32, #tpu.memory_space<vmem_shared>> -> memref<10112x128xf32, #tpu.memory_space<vmem_shared>>
      tpu.wait_indirect_dma semaphore(%arg14 : memref<!tpu.dma_semaphore, #tpu.memory_space<semaphore_mem>>) src(%arg9 : memref<128x128xf32, #tpu.memory_space<vmem>>) dst(%dma_wait3A_412 : memref<10112x128xf32, #tpu.memory_space<vmem_shared>>)
      %dma_start3A_413 = arith.constant 14 : i32
      %dma_start3A_414 = arith.constant 0 : i32
      %dma_start3A_415 = tpu.memref_slice %arg7[%dma_start3A_413, %dma_start3A_414] : memref<16x128xi32, #tpu.memory_space<vmem>> -> memref<1x128xi32, #tpu.memory_space<vmem>>
      %dma_start3A_416 = tpu.memref_squeeze %dma_start3A_415 : memref<1x128xi32, #tpu.memory_space<vmem>> -> memref<128xi32, #tpu.memory_space<vmem>>
      %dma_start3A_417 = arith.constant 0 : i32
      %dma_start3A_418 = arith.constant 0 : i32
      %dma_start3A_419 = tpu.memref_slice %arg2[%dma_start3A_417, %dma_start3A_418] : memref<10000x128xf32, #tpu.memory_space<hbm>> -> memref<10000x128xf32, #tpu.memory_space<hbm>>
      tpu.enqueue_indirect_dma source(%dma_start3A_419 : memref<10000x128xf32, #tpu.memory_space<hbm>>) target(%arg9 : memref<128x128xf32, #tpu.memory_space<vmem>>) offsets(%dma_start3A_416 : memref<128xi32, #tpu.memory_space<vmem>>) semaphore(%arg12 : memref<!tpu.dma_semaphore, #tpu.memory_space<semaphore_mem>>)
      %dma_wait3A_420 = arith.constant 13 : i32
      %dma_wait3A_421 = arith.constant 0 : i32
      %dma_wait3A_422 = tpu.memref_slice %arg7[%dma_wait3A_420, %dma_wait3A_421] : memref<16x128xi32, #tpu.memory_space<vmem>> -> memref<1x128xi32, #tpu.memory_space<vmem>>
      %dma_wait3A_423 = tpu.memref_squeeze %dma_wait3A_422 : memref<1x128xi32, #tpu.memory_space<vmem>> -> memref<128xi32, #tpu.memory_space<vmem>>
      %dma_wait3A_424 = arith.constant 0 : i32
      %dma_wait3A_425 = arith.constant 0 : i32
      %dma_wait3A_426 = tpu.memref_slice %arg2[%dma_wait3A_424, %dma_wait3A_425] : memref<10000x128xf32, #tpu.memory_space<hbm>> -> memref<10000x128xf32, #tpu.memory_space<hbm>>
      tpu.wait_indirect_dma semaphore(%arg13 : memref<!tpu.dma_semaphore, #tpu.memory_space<semaphore_mem>>) src(%dma_wait3A_426 : memref<10000x128xf32, #tpu.memory_space<hbm>>) dst(%arg10 : memref<128x128xf32, #tpu.memory_space<vmem>>)
      %dma_start3A_427 = arith.constant 13 : i32
      %dma_start3A_428 = arith.constant 0 : i32
      %dma_start3A_429 = tpu.memref_slice %arg8[%dma_start3A_427, %dma_start3A_428] : memref<16x128xi32, #tpu.memory_space<vmem>> -> memref<1x128xi32, #tpu.memory_space<vmem>>
      %dma_start3A_430 = tpu.memref_squeeze %dma_start3A_429 : memref<1x128xi32, #tpu.memory_space<vmem>> -> memref<128xi32, #tpu.memory_space<vmem>>
      %dma_start3A_431 = arith.constant 0 : i32
      %dma_start3A_432 = arith.constant 0 : i32
      %dma_start3A_433 = tpu.memref_slice %arg11[%dma_start3A_431, %dma_start3A_432] : memref<10112x128xf32, #tpu.memory_space<vmem_shared>> -> memref<10112x128xf32, #tpu.memory_space<vmem_shared>>
      tpu.enqueue_indirect_dma source(%arg10 : memref<128x128xf32, #tpu.memory_space<vmem>>) target(%dma_start3A_433 : memref<10112x128xf32, #tpu.memory_space<vmem_shared>>) offsets(%dma_start3A_430 : memref<128xi32, #tpu.memory_space<vmem>>) semaphore(%arg15 : memref<!tpu.dma_semaphore, #tpu.memory_space<semaphore_mem>>) {add = true}
      %dma_wait3A_434 = arith.constant 13 : i32
      %dma_wait3A_435 = arith.constant 0 : i32
      %dma_wait3A_436 = tpu.memref_slice %arg8[%dma_wait3A_434, %dma_wait3A_435] : memref<16x128xi32, #tpu.memory_space<vmem>> -> memref<1x128xi32, #tpu.memory_space<vmem>>
      %dma_wait3A_437 = tpu.memref_squeeze %dma_wait3A_436 : memref<1x128xi32, #tpu.memory_space<vmem>> -> memref<128xi32, #tpu.memory_space<vmem>>
      %dma_wait3A_438 = arith.constant 0 : i32
      %dma_wait3A_439 = arith.constant 0 : i32
      %dma_wait3A_440 = tpu.memref_slice %arg11[%dma_wait3A_438, %dma_wait3A_439] : memref<10112x128xf32, #tpu.memory_space<vmem_shared>> -> memref<10112x128xf32, #tpu.memory_space<vmem_shared>>
      tpu.wait_indirect_dma semaphore(%arg15 : memref<!tpu.dma_semaphore, #tpu.memory_space<semaphore_mem>>) src(%arg10 : memref<128x128xf32, #tpu.memory_space<vmem>>) dst(%dma_wait3A_440 : memref<10112x128xf32, #tpu.memory_space<vmem_shared>>)
      %dma_start3A_441 = arith.constant 15 : i32
      %dma_start3A_442 = arith.constant 0 : i32
      %dma_start3A_443 = tpu.memref_slice %arg7[%dma_start3A_441, %dma_start3A_442] : memref<16x128xi32, #tpu.memory_space<vmem>> -> memref<1x128xi32, #tpu.memory_space<vmem>>
      %dma_start3A_444 = tpu.memref_squeeze %dma_start3A_443 : memref<1x128xi32, #tpu.memory_space<vmem>> -> memref<128xi32, #tpu.memory_space<vmem>>
      %dma_start3A_445 = arith.constant 0 : i32
      %dma_start3A_446 = arith.constant 0 : i32
      %dma_start3A_447 = tpu.memref_slice %arg2[%dma_start3A_445, %dma_start3A_446] : memref<10000x128xf32, #tpu.memory_space<hbm>> -> memref<10000x128xf32, #tpu.memory_space<hbm>>
      tpu.enqueue_indirect_dma source(%dma_start3A_447 : memref<10000x128xf32, #tpu.memory_space<hbm>>) target(%arg10 : memref<128x128xf32, #tpu.memory_space<vmem>>) offsets(%dma_start3A_444 : memref<128xi32, #tpu.memory_space<vmem>>) semaphore(%arg13 : memref<!tpu.dma_semaphore, #tpu.memory_space<semaphore_mem>>)
      %dma_wait3A_448 = arith.constant 14 : i32
      %dma_wait3A_449 = arith.constant 0 : i32
      %dma_wait3A_450 = tpu.memref_slice %arg7[%dma_wait3A_448, %dma_wait3A_449] : memref<16x128xi32, #tpu.memory_space<vmem>> -> memref<1x128xi32, #tpu.memory_space<vmem>>
      %dma_wait3A_451 = tpu.memref_squeeze %dma_wait3A_450 : memref<1x128xi32, #tpu.memory_space<vmem>> -> memref<128xi32, #tpu.memory_space<vmem>>
      %dma_wait3A_452 = arith.constant 0 : i32
      %dma_wait3A_453 = arith.constant 0 : i32
      %dma_wait3A_454 = tpu.memref_slice %arg2[%dma_wait3A_452, %dma_wait3A_453] : memref<10000x128xf32, #tpu.memory_space<hbm>> -> memref<10000x128xf32, #tpu.memory_space<hbm>>
      tpu.wait_indirect_dma semaphore(%arg12 : memref<!tpu.dma_semaphore, #tpu.memory_space<semaphore_mem>>) src(%dma_wait3A_454 : memref<10000x128xf32, #tpu.memory_space<hbm>>) dst(%arg9 : memref<128x128xf32, #tpu.memory_space<vmem>>)
      %dma_start3A_455 = arith.constant 14 : i32
      %dma_start3A_456 = arith.constant 0 : i32
      %dma_start3A_457 = tpu.memref_slice %arg8[%dma_start3A_455, %dma_start3A_456] : memref<16x128xi32, #tpu.memory_space<vmem>> -> memref<1x128xi32, #tpu.memory_space<vmem>>
      %dma_start3A_458 = tpu.memref_squeeze %dma_start3A_457 : memref<1x128xi32, #tpu.memory_space<vmem>> -> memref<128xi32, #tpu.memory_space<vmem>>
      %dma_start3A_459 = arith.constant 0 : i32
      %dma_start3A_460 = arith.constant 0 : i32
      %dma_start3A_461 = tpu.memref_slice %arg11[%dma_start3A_459, %dma_start3A_460] : memref<10112x128xf32, #tpu.memory_space<vmem_shared>> -> memref<10112x128xf32, #tpu.memory_space<vmem_shared>>
      tpu.enqueue_indirect_dma source(%arg9 : memref<128x128xf32, #tpu.memory_space<vmem>>) target(%dma_start3A_461 : memref<10112x128xf32, #tpu.memory_space<vmem_shared>>) offsets(%dma_start3A_458 : memref<128xi32, #tpu.memory_space<vmem>>) semaphore(%arg14 : memref<!tpu.dma_semaphore, #tpu.memory_space<semaphore_mem>>) {add = true}
      %dma_wait3A_462 = arith.constant 15 : i32
      %dma_wait3A_463 = arith.constant 0 : i32
      %dma_wait3A_464 = tpu.memref_slice %arg7[%dma_wait3A_462, %dma_wait3A_463] : memref<16x128xi32, #tpu.memory_space<vmem>> -> memref<1x128xi32, #tpu.memory_space<vmem>>
      %dma_wait3A_465 = tpu.memref_squeeze %dma_wait3A_464 : memref<1x128xi32, #tpu.memory_space<vmem>> -> memref<128xi32, #tpu.memory_space<vmem>>
      %dma_wait3A_466 = arith.constant 0 : i32
      %dma_wait3A_467 = arith.constant 0 : i32
      %dma_wait3A_468 = tpu.memref_slice %arg2[%dma_wait3A_466, %dma_wait3A_467] : memref<10000x128xf32, #tpu.memory_space<hbm>> -> memref<10000x128xf32, #tpu.memory_space<hbm>>
      tpu.wait_indirect_dma semaphore(%arg13 : memref<!tpu.dma_semaphore, #tpu.memory_space<semaphore_mem>>) src(%dma_wait3A_468 : memref<10000x128xf32, #tpu.memory_space<hbm>>) dst(%arg10 : memref<128x128xf32, #tpu.memory_space<vmem>>)
      %dma_start3A_469 = arith.constant 15 : i32
      %dma_start3A_470 = arith.constant 0 : i32
      %dma_start3A_471 = tpu.memref_slice %arg8[%dma_start3A_469, %dma_start3A_470] : memref<16x128xi32, #tpu.memory_space<vmem>> -> memref<1x128xi32, #tpu.memory_space<vmem>>
      %dma_start3A_472 = tpu.memref_squeeze %dma_start3A_471 : memref<1x128xi32, #tpu.memory_space<vmem>> -> memref<128xi32, #tpu.memory_space<vmem>>
      %dma_start3A_473 = arith.constant 0 : i32
      %dma_start3A_474 = arith.constant 0 : i32
      %dma_start3A_475 = tpu.memref_slice %arg11[%dma_start3A_473, %dma_start3A_474] : memref<10112x128xf32, #tpu.memory_space<vmem_shared>> -> memref<10112x128xf32, #tpu.memory_space<vmem_shared>>
      tpu.enqueue_indirect_dma source(%arg10 : memref<128x128xf32, #tpu.memory_space<vmem>>) target(%dma_start3A_475 : memref<10112x128xf32, #tpu.memory_space<vmem_shared>>) offsets(%dma_start3A_472 : memref<128xi32, #tpu.memory_space<vmem>>) semaphore(%arg15 : memref<!tpu.dma_semaphore, #tpu.memory_space<semaphore_mem>>) {add = true}
      %dma_wait3A_476 = arith.constant 14 : i32
      %dma_wait3A_477 = arith.constant 0 : i32
      %dma_wait3A_478 = tpu.memref_slice %arg8[%dma_wait3A_476, %dma_wait3A_477] : memref<16x128xi32, #tpu.memory_space<vmem>> -> memref<1x128xi32, #tpu.memory_space<vmem>>
      %dma_wait3A_479 = tpu.memref_squeeze %dma_wait3A_478 : memref<1x128xi32, #tpu.memory_space<vmem>> -> memref<128xi32, #tpu.memory_space<vmem>>
      %dma_wait3A_480 = arith.constant 0 : i32
      %dma_wait3A_481 = arith.constant 0 : i32
      %dma_wait3A_482 = tpu.memref_slice %arg11[%dma_wait3A_480, %dma_wait3A_481] : memref<10112x128xf32, #tpu.memory_space<vmem_shared>> -> memref<10112x128xf32, #tpu.memory_space<vmem_shared>>
      tpu.wait_indirect_dma semaphore(%arg14 : memref<!tpu.dma_semaphore, #tpu.memory_space<semaphore_mem>>) src(%arg9 : memref<128x128xf32, #tpu.memory_space<vmem>>) dst(%dma_wait3A_482 : memref<10112x128xf32, #tpu.memory_space<vmem_shared>>)
      %dma_wait3A_483 = arith.constant 15 : i32
      %dma_wait3A_484 = arith.constant 0 : i32
      %dma_wait3A_485 = tpu.memref_slice %arg8[%dma_wait3A_483, %dma_wait3A_484] : memref<16x128xi32, #tpu.memory_space<vmem>> -> memref<1x128xi32, #tpu.memory_space<vmem>>
      %dma_wait3A_486 = tpu.memref_squeeze %dma_wait3A_485 : memref<1x128xi32, #tpu.memory_space<vmem>> -> memref<128xi32, #tpu.memory_space<vmem>>
      %dma_wait3A_487 = arith.constant 0 : i32
      %dma_wait3A_488 = arith.constant 0 : i32
      %dma_wait3A_489 = tpu.memref_slice %arg11[%dma_wait3A_487, %dma_wait3A_488] : memref<10112x128xf32, #tpu.memory_space<vmem_shared>> -> memref<10112x128xf32, #tpu.memory_space<vmem_shared>>
      tpu.wait_indirect_dma semaphore(%arg15 : memref<!tpu.dma_semaphore, #tpu.memory_space<semaphore_mem>>) src(%arg10 : memref<128x128xf32, #tpu.memory_space<vmem>>) dst(%dma_wait3A_489 : memref<10112x128xf32, #tpu.memory_space<vmem_shared>>)
    }
    %scan3A_17 = arith.constant 5 : i32
    %barrier3A_18 = arith.constant 0 : index
    tpu.barrier barrier_id(%barrier3A_18)
    %add3A_19 = arith.constant 0 : i32
    %add3A_20 = arith.addi %mul3A_2, %add3A_19 : i32
    "tpu.region"() ({
      %run_scoped3A = tpu.sem_alloc : memref<!tpu.dma_semaphore, #tpu.memory_space<semaphore_mem>>
      %dma_start3A = arith.constant 0 : i32
      %dma_start3A_39 = arith.constant 0 : i32
      %dma_start3A_40 = tpu.memref_slice %arg9[%dma_start3A, %dma_start3A_39] : memref<128x128xf32, #tpu.memory_space<vmem>> -> memref<128x128xf32, #tpu.memory_space<vmem>>
      %dma_start3A_41 = arith.constant 0 : i32
      %dma_start3A_42 = tpu.memref_slice %arg11[%add3A_20, %dma_start3A_41] : memref<10112x128xf32, #tpu.memory_space<vmem_shared>> -> memref<128x128xf32, #tpu.memory_space<vmem_shared>>
      %dma_start3A_43 = arith.constant 0 : i32
      %dma_start3A_44 = arith.constant 0 : i32
      %dma_start3A_45 = tpu.memref_slice %arg9[%dma_start3A_43, %dma_start3A_44] : memref<128x128xf32, #tpu.memory_space<vmem>> -> memref<128x128xf32, #tpu.memory_space<vmem>>
      %dma_start3A_46 = arith.constant 0 : i32
      %dma_start3A_47 = tpu.memref_slice %arg11[%add3A_20, %dma_start3A_46] : memref<10112x128xf32, #tpu.memory_space<vmem_shared>> -> memref<128x128xf32, #tpu.memory_space<vmem_shared>>
      tpu.enqueue_dma source(%dma_start3A_47 : memref<128x128xf32, #tpu.memory_space<vmem_shared>>) target(%dma_start3A_45 : memref<128x128xf32, #tpu.memory_space<vmem>>) target_semaphore(%run_scoped3A : memref<!tpu.dma_semaphore, #tpu.memory_space<semaphore_mem>>)
      %dma_wait3A = arith.constant 0 : i32
      %dma_wait3A_48 = arith.constant 0 : i32
      %dma_wait3A_49 = tpu.memref_slice %arg9[%dma_wait3A, %dma_wait3A_48] : memref<128x128xf32, #tpu.memory_space<vmem>> -> memref<128x128xf32, #tpu.memory_space<vmem>>
      %dma_wait3A_50 = arith.constant 0 : i32
      %dma_wait3A_51 = tpu.memref_slice %arg11[%add3A_20, %dma_wait3A_50] : memref<10112x128xf32, #tpu.memory_space<vmem_shared>> -> memref<128x128xf32, #tpu.memory_space<vmem_shared>>
      %dma_wait3A_52 = arith.constant 0 : i32
      %dma_wait3A_53 = arith.constant 0 : i32
      %dma_wait3A_54 = tpu.memref_slice %arg9[%dma_wait3A_52, %dma_wait3A_53] : memref<128x128xf32, #tpu.memory_space<vmem>> -> memref<128x128xf32, #tpu.memory_space<vmem>>
      %dma_wait3A_55 = arith.constant 0 : i32
      %dma_wait3A_56 = tpu.memref_slice %arg11[%add3A_20, %dma_wait3A_55] : memref<10112x128xf32, #tpu.memory_space<vmem_shared>> -> memref<128x128xf32, #tpu.memory_space<vmem_shared>>
      tpu.wait_dma2 semaphore(%run_scoped3A : memref<!tpu.dma_semaphore, #tpu.memory_space<semaphore_mem>>) src(%dma_wait3A_56 : memref<128x128xf32, #tpu.memory_space<vmem_shared>>) dst(%dma_wait3A_54 : memref<128x128xf32, #tpu.memory_space<vmem>>)
      tpu.yield
    }) : () -> ()
    %add3A_21 = arith.constant 0 : i32
    %add3A_22 = arith.addi %mul3A_2, %add3A_21 : i32
    "tpu.region"() ({
      %run_scoped3A = tpu.sem_alloc : memref<!tpu.dma_semaphore, #tpu.memory_space<semaphore_mem>>
      %dma_start3A = arith.constant 0 : i32
      %dma_start3A_39 = arith.constant 0 : i32
      %dma_start3A_40 = tpu.memref_slice %arg9[%dma_start3A, %dma_start3A_39] : memref<128x128xf32, #tpu.memory_space<vmem>> -> memref<128x128xf32, #tpu.memory_space<vmem>>
      %dma_start3A_41 = arith.constant 0 : i32
      %dma_start3A_42 = tpu.memref_slice %arg6[%arg0, %add3A_22, %dma_start3A_41] : memref<2x10112x128xf32, #tpu.memory_space<hbm>> -> memref<1x128x128xf32, #tpu.memory_space<hbm>>
      %dma_start3A_43 = tpu.memref_squeeze %dma_start3A_42 : memref<1x128x128xf32, #tpu.memory_space<hbm>> -> memref<128x128xf32, #tpu.memory_space<hbm>>
      %dma_start3A_44 = arith.constant 0 : i32
      %dma_start3A_45 = tpu.memref_slice %arg6[%arg0, %add3A_22, %dma_start3A_44] : memref<2x10112x128xf32, #tpu.memory_space<hbm>> -> memref<1x128x128xf32, #tpu.memory_space<hbm>>
      %dma_start3A_46 = tpu.memref_squeeze %dma_start3A_45 : memref<1x128x128xf32, #tpu.memory_space<hbm>> -> memref<128x128xf32, #tpu.memory_space<hbm>>
      %dma_start3A_47 = arith.constant 0 : i32
      %dma_start3A_48 = arith.constant 0 : i32
      %dma_start3A_49 = tpu.memref_slice %arg9[%dma_start3A_47, %dma_start3A_48] : memref<128x128xf32, #tpu.memory_space<vmem>> -> memref<128x128xf32, #tpu.memory_space<vmem>>
      tpu.enqueue_dma source(%dma_start3A_49 : memref<128x128xf32, #tpu.memory_space<vmem>>) target(%dma_start3A_46 : memref<128x128xf32, #tpu.memory_space<hbm>>) target_semaphore(%run_scoped3A : memref<!tpu.dma_semaphore, #tpu.memory_space<semaphore_mem>>)
      %dma_wait3A = arith.constant 0 : i32
      %dma_wait3A_50 = arith.constant 0 : i32
      %dma_wait3A_51 = tpu.memref_slice %arg9[%dma_wait3A, %dma_wait3A_50] : memref<128x128xf32, #tpu.memory_space<vmem>> -> memref<128x128xf32, #tpu.memory_space<vmem>>
      %dma_wait3A_52 = arith.constant 0 : i32
      %dma_wait3A_53 = tpu.memref_slice %arg6[%arg0, %add3A_22, %dma_wait3A_52] : memref<2x10112x128xf32, #tpu.memory_space<hbm>> -> memref<1x128x128xf32, #tpu.memory_space<hbm>>
      %dma_wait3A_54 = tpu.memref_squeeze %dma_wait3A_53 : memref<1x128x128xf32, #tpu.memory_space<hbm>> -> memref<128x128xf32, #tpu.memory_space<hbm>>
      %dma_wait3A_55 = arith.constant 0 : i32
      %dma_wait3A_56 = tpu.memref_slice %arg6[%arg0, %add3A_22, %dma_wait3A_55] : memref<2x10112x128xf32, #tpu.memory_space<hbm>> -> memref<1x128x128xf32, #tpu.memory_space<hbm>>
      %dma_wait3A_57 = tpu.memref_squeeze %dma_wait3A_56 : memref<1x128x128xf32, #tpu.memory_space<hbm>> -> memref<128x128xf32, #tpu.memory_space<hbm>>
      %dma_wait3A_58 = arith.constant 0 : i32
      %dma_wait3A_59 = arith.constant 0 : i32
      %dma_wait3A_60 = tpu.memref_slice %arg9[%dma_wait3A_58, %dma_wait3A_59] : memref<128x128xf32, #tpu.memory_space<vmem>> -> memref<128x128xf32, #tpu.memory_space<vmem>>
      tpu.wait_dma2 semaphore(%run_scoped3A : memref<!tpu.dma_semaphore, #tpu.memory_space<semaphore_mem>>) src(%dma_wait3A_60 : memref<128x128xf32, #tpu.memory_space<vmem>>) dst(%dma_wait3A_57 : memref<128x128xf32, #tpu.memory_space<hbm>>)
      tpu.yield
    }) : () -> ()
    %add3A_23 = arith.constant 128 : i32
    %add3A_24 = arith.addi %mul3A_2, %add3A_23 : i32
    "tpu.region"() ({
      %run_scoped3A = tpu.sem_alloc : memref<!tpu.dma_semaphore, #tpu.memory_space<semaphore_mem>>
      %dma_start3A = arith.constant 0 : i32
      %dma_start3A_39 = arith.constant 0 : i32
      %dma_start3A_40 = tpu.memref_slice %arg9[%dma_start3A, %dma_start3A_39] : memref<128x128xf32, #tpu.memory_space<vmem>> -> memref<128x128xf32, #tpu.memory_space<vmem>>
      %dma_start3A_41 = arith.constant 0 : i32
      %dma_start3A_42 = tpu.memref_slice %arg11[%add3A_24, %dma_start3A_41] : memref<10112x128xf32, #tpu.memory_space<vmem_shared>> -> memref<128x128xf32, #tpu.memory_space<vmem_shared>>
      %dma_start3A_43 = arith.constant 0 : i32
      %dma_start3A_44 = arith.constant 0 : i32
      %dma_start3A_45 = tpu.memref_slice %arg9[%dma_start3A_43, %dma_start3A_44] : memref<128x128xf32, #tpu.memory_space<vmem>> -> memref<128x128xf32, #tpu.memory_space<vmem>>
      %dma_start3A_46 = arith.constant 0 : i32
      %dma_start3A_47 = tpu.memref_slice %arg11[%add3A_24, %dma_start3A_46] : memref<10112x128xf32, #tpu.memory_space<vmem_shared>> -> memref<128x128xf32, #tpu.memory_space<vmem_shared>>
      tpu.enqueue_dma source(%dma_start3A_47 : memref<128x128xf32, #tpu.memory_space<vmem_shared>>) target(%dma_start3A_45 : memref<128x128xf32, #tpu.memory_space<vmem>>) target_semaphore(%run_scoped3A : memref<!tpu.dma_semaphore, #tpu.memory_space<semaphore_mem>>)
      %dma_wait3A = arith.constant 0 : i32
      %dma_wait3A_48 = arith.constant 0 : i32
      %dma_wait3A_49 = tpu.memref_slice %arg9[%dma_wait3A, %dma_wait3A_48] : memref<128x128xf32, #tpu.memory_space<vmem>> -> memref<128x128xf32, #tpu.memory_space<vmem>>
      %dma_wait3A_50 = arith.constant 0 : i32
      %dma_wait3A_51 = tpu.memref_slice %arg11[%add3A_24, %dma_wait3A_50] : memref<10112x128xf32, #tpu.memory_space<vmem_shared>> -> memref<128x128xf32, #tpu.memory_space<vmem_shared>>
      %dma_wait3A_52 = arith.constant 0 : i32
      %dma_wait3A_53 = arith.constant 0 : i32
      %dma_wait3A_54 = tpu.memref_slice %arg9[%dma_wait3A_52, %dma_wait3A_53] : memref<128x128xf32, #tpu.memory_space<vmem>> -> memref<128x128xf32, #tpu.memory_space<vmem>>
      %dma_wait3A_55 = arith.constant 0 : i32
      %dma_wait3A_56 = tpu.memref_slice %arg11[%add3A_24, %dma_wait3A_55] : memref<10112x128xf32, #tpu.memory_space<vmem_shared>> -> memref<128x128xf32, #tpu.memory_space<vmem_shared>>
      tpu.wait_dma2 semaphore(%run_scoped3A : memref<!tpu.dma_semaphore, #tpu.memory_space<semaphore_mem>>) src(%dma_wait3A_56 : memref<128x128xf32, #tpu.memory_space<vmem_shared>>) dst(%dma_wait3A_54 : memref<128x128xf32, #tpu.memory_space<vmem>>)
      tpu.yield
    }) : () -> ()
    %add3A_25 = arith.constant 128 : i32
    %add3A_26 = arith.addi %mul3A_2, %add3A_25 : i32
    "tpu.region"() ({
      %run_scoped3A = tpu.sem_alloc : memref<!tpu.dma_semaphore, #tpu.memory_space<semaphore_mem>>
      %dma_start3A = arith.constant 0 : i32
      %dma_start3A_39 = arith.constant 0 : i32
      %dma_start3A_40 = tpu.memref_slice %arg9[%dma_start3A, %dma_start3A_39] : memref<128x128xf32, #tpu.memory_space<vmem>> -> memref<128x128xf32, #tpu.memory_space<vmem>>
      %dma_start3A_41 = arith.constant 0 : i32
      %dma_start3A_42 = tpu.memref_slice %arg6[%arg0, %add3A_26, %dma_start3A_41] : memref<2x10112x128xf32, #tpu.memory_space<hbm>> -> memref<1x128x128xf32, #tpu.memory_space<hbm>>
      %dma_start3A_43 = tpu.memref_squeeze %dma_start3A_42 : memref<1x128x128xf32, #tpu.memory_space<hbm>> -> memref<128x128xf32, #tpu.memory_space<hbm>>
      %dma_start3A_44 = arith.constant 0 : i32
      %dma_start3A_45 = tpu.memref_slice %arg6[%arg0, %add3A_26, %dma_start3A_44] : memref<2x10112x128xf32, #tpu.memory_space<hbm>> -> memref<1x128x128xf32, #tpu.memory_space<hbm>>
      %dma_start3A_46 = tpu.memref_squeeze %dma_start3A_45 : memref<1x128x128xf32, #tpu.memory_space<hbm>> -> memref<128x128xf32, #tpu.memory_space<hbm>>
      %dma_start3A_47 = arith.constant 0 : i32
      %dma_start3A_48 = arith.constant 0 : i32
      %dma_start3A_49 = tpu.memref_slice %arg9[%dma_start3A_47, %dma_start3A_48] : memref<128x128xf32, #tpu.memory_space<vmem>> -> memref<128x128xf32, #tpu.memory_space<vmem>>
      tpu.enqueue_dma source(%dma_start3A_49 : memref<128x128xf32, #tpu.memory_space<vmem>>) target(%dma_start3A_46 : memref<128x128xf32, #tpu.memory_space<hbm>>) target_semaphore(%run_scoped3A : memref<!tpu.dma_semaphore, #tpu.memory_space<semaphore_mem>>)
      %dma_wait3A = arith.constant 0 : i32
      %dma_wait3A_50 = arith.constant 0 : i32
      %dma_wait3A_51 = tpu.memref_slice %arg9[%dma_wait3A, %dma_wait3A_50] : memref<128x128xf32, #tpu.memory_space<vmem>> -> memref<128x128xf32, #tpu.memory_space<vmem>>
      %dma_wait3A_52 = arith.constant 0 : i32
      %dma_wait3A_53 = tpu.memref_slice %arg6[%arg0, %add3A_26, %dma_wait3A_52] : memref<2x10112x128xf32, #tpu.memory_space<hbm>> -> memref<1x128x128xf32, #tpu.memory_space<hbm>>
      %dma_wait3A_54 = tpu.memref_squeeze %dma_wait3A_53 : memref<1x128x128xf32, #tpu.memory_space<hbm>> -> memref<128x128xf32, #tpu.memory_space<hbm>>
      %dma_wait3A_55 = arith.constant 0 : i32
      %dma_wait3A_56 = tpu.memref_slice %arg6[%arg0, %add3A_26, %dma_wait3A_55] : memref<2x10112x128xf32, #tpu.memory_space<hbm>> -> memref<1x128x128xf32, #tpu.memory_space<hbm>>
      %dma_wait3A_57 = tpu.memref_squeeze %dma_wait3A_56 : memref<1x128x128xf32, #tpu.memory_space<hbm>> -> memref<128x128xf32, #tpu.memory_space<hbm>>
      %dma_wait3A_58 = arith.constant 0 : i32
      %dma_wait3A_59 = arith.constant 0 : i32
      %dma_wait3A_60 = tpu.memref_slice %arg9[%dma_wait3A_58, %dma_wait3A_59] : memref<128x128xf32, #tpu.memory_space<vmem>> -> memref<128x128xf32, #tpu.memory_space<vmem>>
      tpu.wait_dma2 semaphore(%run_scoped3A : memref<!tpu.dma_semaphore, #tpu.memory_space<semaphore_mem>>) src(%dma_wait3A_60 : memref<128x128xf32, #tpu.memory_space<vmem>>) dst(%dma_wait3A_57 : memref<128x128xf32, #tpu.memory_space<hbm>>)
      tpu.yield
    }) : () -> ()
    %add3A_27 = arith.constant 256 : i32
    %add3A_28 = arith.addi %mul3A_2, %add3A_27 : i32
    "tpu.region"() ({
      %run_scoped3A = tpu.sem_alloc : memref<!tpu.dma_semaphore, #tpu.memory_space<semaphore_mem>>
      %dma_start3A = arith.constant 0 : i32
      %dma_start3A_39 = arith.constant 0 : i32
      %dma_start3A_40 = tpu.memref_slice %arg9[%dma_start3A, %dma_start3A_39] : memref<128x128xf32, #tpu.memory_space<vmem>> -> memref<128x128xf32, #tpu.memory_space<vmem>>
      %dma_start3A_41 = arith.constant 0 : i32
      %dma_start3A_42 = tpu.memref_slice %arg11[%add3A_28, %dma_start3A_41] : memref<10112x128xf32, #tpu.memory_space<vmem_shared>> -> memref<128x128xf32, #tpu.memory_space<vmem_shared>>
      %dma_start3A_43 = arith.constant 0 : i32
      %dma_start3A_44 = arith.constant 0 : i32
      %dma_start3A_45 = tpu.memref_slice %arg9[%dma_start3A_43, %dma_start3A_44] : memref<128x128xf32, #tpu.memory_space<vmem>> -> memref<128x128xf32, #tpu.memory_space<vmem>>
      %dma_start3A_46 = arith.constant 0 : i32
      %dma_start3A_47 = tpu.memref_slice %arg11[%add3A_28, %dma_start3A_46] : memref<10112x128xf32, #tpu.memory_space<vmem_shared>> -> memref<128x128xf32, #tpu.memory_space<vmem_shared>>
      tpu.enqueue_dma source(%dma_start3A_47 : memref<128x128xf32, #tpu.memory_space<vmem_shared>>) target(%dma_start3A_45 : memref<128x128xf32, #tpu.memory_space<vmem>>) target_semaphore(%run_scoped3A : memref<!tpu.dma_semaphore, #tpu.memory_space<semaphore_mem>>)
      %dma_wait3A = arith.constant 0 : i32
      %dma_wait3A_48 = arith.constant 0 : i32
      %dma_wait3A_49 = tpu.memref_slice %arg9[%dma_wait3A, %dma_wait3A_48] : memref<128x128xf32, #tpu.memory_space<vmem>> -> memref<128x128xf32, #tpu.memory_space<vmem>>
      %dma_wait3A_50 = arith.constant 0 : i32
      %dma_wait3A_51 = tpu.memref_slice %arg11[%add3A_28, %dma_wait3A_50] : memref<10112x128xf32, #tpu.memory_space<vmem_shared>> -> memref<128x128xf32, #tpu.memory_space<vmem_shared>>
      %dma_wait3A_52 = arith.constant 0 : i32
      %dma_wait3A_53 = arith.constant 0 : i32
      %dma_wait3A_54 = tpu.memref_slice %arg9[%dma_wait3A_52, %dma_wait3A_53] : memref<128x128xf32, #tpu.memory_space<vmem>> -> memref<128x128xf32, #tpu.memory_space<vmem>>
      %dma_wait3A_55 = arith.constant 0 : i32
      %dma_wait3A_56 = tpu.memref_slice %arg11[%add3A_28, %dma_wait3A_55] : memref<10112x128xf32, #tpu.memory_space<vmem_shared>> -> memref<128x128xf32, #tpu.memory_space<vmem_shared>>
      tpu.wait_dma2 semaphore(%run_scoped3A : memref<!tpu.dma_semaphore, #tpu.memory_space<semaphore_mem>>) src(%dma_wait3A_56 : memref<128x128xf32, #tpu.memory_space<vmem_shared>>) dst(%dma_wait3A_54 : memref<128x128xf32, #tpu.memory_space<vmem>>)
      tpu.yield
    }) : () -> ()
    %add3A_29 = arith.constant 256 : i32
    %add3A_30 = arith.addi %mul3A_2, %add3A_29 : i32
    "tpu.region"() ({
      %run_scoped3A = tpu.sem_alloc : memref<!tpu.dma_semaphore, #tpu.memory_space<semaphore_mem>>
      %dma_start3A = arith.constant 0 : i32
      %dma_start3A_39 = arith.constant 0 : i32
      %dma_start3A_40 = tpu.memref_slice %arg9[%dma_start3A, %dma_start3A_39] : memref<128x128xf32, #tpu.memory_space<vmem>> -> memref<128x128xf32, #tpu.memory_space<vmem>>
      %dma_start3A_41 = arith.constant 0 : i32
      %dma_start3A_42 = tpu.memref_slice %arg6[%arg0, %add3A_30, %dma_start3A_41] : memref<2x10112x128xf32, #tpu.memory_space<hbm>> -> memref<1x128x128xf32, #tpu.memory_space<hbm>>
      %dma_start3A_43 = tpu.memref_squeeze %dma_start3A_42 : memref<1x128x128xf32, #tpu.memory_space<hbm>> -> memref<128x128xf32, #tpu.memory_space<hbm>>
      %dma_start3A_44 = arith.constant 0 : i32
      %dma_start3A_45 = tpu.memref_slice %arg6[%arg0, %add3A_30, %dma_start3A_44] : memref<2x10112x128xf32, #tpu.memory_space<hbm>> -> memref<1x128x128xf32, #tpu.memory_space<hbm>>
      %dma_start3A_46 = tpu.memref_squeeze %dma_start3A_45 : memref<1x128x128xf32, #tpu.memory_space<hbm>> -> memref<128x128xf32, #tpu.memory_space<hbm>>
      %dma_start3A_47 = arith.constant 0 : i32
      %dma_start3A_48 = arith.constant 0 : i32
      %dma_start3A_49 = tpu.memref_slice %arg9[%dma_start3A_47, %dma_start3A_48] : memref<128x128xf32, #tpu.memory_space<vmem>> -> memref<128x128xf32, #tpu.memory_space<vmem>>
      tpu.enqueue_dma source(%dma_start3A_49 : memref<128x128xf32, #tpu.memory_space<vmem>>) target(%dma_start3A_46 : memref<128x128xf32, #tpu.memory_space<hbm>>) target_semaphore(%run_scoped3A : memref<!tpu.dma_semaphore, #tpu.memory_space<semaphore_mem>>)
      %dma_wait3A = arith.constant 0 : i32
      %dma_wait3A_50 = arith.constant 0 : i32
      %dma_wait3A_51 = tpu.memref_slice %arg9[%dma_wait3A, %dma_wait3A_50] : memref<128x128xf32, #tpu.memory_space<vmem>> -> memref<128x128xf32, #tpu.memory_space<vmem>>
      %dma_wait3A_52 = arith.constant 0 : i32
      %dma_wait3A_53 = tpu.memref_slice %arg6[%arg0, %add3A_30, %dma_wait3A_52] : memref<2x10112x128xf32, #tpu.memory_space<hbm>> -> memref<1x128x128xf32, #tpu.memory_space<hbm>>
      %dma_wait3A_54 = tpu.memref_squeeze %dma_wait3A_53 : memref<1x128x128xf32, #tpu.memory_space<hbm>> -> memref<128x128xf32, #tpu.memory_space<hbm>>
      %dma_wait3A_55 = arith.constant 0 : i32
      %dma_wait3A_56 = tpu.memref_slice %arg6[%arg0, %add3A_30, %dma_wait3A_55] : memref<2x10112x128xf32, #tpu.memory_space<hbm>> -> memref<1x128x128xf32, #tpu.memory_space<hbm>>
      %dma_wait3A_57 = tpu.memref_squeeze %dma_wait3A_56 : memref<1x128x128xf32, #tpu.memory_space<hbm>> -> memref<128x128xf32, #tpu.memory_space<hbm>>
      %dma_wait3A_58 = arith.constant 0 : i32
      %dma_wait3A_59 = arith.constant 0 : i32
      %dma_wait3A_60 = tpu.memref_slice %arg9[%dma_wait3A_58, %dma_wait3A_59] : memref<128x128xf32, #tpu.memory_space<vmem>> -> memref<128x128xf32, #tpu.memory_space<vmem>>
      tpu.wait_dma2 semaphore(%run_scoped3A : memref<!tpu.dma_semaphore, #tpu.memory_space<semaphore_mem>>) src(%dma_wait3A_60 : memref<128x128xf32, #tpu.memory_space<vmem>>) dst(%dma_wait3A_57 : memref<128x128xf32, #tpu.memory_space<hbm>>)
      tpu.yield
    }) : () -> ()
    %add3A_31 = arith.constant 384 : i32
    %add3A_32 = arith.addi %mul3A_2, %add3A_31 : i32
    "tpu.region"() ({
      %run_scoped3A = tpu.sem_alloc : memref<!tpu.dma_semaphore, #tpu.memory_space<semaphore_mem>>
      %dma_start3A = arith.constant 0 : i32
      %dma_start3A_39 = arith.constant 0 : i32
      %dma_start3A_40 = tpu.memref_slice %arg9[%dma_start3A, %dma_start3A_39] : memref<128x128xf32, #tpu.memory_space<vmem>> -> memref<128x128xf32, #tpu.memory_space<vmem>>
      %dma_start3A_41 = arith.constant 0 : i32
      %dma_start3A_42 = tpu.memref_slice %arg11[%add3A_32, %dma_start3A_41] : memref<10112x128xf32, #tpu.memory_space<vmem_shared>> -> memref<128x128xf32, #tpu.memory_space<vmem_shared>>
      %dma_start3A_43 = arith.constant 0 : i32
      %dma_start3A_44 = arith.constant 0 : i32
      %dma_start3A_45 = tpu.memref_slice %arg9[%dma_start3A_43, %dma_start3A_44] : memref<128x128xf32, #tpu.memory_space<vmem>> -> memref<128x128xf32, #tpu.memory_space<vmem>>
      %dma_start3A_46 = arith.constant 0 : i32
      %dma_start3A_47 = tpu.memref_slice %arg11[%add3A_32, %dma_start3A_46] : memref<10112x128xf32, #tpu.memory_space<vmem_shared>> -> memref<128x128xf32, #tpu.memory_space<vmem_shared>>
      tpu.enqueue_dma source(%dma_start3A_47 : memref<128x128xf32, #tpu.memory_space<vmem_shared>>) target(%dma_start3A_45 : memref<128x128xf32, #tpu.memory_space<vmem>>) target_semaphore(%run_scoped3A : memref<!tpu.dma_semaphore, #tpu.memory_space<semaphore_mem>>)
      %dma_wait3A = arith.constant 0 : i32
      %dma_wait3A_48 = arith.constant 0 : i32
      %dma_wait3A_49 = tpu.memref_slice %arg9[%dma_wait3A, %dma_wait3A_48] : memref<128x128xf32, #tpu.memory_space<vmem>> -> memref<128x128xf32, #tpu.memory_space<vmem>>
      %dma_wait3A_50 = arith.constant 0 : i32
      %dma_wait3A_51 = tpu.memref_slice %arg11[%add3A_32, %dma_wait3A_50] : memref<10112x128xf32, #tpu.memory_space<vmem_shared>> -> memref<128x128xf32, #tpu.memory_space<vmem_shared>>
      %dma_wait3A_52 = arith.constant 0 : i32
      %dma_wait3A_53 = arith.constant 0 : i32
      %dma_wait3A_54 = tpu.memref_slice %arg9[%dma_wait3A_52, %dma_wait3A_53] : memref<128x128xf32, #tpu.memory_space<vmem>> -> memref<128x128xf32, #tpu.memory_space<vmem>>
      %dma_wait3A_55 = arith.constant 0 : i32
      %dma_wait3A_56 = tpu.memref_slice %arg11[%add3A_32, %dma_wait3A_55] : memref<10112x128xf32, #tpu.memory_space<vmem_shared>> -> memref<128x128xf32, #tpu.memory_space<vmem_shared>>
      tpu.wait_dma2 semaphore(%run_scoped3A : memref<!tpu.dma_semaphore, #tpu.memory_space<semaphore_mem>>) src(%dma_wait3A_56 : memref<128x128xf32, #tpu.memory_space<vmem_shared>>) dst(%dma_wait3A_54 : memref<128x128xf32, #tpu.memory_space<vmem>>)
      tpu.yield
    }) : () -> ()
    %add3A_33 = arith.constant 384 : i32
    %add3A_34 = arith.addi %mul3A_2, %add3A_33 : i32
    "tpu.region"() ({
      %run_scoped3A = tpu.sem_alloc : memref<!tpu.dma_semaphore, #tpu.memory_space<semaphore_mem>>
      %dma_start3A = arith.constant 0 : i32
      %dma_start3A_39 = arith.constant 0 : i32
      %dma_start3A_40 = tpu.memref_slice %arg9[%dma_start3A, %dma_start3A_39] : memref<128x128xf32, #tpu.memory_space<vmem>> -> memref<128x128xf32, #tpu.memory_space<vmem>>
      %dma_start3A_41 = arith.constant 0 : i32
      %dma_start3A_42 = tpu.memref_slice %arg6[%arg0, %add3A_34, %dma_start3A_41] : memref<2x10112x128xf32, #tpu.memory_space<hbm>> -> memref<1x128x128xf32, #tpu.memory_space<hbm>>
      %dma_start3A_43 = tpu.memref_squeeze %dma_start3A_42 : memref<1x128x128xf32, #tpu.memory_space<hbm>> -> memref<128x128xf32, #tpu.memory_space<hbm>>
      %dma_start3A_44 = arith.constant 0 : i32
      %dma_start3A_45 = tpu.memref_slice %arg6[%arg0, %add3A_34, %dma_start3A_44] : memref<2x10112x128xf32, #tpu.memory_space<hbm>> -> memref<1x128x128xf32, #tpu.memory_space<hbm>>
      %dma_start3A_46 = tpu.memref_squeeze %dma_start3A_45 : memref<1x128x128xf32, #tpu.memory_space<hbm>> -> memref<128x128xf32, #tpu.memory_space<hbm>>
      %dma_start3A_47 = arith.constant 0 : i32
      %dma_start3A_48 = arith.constant 0 : i32
      %dma_start3A_49 = tpu.memref_slice %arg9[%dma_start3A_47, %dma_start3A_48] : memref<128x128xf32, #tpu.memory_space<vmem>> -> memref<128x128xf32, #tpu.memory_space<vmem>>
      tpu.enqueue_dma source(%dma_start3A_49 : memref<128x128xf32, #tpu.memory_space<vmem>>) target(%dma_start3A_46 : memref<128x128xf32, #tpu.memory_space<hbm>>) target_semaphore(%run_scoped3A : memref<!tpu.dma_semaphore, #tpu.memory_space<semaphore_mem>>)
      %dma_wait3A = arith.constant 0 : i32
      %dma_wait3A_50 = arith.constant 0 : i32
      %dma_wait3A_51 = tpu.memref_slice %arg9[%dma_wait3A, %dma_wait3A_50] : memref<128x128xf32, #tpu.memory_space<vmem>> -> memref<128x128xf32, #tpu.memory_space<vmem>>
      %dma_wait3A_52 = arith.constant 0 : i32
      %dma_wait3A_53 = tpu.memref_slice %arg6[%arg0, %add3A_34, %dma_wait3A_52] : memref<2x10112x128xf32, #tpu.memory_space<hbm>> -> memref<1x128x128xf32, #tpu.memory_space<hbm>>
      %dma_wait3A_54 = tpu.memref_squeeze %dma_wait3A_53 : memref<1x128x128xf32, #tpu.memory_space<hbm>> -> memref<128x128xf32, #tpu.memory_space<hbm>>
      %dma_wait3A_55 = arith.constant 0 : i32
      %dma_wait3A_56 = tpu.memref_slice %arg6[%arg0, %add3A_34, %dma_wait3A_55] : memref<2x10112x128xf32, #tpu.memory_space<hbm>> -> memref<1x128x128xf32, #tpu.memory_space<hbm>>
      %dma_wait3A_57 = tpu.memref_squeeze %dma_wait3A_56 : memref<1x128x128xf32, #tpu.memory_space<hbm>> -> memref<128x128xf32, #tpu.memory_space<hbm>>
      %dma_wait3A_58 = arith.constant 0 : i32
      %dma_wait3A_59 = arith.constant 0 : i32
      %dma_wait3A_60 = tpu.memref_slice %arg9[%dma_wait3A_58, %dma_wait3A_59] : memref<128x128xf32, #tpu.memory_space<vmem>> -> memref<128x128xf32, #tpu.memory_space<vmem>>
      tpu.wait_dma2 semaphore(%run_scoped3A : memref<!tpu.dma_semaphore, #tpu.memory_space<semaphore_mem>>) src(%dma_wait3A_60 : memref<128x128xf32, #tpu.memory_space<vmem>>) dst(%dma_wait3A_57 : memref<128x128xf32, #tpu.memory_space<hbm>>)
      tpu.yield
    }) : () -> ()
    %add3A_35 = arith.constant 512 : i32
    %add3A_36 = arith.addi %mul3A_2, %add3A_35 : i32
    "tpu.region"() ({
      %run_scoped3A = tpu.sem_alloc : memref<!tpu.dma_semaphore, #tpu.memory_space<semaphore_mem>>
      %dma_start3A = arith.constant 0 : i32
      %dma_start3A_39 = arith.constant 0 : i32
      %dma_start3A_40 = tpu.memref_slice %arg9[%dma_start3A, %dma_start3A_39] : memref<128x128xf32, #tpu.memory_space<vmem>> -> memref<120x128xf32, #tpu.memory_space<vmem>>
      %dma_start3A_41 = arith.constant 0 : i32
      %dma_start3A_42 = tpu.memref_slice %arg11[%add3A_36, %dma_start3A_41] : memref<10112x128xf32, #tpu.memory_space<vmem_shared>> -> memref<120x128xf32, #tpu.memory_space<vmem_shared>>
      %dma_start3A_43 = arith.constant 0 : i32
      %dma_start3A_44 = arith.constant 0 : i32
      %dma_start3A_45 = tpu.memref_slice %arg9[%dma_start3A_43, %dma_start3A_44] : memref<128x128xf32, #tpu.memory_space<vmem>> -> memref<120x128xf32, #tpu.memory_space<vmem>>
      %dma_start3A_46 = arith.constant 0 : i32
      %dma_start3A_47 = tpu.memref_slice %arg11[%add3A_36, %dma_start3A_46] : memref<10112x128xf32, #tpu.memory_space<vmem_shared>> -> memref<120x128xf32, #tpu.memory_space<vmem_shared>>
      tpu.enqueue_dma source(%dma_start3A_47 : memref<120x128xf32, #tpu.memory_space<vmem_shared>>) target(%dma_start3A_45 : memref<120x128xf32, #tpu.memory_space<vmem>>) target_semaphore(%run_scoped3A : memref<!tpu.dma_semaphore, #tpu.memory_space<semaphore_mem>>)
      %dma_wait3A = arith.constant 0 : i32
      %dma_wait3A_48 = arith.constant 0 : i32
      %dma_wait3A_49 = tpu.memref_slice %arg9[%dma_wait3A, %dma_wait3A_48] : memref<128x128xf32, #tpu.memory_space<vmem>> -> memref<120x128xf32, #tpu.memory_space<vmem>>
      %dma_wait3A_50 = arith.constant 0 : i32
      %dma_wait3A_51 = tpu.memref_slice %arg11[%add3A_36, %dma_wait3A_50] : memref<10112x128xf32, #tpu.memory_space<vmem_shared>> -> memref<120x128xf32, #tpu.memory_space<vmem_shared>>
      %dma_wait3A_52 = arith.constant 0 : i32
      %dma_wait3A_53 = arith.constant 0 : i32
      %dma_wait3A_54 = tpu.memref_slice %arg9[%dma_wait3A_52, %dma_wait3A_53] : memref<128x128xf32, #tpu.memory_space<vmem>> -> memref<120x128xf32, #tpu.memory_space<vmem>>
      %dma_wait3A_55 = arith.constant 0 : i32
      %dma_wait3A_56 = tpu.memref_slice %arg11[%add3A_36, %dma_wait3A_55] : memref<10112x128xf32, #tpu.memory_space<vmem_shared>> -> memref<120x128xf32, #tpu.memory_space<vmem_shared>>
      tpu.wait_dma2 semaphore(%run_scoped3A : memref<!tpu.dma_semaphore, #tpu.memory_space<semaphore_mem>>) src(%dma_wait3A_56 : memref<120x128xf32, #tpu.memory_space<vmem_shared>>) dst(%dma_wait3A_54 : memref<120x128xf32, #tpu.memory_space<vmem>>)
      tpu.yield
    }) : () -> ()
    %add3A_37 = arith.constant 512 : i32
    %add3A_38 = arith.addi %mul3A_2, %add3A_37 : i32
    "tpu.region"() ({
      %run_scoped3A = tpu.sem_alloc : memref<!tpu.dma_semaphore, #tpu.memory_space<semaphore_mem>>
      %dma_start3A = arith.constant 0 : i32
      %dma_start3A_39 = arith.constant 0 : i32
      %dma_start3A_40 = tpu.memref_slice %arg9[%dma_start3A, %dma_start3A_39] : memref<128x128xf32, #tpu.memory_space<vmem>> -> memref<120x128xf32, #tpu.memory_space<vmem>>
      %dma_start3A_41 = arith.constant 0 : i32
      %dma_start3A_42 = tpu.memref_slice %arg6[%arg0, %add3A_38, %dma_start3A_41] : memref<2x10112x128xf32, #tpu.memory_space<hbm>> -> memref<1x120x128xf32, #tpu.memory_space<hbm>>
      %dma_start3A_43 = tpu.memref_squeeze %dma_start3A_42 : memref<1x120x128xf32, #tpu.memory_space<hbm>> -> memref<120x128xf32, #tpu.memory_space<hbm>>
      %dma_start3A_44 = arith.constant 0 : i32
      %dma_start3A_45 = tpu.memref_slice %arg6[%arg0, %add3A_38, %dma_start3A_44] : memref<2x10112x128xf32, #tpu.memory_space<hbm>> -> memref<1x120x128xf32, #tpu.memory_space<hbm>>
      %dma_start3A_46 = tpu.memref_squeeze %dma_start3A_45 : memref<1x120x128xf32, #tpu.memory_space<hbm>> -> memref<120x128xf32, #tpu.memory_space<hbm>>
      %dma_start3A_47 = arith.constant 0 : i32
      %dma_start3A_48 = arith.constant 0 : i32
      %dma_start3A_49 = tpu.memref_slice %arg9[%dma_start3A_47, %dma_start3A_48] : memref<128x128xf32, #tpu.memory_space<vmem>> -> memref<120x128xf32, #tpu.memory_space<vmem>>
      tpu.enqueue_dma source(%dma_start3A_49 : memref<120x128xf32, #tpu.memory_space<vmem>>) target(%dma_start3A_46 : memref<120x128xf32, #tpu.memory_space<hbm>>) target_semaphore(%run_scoped3A : memref<!tpu.dma_semaphore, #tpu.memory_space<semaphore_mem>>)
      %dma_wait3A = arith.constant 0 : i32
      %dma_wait3A_50 = arith.constant 0 : i32
      %dma_wait3A_51 = tpu.memref_slice %arg9[%dma_wait3A, %dma_wait3A_50] : memref<128x128xf32, #tpu.memory_space<vmem>> -> memref<120x128xf32, #tpu.memory_space<vmem>>
      %dma_wait3A_52 = arith.constant 0 : i32
      %dma_wait3A_53 = tpu.memref_slice %arg6[%arg0, %add3A_38, %dma_wait3A_52] : memref<2x10112x128xf32, #tpu.memory_space<hbm>> -> memref<1x120x128xf32, #tpu.memory_space<hbm>>
      %dma_wait3A_54 = tpu.memref_squeeze %dma_wait3A_53 : memref<1x120x128xf32, #tpu.memory_space<hbm>> -> memref<120x128xf32, #tpu.memory_space<hbm>>
      %dma_wait3A_55 = arith.constant 0 : i32
      %dma_wait3A_56 = tpu.memref_slice %arg6[%arg0, %add3A_38, %dma_wait3A_55] : memref<2x10112x128xf32, #tpu.memory_space<hbm>> -> memref<1x120x128xf32, #tpu.memory_space<hbm>>
      %dma_wait3A_57 = tpu.memref_squeeze %dma_wait3A_56 : memref<1x120x128xf32, #tpu.memory_space<hbm>> -> memref<120x128xf32, #tpu.memory_space<hbm>>
      %dma_wait3A_58 = arith.constant 0 : i32
      %dma_wait3A_59 = arith.constant 0 : i32
      %dma_wait3A_60 = tpu.memref_slice %arg9[%dma_wait3A_58, %dma_wait3A_59] : memref<128x128xf32, #tpu.memory_space<vmem>> -> memref<120x128xf32, #tpu.memory_space<vmem>>
      tpu.wait_dma2 semaphore(%run_scoped3A : memref<!tpu.dma_semaphore, #tpu.memory_space<semaphore_mem>>) src(%dma_wait3A_60 : memref<120x128xf32, #tpu.memory_space<vmem>>) dst(%dma_wait3A_57 : memref<120x128xf32, #tpu.memory_space<hbm>>)
      tpu.yield
    }) : () -> ()
    return
  }
}

#map = affine_map<(d0, d1) -> (0, 0, 0)>
#map1 = affine_map<(d0, d1) -> (0)>
module attributes {stable_mosaic.version = 14 : i64} {
  func.func @deg_k(%arg0: i32, %arg1: i32, %arg2: memref<32x80x128xi32, #tpu.memory_space<hbm>>, %arg3: memref<128xf32, #tpu.memory_space<hbm>>, %arg4: memref<632xf32, #tpu.memory_space<hbm>>, %arg5: memref<20224xf32, #tpu.memory_space<hbm>>, %arg6: memref<80x128xi32, #tpu.memory_space<vmem>>, %arg7: memref<128xf32, #tpu.memory_space<vmem>>, %arg8: memref<632xf32, #tpu.memory_space<vmem>>, %arg9: memref<10112xf32, #tpu.memory_space<vmem_shared>>, %arg10: memref<!tpu.dma_semaphore, #tpu.memory_space<semaphore_mem>>) attributes {dimension_semantics = [#tpu.dimension_semantics<core_parallel>, #tpu.dimension_semantics<subcore_parallel>], iteration_bounds = array<i64: 2, 16>, scalar_prefetch = 0 : i64, scratch_operands = 5 : i64, tpu.core_type = #tpu.core_type<sc_vector_subcore>, window_params = [{transform_indices = #map}, {transform_indices = #map1}, {transform_indices = #map1}, {transform_indices = #map1}]} {
    %mul3A = arith.constant 2 : i32
    %mul3A_0 = arith.muli %arg1, %mul3A : i32
    %add3A = arith.addi %mul3A_0, %arg0 : i32
    %mul3A_1 = arith.constant 632 : i32
    %mul3A_2 = arith.muli %arg1, %mul3A_1 : i32
    "tpu.region"() ({
      %run_scoped3A = tpu.sem_alloc : memref<!tpu.dma_semaphore, #tpu.memory_space<semaphore_mem>>
      tpu.enqueue_dma source(%arg4 : memref<632xf32, #tpu.memory_space<hbm>>) target(%arg8 : memref<632xf32, #tpu.memory_space<vmem>>) target_semaphore(%run_scoped3A : memref<!tpu.dma_semaphore, #tpu.memory_space<semaphore_mem>>)
      tpu.wait_dma2 semaphore(%run_scoped3A : memref<!tpu.dma_semaphore, #tpu.memory_space<semaphore_mem>>) src(%arg4 : memref<632xf32, #tpu.memory_space<hbm>>) dst(%arg8 : memref<632xf32, #tpu.memory_space<vmem>>)
      tpu.yield
    }) : () -> ()
    "tpu.region"() ({
      %run_scoped3A = tpu.sem_alloc : memref<!tpu.dma_semaphore, #tpu.memory_space<semaphore_mem>>
      %dma_start3A = tpu.memref_slice %arg9[%mul3A_2] : memref<10112xf32, #tpu.memory_space<vmem_shared>> -> memref<632xf32, #tpu.memory_space<vmem_shared>>
      %dma_start3A_12 = tpu.memref_slice %arg9[%mul3A_2] : memref<10112xf32, #tpu.memory_space<vmem_shared>> -> memref<632xf32, #tpu.memory_space<vmem_shared>>
      tpu.enqueue_dma source(%arg8 : memref<632xf32, #tpu.memory_space<vmem>>) target(%dma_start3A_12 : memref<632xf32, #tpu.memory_space<vmem_shared>>) target_semaphore(%run_scoped3A : memref<!tpu.dma_semaphore, #tpu.memory_space<semaphore_mem>>)
      %dma_wait3A = tpu.memref_slice %arg9[%mul3A_2] : memref<10112xf32, #tpu.memory_space<vmem_shared>> -> memref<632xf32, #tpu.memory_space<vmem_shared>>
      %dma_wait3A_13 = tpu.memref_slice %arg9[%mul3A_2] : memref<10112xf32, #tpu.memory_space<vmem_shared>> -> memref<632xf32, #tpu.memory_space<vmem_shared>>
      tpu.wait_dma2 semaphore(%run_scoped3A : memref<!tpu.dma_semaphore, #tpu.memory_space<semaphore_mem>>) src(%arg8 : memref<632xf32, #tpu.memory_space<vmem>>) dst(%dma_wait3A_13 : memref<632xf32, #tpu.memory_space<vmem_shared>>)
      tpu.yield
    }) : () -> ()
    "tpu.region"() ({
      %run_scoped3A = tpu.sem_alloc : memref<!tpu.dma_semaphore, #tpu.memory_space<semaphore_mem>>
      tpu.enqueue_dma source(%arg3 : memref<128xf32, #tpu.memory_space<hbm>>) target(%arg7 : memref<128xf32, #tpu.memory_space<vmem>>) target_semaphore(%run_scoped3A : memref<!tpu.dma_semaphore, #tpu.memory_space<semaphore_mem>>)
      tpu.wait_dma2 semaphore(%run_scoped3A : memref<!tpu.dma_semaphore, #tpu.memory_space<semaphore_mem>>) src(%arg3 : memref<128xf32, #tpu.memory_space<hbm>>) dst(%arg7 : memref<128xf32, #tpu.memory_space<vmem>>)
      tpu.yield
    }) : () -> ()
    "tpu.region"() ({
      %run_scoped3A = tpu.sem_alloc : memref<!tpu.dma_semaphore, #tpu.memory_space<semaphore_mem>>
      %dma_start3A = arith.constant 0 : i32
      %dma_start3A_12 = arith.constant 0 : i32
      %dma_start3A_13 = tpu.memref_slice %arg2[%add3A, %dma_start3A, %dma_start3A_12] : memref<32x80x128xi32, #tpu.memory_space<hbm>> -> memref<1x80x128xi32, #tpu.memory_space<hbm>>
      %dma_start3A_14 = tpu.memref_squeeze %dma_start3A_13 : memref<1x80x128xi32, #tpu.memory_space<hbm>> -> memref<80x128xi32, #tpu.memory_space<hbm>>
      %dma_start3A_15 = arith.constant 0 : i32
      %dma_start3A_16 = arith.constant 0 : i32
      %dma_start3A_17 = tpu.memref_slice %arg2[%add3A, %dma_start3A_15, %dma_start3A_16] : memref<32x80x128xi32, #tpu.memory_space<hbm>> -> memref<1x80x128xi32, #tpu.memory_space<hbm>>
      %dma_start3A_18 = tpu.memref_squeeze %dma_start3A_17 : memref<1x80x128xi32, #tpu.memory_space<hbm>> -> memref<80x128xi32, #tpu.memory_space<hbm>>
      tpu.enqueue_dma source(%dma_start3A_18 : memref<80x128xi32, #tpu.memory_space<hbm>>) target(%arg6 : memref<80x128xi32, #tpu.memory_space<vmem>>) target_semaphore(%run_scoped3A : memref<!tpu.dma_semaphore, #tpu.memory_space<semaphore_mem>>)
      %dma_wait3A = arith.constant 0 : i32
      %dma_wait3A_19 = arith.constant 0 : i32
      %dma_wait3A_20 = tpu.memref_slice %arg2[%add3A, %dma_wait3A, %dma_wait3A_19] : memref<32x80x128xi32, #tpu.memory_space<hbm>> -> memref<1x80x128xi32, #tpu.memory_space<hbm>>
      %dma_wait3A_21 = tpu.memref_squeeze %dma_wait3A_20 : memref<1x80x128xi32, #tpu.memory_space<hbm>> -> memref<80x128xi32, #tpu.memory_space<hbm>>
      %dma_wait3A_22 = arith.constant 0 : i32
      %dma_wait3A_23 = arith.constant 0 : i32
      %dma_wait3A_24 = tpu.memref_slice %arg2[%add3A, %dma_wait3A_22, %dma_wait3A_23] : memref<32x80x128xi32, #tpu.memory_space<hbm>> -> memref<1x80x128xi32, #tpu.memory_space<hbm>>
      %dma_wait3A_25 = tpu.memref_squeeze %dma_wait3A_24 : memref<1x80x128xi32, #tpu.memory_space<hbm>> -> memref<80x128xi32, #tpu.memory_space<hbm>>
      tpu.wait_dma2 semaphore(%run_scoped3A : memref<!tpu.dma_semaphore, #tpu.memory_space<semaphore_mem>>) src(%dma_wait3A_25 : memref<80x128xi32, #tpu.memory_space<hbm>>) dst(%arg6 : memref<80x128xi32, #tpu.memory_space<vmem>>)
      tpu.yield
    }) : () -> ()
    %barrier3A = arith.constant 0 : index
    tpu.barrier barrier_id(%barrier3A)
    %scan3A = arith.constant 0 : i32
    %scan3A_3 = arith.constant 0 : i32
    %scan3A_4 = arith.constant 80 : i32
    %scan3A_5 = arith.addi %scan3A_3, %scan3A_4 : i32
    %scan3A_6 = arith.constant 1 : i32
    scf.for %scan3A_12 = %scan3A_3 to %scan3A_5 step %scan3A_6  : i32 {
      "tpu.region"() ({
        %run_scoped3A = tpu.sem_alloc : memref<!tpu.dma_semaphore, #tpu.memory_space<semaphore_mem>>
        %dma_start3A = arith.constant 0 : i32
        %dma_start3A_13 = tpu.memref_slice %arg6[%scan3A_12, %dma_start3A] : memref<80x128xi32, #tpu.memory_space<vmem>> -> memref<1x128xi32, #tpu.memory_space<vmem>>
        %dma_start3A_14 = tpu.memref_squeeze %dma_start3A_13 : memref<1x128xi32, #tpu.memory_space<vmem>> -> memref<128xi32, #tpu.memory_space<vmem>>
        %dma_start3A_15 = arith.constant 0 : i32
        %dma_start3A_16 = tpu.memref_slice %arg9[%dma_start3A_15] : memref<10112xf32, #tpu.memory_space<vmem_shared>> -> memref<10112xf32, #tpu.memory_space<vmem_shared>>
        tpu.enqueue_indirect_dma source(%arg7 : memref<128xf32, #tpu.memory_space<vmem>>) target(%dma_start3A_16 : memref<10112xf32, #tpu.memory_space<vmem_shared>>) offsets(%dma_start3A_14 : memref<128xi32, #tpu.memory_space<vmem>>) semaphore(%run_scoped3A : memref<!tpu.dma_semaphore, #tpu.memory_space<semaphore_mem>>) {add = true}
        %dma_wait3A = arith.constant 0 : i32
        %dma_wait3A_17 = tpu.memref_slice %arg6[%scan3A_12, %dma_wait3A] : memref<80x128xi32, #tpu.memory_space<vmem>> -> memref<1x128xi32, #tpu.memory_space<vmem>>
        %dma_wait3A_18 = tpu.memref_squeeze %dma_wait3A_17 : memref<1x128xi32, #tpu.memory_space<vmem>> -> memref<128xi32, #tpu.memory_space<vmem>>
        %dma_wait3A_19 = arith.constant 0 : i32
        %dma_wait3A_20 = tpu.memref_slice %arg9[%dma_wait3A_19] : memref<10112xf32, #tpu.memory_space<vmem_shared>> -> memref<10112xf32, #tpu.memory_space<vmem_shared>>
        tpu.wait_indirect_dma semaphore(%run_scoped3A : memref<!tpu.dma_semaphore, #tpu.memory_space<semaphore_mem>>) src(%arg7 : memref<128xf32, #tpu.memory_space<vmem>>) dst(%dma_wait3A_20 : memref<10112xf32, #tpu.memory_space<vmem_shared>>)
        tpu.yield
      }) : () -> ()
    }
    %scan3A_7 = arith.constant 80 : i32
    %barrier3A_8 = arith.constant 0 : index
    tpu.barrier barrier_id(%barrier3A_8)
    "tpu.region"() ({
      %run_scoped3A = tpu.sem_alloc : memref<!tpu.dma_semaphore, #tpu.memory_space<semaphore_mem>>
      %dma_start3A = tpu.memref_slice %arg9[%mul3A_2] : memref<10112xf32, #tpu.memory_space<vmem_shared>> -> memref<632xf32, #tpu.memory_space<vmem_shared>>
      %dma_start3A_12 = tpu.memref_slice %arg9[%mul3A_2] : memref<10112xf32, #tpu.memory_space<vmem_shared>> -> memref<632xf32, #tpu.memory_space<vmem_shared>>
      tpu.enqueue_dma source(%dma_start3A_12 : memref<632xf32, #tpu.memory_space<vmem_shared>>) target(%arg8 : memref<632xf32, #tpu.memory_space<vmem>>) target_semaphore(%run_scoped3A : memref<!tpu.dma_semaphore, #tpu.memory_space<semaphore_mem>>)
      %dma_wait3A = tpu.memref_slice %arg9[%mul3A_2] : memref<10112xf32, #tpu.memory_space<vmem_shared>> -> memref<632xf32, #tpu.memory_space<vmem_shared>>
      %dma_wait3A_13 = tpu.memref_slice %arg9[%mul3A_2] : memref<10112xf32, #tpu.memory_space<vmem_shared>> -> memref<632xf32, #tpu.memory_space<vmem_shared>>
      tpu.wait_dma2 semaphore(%run_scoped3A : memref<!tpu.dma_semaphore, #tpu.memory_space<semaphore_mem>>) src(%dma_wait3A_13 : memref<632xf32, #tpu.memory_space<vmem_shared>>) dst(%arg8 : memref<632xf32, #tpu.memory_space<vmem>>)
      tpu.yield
    }) : () -> ()
    %mul3A_9 = arith.constant 10112 : i32
    %mul3A_10 = arith.muli %arg0, %mul3A_9 : i32
    %add3A_11 = arith.addi %mul3A_10, %mul3A_2 : i32
    "tpu.region"() ({
      %run_scoped3A = tpu.sem_alloc : memref<!tpu.dma_semaphore, #tpu.memory_space<semaphore_mem>>
      %dma_start3A = tpu.memref_slice %arg5[%add3A_11] : memref<20224xf32, #tpu.memory_space<hbm>> -> memref<632xf32, #tpu.memory_space<hbm>>
      %dma_start3A_12 = tpu.memref_slice %arg5[%add3A_11] : memref<20224xf32, #tpu.memory_space<hbm>> -> memref<632xf32, #tpu.memory_space<hbm>>
      tpu.enqueue_dma source(%arg8 : memref<632xf32, #tpu.memory_space<vmem>>) target(%dma_start3A_12 : memref<632xf32, #tpu.memory_space<hbm>>) target_semaphore(%run_scoped3A : memref<!tpu.dma_semaphore, #tpu.memory_space<semaphore_mem>>)
      %dma_wait3A = tpu.memref_slice %arg5[%add3A_11] : memref<20224xf32, #tpu.memory_space<hbm>> -> memref<632xf32, #tpu.memory_space<hbm>>
      %dma_wait3A_13 = tpu.memref_slice %arg5[%add3A_11] : memref<20224xf32, #tpu.memory_space<hbm>> -> memref<632xf32, #tpu.memory_space<hbm>>
      tpu.wait_dma2 semaphore(%run_scoped3A : memref<!tpu.dma_semaphore, #tpu.memory_space<semaphore_mem>>) src(%arg8 : memref<632xf32, #tpu.memory_space<vmem>>) dst(%dma_wait3A_13 : memref<632xf32, #tpu.memory_space<hbm>>)
      tpu.yield
    }) : () -> ()
    return
  }
}

module attributes {stable_mosaic.version = 14 : i64} {
  func.func @xw_body(%arg0: i32, %arg1: memref<2048x128xf32, #tpu.memory_space<vmem>>, %arg2: memref<128x128xf32, #tpu.memory_space<vmem>>, %arg3: memref<2048x128xf32, #tpu.memory_space<vmem>>) attributes {dimension_semantics = [#tpu.dimension_semantics<arbitrary>], iteration_bounds = array<i64: 5>, scalar_prefetch = 0 : i64, scratch_operands = 0 : i64, tpu.core_type = #tpu.core_type<tc>, window_params = [{transform_indices = @transform_0, window_bounds = array<i64: 2048, 128>}, {pipeline_mode = #tpu.pipeline_mode<synchronous>, transform_indices = @transform_1, window_bounds = array<i64: 128, 128>}, {transform_indices = @transform_2, window_bounds = array<i64: 2048, 128>}]} {
    %get3A = arith.constant 0 : index
    %get3A_0 = arith.constant 0 : index
    %get3A_1 = vector.load %arg1[%get3A, %get3A_0] : memref<2048x128xf32, #tpu.memory_space<vmem>>, vector<2048x128xf32>
    %get3A_2 = arith.constant 0 : index
    %get3A_3 = arith.constant 0 : index
    %get3A_4 = vector.load %arg2[%get3A_2, %get3A_3] : memref<128x128xf32, #tpu.memory_space<vmem>>, vector<128x128xf32>
    %dot_general3A = arith.constant dense<0.000000e+00> : vector<2048x128xf32>
    %dot_general3A_5 = tpu.matmul %get3A_1, %get3A_4, %dot_general3A {dimension_numbers = #tpu.dot_dimension_numbers<[1], [0], [0], [1], [0, 0, 1, 1], [], []>, transpose_lhs_hint = false} : vector<2048x128xf32>, vector<128x128xf32>, vector<2048x128xf32> -> vector<2048x128xf32>
    %swap3A = arith.constant 0 : index
    %swap3A_6 = arith.constant 0 : index
    %swap3A_7 = vector.load %arg3[%swap3A, %swap3A_6] : memref<2048x128xf32, #tpu.memory_space<vmem>>, vector<2048x128xf32>
    tpu.vector_store %arg3[%swap3A, %swap3A_6], %dot_general3A_5 {strides = array<i32>} : memref<2048x128xf32, #tpu.memory_space<vmem>>, vector<2048x128xf32>,
    return
  }
  func.func @transform_0(%arg0: i32) -> (i32, i32) {
    %c0_i32 = arith.constant 0 : i32
    %c0_i32_0 = arith.constant 0 : i32
    return %arg0, %c0_i32 : i32, i32
  }
  func.func @transform_1(%arg0: i32) -> (i32, i32) {
    %c0_i32 = arith.constant 0 : i32
    %c0_i32_0 = arith.constant 0 : i32
    %c0_i32_1 = arith.constant 0 : i32
    return %c0_i32, %c0_i32_0 : i32, i32
  }
  func.func @transform_2(%arg0: i32) -> (i32, i32) {
    %c0_i32 = arith.constant 0 : i32
    %c0_i32_0 = arith.constant 0 : i32
    return %arg0, %c0_i32 : i32, i32
  }
}

module attributes {stable_mosaic.version = 14 : i64} {
  func.func @y_body(%arg0: i32, %arg1: memref<2048x128xf32, #tpu.memory_space<vmem>>, %arg2: memref<2048x2xf32, #tpu.memory_space<vmem>>, %arg3: memref<2048x128xf32, #tpu.memory_space<vmem>>) attributes {dimension_semantics = [#tpu.dimension_semantics<arbitrary>], iteration_bounds = array<i64: 5>, scalar_prefetch = 0 : i64, scratch_operands = 0 : i64, tpu.core_type = #tpu.core_type<tc>, window_params = [{transform_indices = @transform_0, window_bounds = array<i64: 2048, 128>}, {transform_indices = @transform_1, window_bounds = array<i64: 2048, 2>}, {transform_indices = @transform_2, window_bounds = array<i64: 2048, 128>}]} {
    %get3A = arith.constant 0 : index
    %get3A_0 = arith.constant 0 : index
    %get3A_1 = vector.load %arg2[%get3A, %get3A_0] : memref<2048x2xf32, #tpu.memory_space<vmem>>, vector<2048x2xf32>
    %slice3A = vector.extract_strided_slice %get3A_1 {offsets = [0, 0], sizes = [2048, 1], strides = [1, 1]} : vector<2048x2xf32> to vector<2048x1xf32>
    %slice3A_2 = vector.extract_strided_slice %get3A_1 {offsets = [0, 1], sizes = [2048, 1], strides = [1, 1]} : vector<2048x2xf32> to vector<2048x1xf32>
    %add3A = arith.addf %slice3A, %slice3A_2 : vector<2048x1xf32>
    %add3A_3 = arith.constant 1.000000e+00 : f32
    %add3A_4 = vector.broadcast %add3A_3 : f32 to vector<2048x1xf32>
    %add3A_5 = arith.addf %add3A, %add3A_4 : vector<2048x1xf32>
    %rsqrt3A = math.rsqrt %add3A_5 : vector<2048x1xf32>
    %get3A_6 = arith.constant 0 : index
    %get3A_7 = arith.constant 0 : index
    %get3A_8 = vector.load %arg1[%get3A_6, %get3A_7] : memref<2048x128xf32, #tpu.memory_space<vmem>>, vector<2048x128xf32>
    %mul3A = vector.broadcast %rsqrt3A : vector<2048x1xf32> to vector<2048x128xf32>
    %mul3A_9 = arith.mulf %get3A_8, %mul3A : vector<2048x128xf32>
    %swap3A = arith.constant 0 : index
    %swap3A_10 = arith.constant 0 : index
    %swap3A_11 = vector.load %arg3[%swap3A, %swap3A_10] : memref<2048x128xf32, #tpu.memory_space<vmem>>, vector<2048x128xf32>
    tpu.vector_store %arg3[%swap3A, %swap3A_10], %mul3A_9 {strides = array<i32>} : memref<2048x128xf32, #tpu.memory_space<vmem>>, vector<2048x128xf32>,
    return
  }
  func.func @transform_0(%arg0: i32) -> (i32, i32) {
    %c0_i32 = arith.constant 0 : i32
    %c0_i32_0 = arith.constant 0 : i32
    return %arg0, %c0_i32 : i32, i32
  }
  func.func @transform_1(%arg0: i32) -> (i32, i32) {
    %c0_i32 = arith.constant 0 : i32
    %c0_i32_0 = arith.constant 0 : i32
    return %arg0, %c0_i32 : i32, i32
  }
  func.func @transform_2(%arg0: i32) -> (i32, i32) {
    %c0_i32 = arith.constant 0 : i32
    %c0_i32_0 = arith.constant 0 : i32
    return %arg0, %c0_i32 : i32, i32
  }
}

module attributes {stable_mosaic.version = 14 : i64} {
  func.func @head_body(%arg0: i32, %arg1: memref<2x2048x128xf32, #tpu.memory_space<vmem>>, %arg2: memref<2048x128xf32, #tpu.memory_space<vmem>>, %arg3: memref<2048x2xf32, #tpu.memory_space<vmem>>, %arg4: memref<1x128xf32, #tpu.memory_space<vmem>>, %arg5: memref<128x1xf32, #tpu.memory_space<vmem>>, %arg6: memref<1x1xf32, #tpu.memory_space<vmem>>, %arg7: memref<2048x1xf32, #tpu.memory_space<vmem>>) attributes {dimension_semantics = [#tpu.dimension_semantics<arbitrary>], iteration_bounds = array<i64: 5>, scalar_prefetch = 0 : i64, scratch_operands = 0 : i64, tpu.core_type = #tpu.core_type<tc>, window_params = [{transform_indices = @transform_0, window_bounds = array<i64: 2, 2048, 128>}, {transform_indices = @transform_1, window_bounds = array<i64: 2048, 128>}, {transform_indices = @transform_2, window_bounds = array<i64: 2048, 2>}, {pipeline_mode = #tpu.pipeline_mode<synchronous>, transform_indices = @transform_3, window_bounds = array<i64: 1, 128>}, {pipeline_mode = #tpu.pipeline_mode<synchronous>, transform_indices = @transform_4, window_bounds = array<i64: 128, 1>}, {pipeline_mode = #tpu.pipeline_mode<synchronous>, transform_indices = @transform_5, window_bounds = array<i64: 1, 1>}, {transform_indices = @transform_6, window_bounds = array<i64: 2048, 1>}]} {
    %get3A = arith.constant 0 : index
    %get3A_0 = arith.constant 0 : index
    %get3A_1 = vector.load %arg3[%get3A, %get3A_0] : memref<2048x2xf32, #tpu.memory_space<vmem>>, vector<2048x2xf32>
    %slice3A = vector.extract_strided_slice %get3A_1 {offsets = [0, 0], sizes = [2048, 1], strides = [1, 1]} : vector<2048x2xf32> to vector<2048x1xf32>
    %slice3A_2 = vector.extract_strided_slice %get3A_1 {offsets = [0, 1], sizes = [2048, 1], strides = [1, 1]} : vector<2048x2xf32> to vector<2048x1xf32>
    %add3A = arith.addf %slice3A, %slice3A_2 : vector<2048x1xf32>
    %add3A_3 = arith.constant 1.000000e+00 : f32
    %add3A_4 = vector.broadcast %add3A_3 : f32 to vector<2048x1xf32>
    %add3A_5 = arith.addf %add3A, %add3A_4 : vector<2048x1xf32>
    %rsqrt3A = math.rsqrt %add3A_5 : vector<2048x1xf32>
    %get3A_6 = arith.constant 0 : index
    %get3A_7 = arith.constant 0 : index
    %get3A_8 = arith.constant 0 : index
    %get3A_9 = vector.load %arg1[%get3A_6, %get3A_7, %get3A_8] : memref<2x2048x128xf32, #tpu.memory_space<vmem>>, vector<1x2048x128xf32>
    %get3A_10 = vector.shape_cast %get3A_9 : vector<1x2048x128xf32> to vector<2048x128xf32>
    %get3A_11 = arith.constant 1 : index
    %get3A_12 = arith.constant 0 : index
    %get3A_13 = arith.constant 0 : index
    %get3A_14 = vector.load %arg1[%get3A_11, %get3A_12, %get3A_13] : memref<2x2048x128xf32, #tpu.memory_space<vmem>>, vector<1x2048x128xf32>
    %get3A_15 = vector.shape_cast %get3A_14 : vector<1x2048x128xf32> to vector<2048x128xf32>
    %add3A_16 = arith.addf %get3A_10, %get3A_15 : vector<2048x128xf32>
    %get3A_17 = arith.constant 0 : index
    %get3A_18 = arith.constant 0 : index
    %get3A_19 = vector.load %arg2[%get3A_17, %get3A_18] : memref<2048x128xf32, #tpu.memory_space<vmem>>, vector<2048x128xf32>
    %add3A_20 = arith.addf %add3A_16, %get3A_19 : vector<2048x128xf32>
    %mul3A = vector.broadcast %rsqrt3A : vector<2048x1xf32> to vector<2048x128xf32>
    %mul3A_21 = arith.mulf %add3A_20, %mul3A : vector<2048x128xf32>
    %get3A_22 = arith.constant 0 : index
    %get3A_23 = arith.constant 0 : index
    %get3A_24 = vector.load %arg4[%get3A_22, %get3A_23] : memref<1x128xf32, #tpu.memory_space<vmem>>, vector<1x128xf32>
    %add3A_25 = vector.broadcast %get3A_24 : vector<1x128xf32> to vector<2048x128xf32>
    %add3A_26 = arith.addf %mul3A_21, %add3A_25 : vector<2048x128xf32>
    %max3A = arith.constant 0.000000e+00 : f32
    %max3A_27 = vector.broadcast %max3A : f32 to vector<2048x128xf32>
    %max3A_28 = arith.maximumf %add3A_26, %max3A_27 : vector<2048x128xf32>
    %get3A_29 = arith.constant 0 : index
    %get3A_30 = arith.constant 0 : index
    %get3A_31 = vector.load %arg5[%get3A_29, %get3A_30] : memref<128x1xf32, #tpu.memory_space<vmem>>, vector<128x1xf32>
    %dot_general3A = arith.constant dense<0.000000e+00> : vector<2048x1xf32>
    %dot_general3A_32 = tpu.matmul %max3A_28, %get3A_31, %dot_general3A {dimension_numbers = #tpu.dot_dimension_numbers<[1], [0], [0], [1], [0, 0, 1, 1], [], []>, transpose_lhs_hint = false} : vector<2048x128xf32>, vector<128x1xf32>, vector<2048x1xf32> -> vector<2048x1xf32>
    %get3A_33 = arith.constant 0 : index
    %get3A_34 = arith.constant 0 : index
    %get3A_35 = vector.load %arg6[%get3A_33, %get3A_34] : memref<1x1xf32, #tpu.memory_space<vmem>>, vector<1x1xf32>
    %add3A_36 = vector.broadcast %get3A_35 : vector<1x1xf32> to vector<2048x1xf32>
    %add3A_37 = arith.addf %dot_general3A_32, %add3A_36 : vector<2048x1xf32>
    %swap3A = arith.constant 0 : index
    %swap3A_38 = arith.constant 0 : index
    %swap3A_39 = vector.load %arg7[%swap3A, %swap3A_38] : memref<2048x1xf32, #tpu.memory_space<vmem>>, vector<2048x1xf32>
    tpu.vector_store %arg7[%swap3A, %swap3A_38], %add3A_37 {strides = array<i32>} : memref<2048x1xf32, #tpu.memory_space<vmem>>, vector<2048x1xf32>,
    return
  }
  func.func @transform_0(%arg0: i32) -> (i32, i32, i32) {
    %c0_i32 = arith.constant 0 : i32
    %c0_i32_0 = arith.constant 0 : i32
    %c0_i32_1 = arith.constant 0 : i32
    return %c0_i32, %arg0, %c0_i32_0 : i32, i32, i32
  }
  func.func @transform_1(%arg0: i32) -> (i32, i32) {
    %c0_i32 = arith.constant 0 : i32
    %c0_i32_0 = arith.constant 0 : i32
    return %arg0, %c0_i32 : i32, i32
  }
  func.func @transform_2(%arg0: i32) -> (i32, i32) {
    %c0_i32 = arith.constant 0 : i32
    %c0_i32_0 = arith.constant 0 : i32
    return %arg0, %c0_i32 : i32, i32
  }
  func.func @transform_3(%arg0: i32) -> (i32, i32) {
    %c0_i32 = arith.constant 0 : i32
    %c0_i32_0 = arith.constant 0 : i32
    %c0_i32_1 = arith.constant 0 : i32
    return %c0_i32, %c0_i32_0 : i32, i32
  }
  func.func @transform_4(%arg0: i32) -> (i32, i32) {
    %c0_i32 = arith.constant 0 : i32
    %c0_i32_0 = arith.constant 0 : i32
    %c0_i32_1 = arith.constant 0 : i32
    return %c0_i32, %c0_i32_0 : i32, i32
  }
  func.func @transform_5(%arg0: i32) -> (i32, i32) {
    %c0_i32 = arith.constant 0 : i32
    %c0_i32_0 = arith.constant 0 : i32
    %c0_i32_1 = arith.constant 0 : i32
    return %c0_i32, %c0_i32_0 : i32, i32
  }
  func.func @transform_6(%arg0: i32) -> (i32, i32) {
    %c0_i32 = arith.constant 0 : i32
    %c0_i32_0 = arith.constant 0 : i32
    return %arg0, %c0_i32 : i32, i32
  }
}

</mosaic_0001>

<sc_bundles>
// kernel: kernel.10.cloned.1.call-start
scs
__scs_entry_jumppad:
0x0: {  	(pc) =	sbr.rel $0x88, $3  }
0x1: {  	(tag) =	ssettag $0x0;
	lr =	simm.s32 $0x1  }
0x2: {  	[smem:$0x3F9B] =	sst lr;
	_ =	strace $0xD0000000  }
0x3: {  	_ = 	snop  }
0x4: {  	_ = 	snop  }
0x5: {  	_ = 	snop  }
0x6: {  	_ = 	snop  }
0x7: {  	_ = 	snop  }
__scs_overlays_trampoline_lowered:
0x8: {  	[smem:$0x3FAA] =	sst s0  }
0x9: {  	[smem:$0x3FAB] =	sst s1  }
0xa: {  	[smem:$0x3FAC] =	sst s2  }
0xb: {  	[smem:$0x3FAD] =	sst s3  }
0xc: {  	[smem:$0x3FAE] =	sst s4  }
0xd: {  	[smem:$0x3FAF] =	sst s5  }
0xe: {  	[smem:$0x3FB0] =	sst s6  }
0xf: {  	[smem:$0x3FB1] =	sst s7  }
0x10: {  	[smem:$0x3FB2] =	sst s8  }
0x11: {  	[smem:$0x3FB3] =	sst s9;
	s0 =	simm.s32 @!p0 $0x0  }
0x12: {  	s1 =	sld [smem:$0x3F99];
	s0 =	simm.s32 @p0 $0x1  }
0x13: {  	[smem:$0x3FB4] =	sst s0;
	s0 =	simm.s32 @!p1 $0x0  }
0x14: {  	s2 =	sld [smem:$0x3F98];
	s0 =	simm.s32 @p1 $0x1  }
0x15: {  	[smem:$0x3FB5] =	sst s0;
	s0 =	simm.s32 @!p2 $0x0  }
0x16: {  	s3 =	sld [smem:$0x3FDB];
	s0 =	simm.s32 @p2 $0x1  }
0x17: {  	s4 =	simm.s32 $0x1BF5;
	[smem:$0x3FB7] =	sst s0  }
0x18: {  	s0 =	sld [smem:$0x3F9A];
	_ =	swait.ge [sflag:s4], $0x0  }
0x19: {  	s7 =	sld [smem:$0x3F9B]  }
0x1a: {  	s8 =	sadd.s32 $0xFFFFE003, lr  }
0x1b: {  	s9 =	sadd.s32 $0xFFFFFEF7, lr;
	s5 =	simm.s32 $0xFFFFFFFF;
	p2 =	slt.u32 s8, $0xFFFFF086  }
0x1c: {  	p1 =	slt.u32 s9, $0xF7A;
	s5 =	simm.s32 @!p2 $0x0  }
0x1d: {  	s5 =	simm.s32 @p1 $0x1;
	p0 =	seq.s32 s7, s2  }
0x1e: {  	s7 =	smul.u32 @!p0 $0xF7A, s2;
	p2 =	seq.s32 @!p0 s5, $0x0  }
0x1f: {  	s9 =	smul.u32 $0xF7A, s1;
	s8 =	simm.s32 @!p0 $0x1BF5;
	p2 =	por !p2, p0  }
0x20: {  	[sflag:s8] =	ssyncset.s32 @!p0 $0xFFFFF086;
	s6 =	sadd.s32 @!p0 s3, s7;
	s7 =	simm.s32 @!p0 $0x108  }
0x21: {  	s3 =	sadd.s32 s3, s9;
	s6 =	sadd.s32 @!p0 $0x88, s6;
	s7 =	simm.s32 @p2 $0x1082  }
0x22: {  	[simem:s7], [sflag:s8] =	dma.local @!p0 [hbm:s6], $0xF7A  }
0x23: {  	s9 =	sor.u32 $0xD0000000, s2;
	s6 =	simm.s32 $0x108;
	_ =	swait.ge @!p0 [sflag:s8], $0x0  }
0x24: {  	s3 =	sadd.s32 $0x88, s3;
	s6 =	simm.s32 @!p1 $0x1082;
	[sflag:s4] =	ssyncset.s32 $0xFFFFF086  }
0x25: {  	[simem:s6], [sflag:s4] =	dma.local [hbm:s3], $0xF7A  }
0x26: {  	[smem:$0x3F9B] =	sst s1;
	(tag) =	ssettag s2;
	_ =	strace s9  }
0x27: {  	s1 =	sld [smem:$0x3FAB]  }
0x28: {  	s2 =	sld [smem:$0x3FAC]  }
0x29: {  	s4 =	sld [smem:$0x3FAE]  }
0x2a: {  	p0 =	seq.s32 s5, $0x0;
	s5 =	sld [smem:$0x3FAF]  }
0x2b: {  	s6 =	sld [smem:$0x3FB0]  }
0x2c: {  	s7 =	sld [smem:$0x3FB1]  }
0x2d: {  	s3 =	simm.s32 $0x108;
	s8 =	sld [smem:$0x3FB2]  }
0x2e: {  	s3 =	simm.s32 @!p0 $0x1082;
	s9 =	sld [smem:$0x3FB3]  }
0x2f: {  	lr =	sadd.s32 s0, s3;
	s0 =	sld [smem:$0x3FAA]  }
0x30: {  	s3 =	sld [smem:$0x3FAD]  }
0x31: {  	[smem:$0x3FB6] =	sst s10  }
0x32: {  	s10 =	sld [smem:$0x3FB4];
	_ =	sdelay $0x3  }
0x33: {  	p0 =	seq.s32 s10, $0x1;
	s10 =	sld [smem:$0x3FB6];
	_ =	sdelay $0x3  }
0x34: {  	[smem:$0x3FB6] =	sst s10  }
0x35: {  	s10 =	sld [smem:$0x3FB5];
	_ =	sdelay $0x3  }
0x36: {  	p1 =	seq.s32 s10, $0x1;
	s10 =	sld [smem:$0x3FB6];
	_ =	sdelay $0x3  }
0x37: {  	[smem:$0x3FB6] =	sst s10  }
0x38: {  	s10 =	sld [smem:$0x3FB7]  }
0x39: {  	_ = 	snop;
	(pc) =	sbr.ind lr, $3  }
0x3a: {  	_ = 	snop  }
0x3b: {  	_ = 	snop  }
0x3c: {  	p2 =	seq.s32 s10, $0x1;
	s10 =	sld [smem:$0x3FB6]  }
0x3d: {  	_ =	shalt  }
0x3e: {  	_ =	shalt  }
0x3f: {  	_ =	shalt  }
0x40: {  	_ =	shalt  }
0x41: {  	_ =	shalt  }
0x42: {  	_ =	shalt  }
0x43: {  	_ =	shalt  }
0x44: {  	_ =	shalt  }
0x45: {  	_ =	shalt  }
0x46: {  	_ =	shalt  }
0x47: {  	_ =	shalt  }
0x48: {  	_ =	shalt  }
0x49: {  	_ =	shalt  }
0x4a: {  	_ =	shalt  }
0x4b: {  	_ =	shalt  }
0x4c: {  	_ =	shalt  }
0x4d: {  	_ =	shalt  }
0x4e: {  	_ =	shalt  }
0x4f: {  	_ =	shalt  }
0x50: {  	_ =	shalt  }
0x51: {  	_ =	shalt  }
0x52: {  	_ =	shalt  }
0x53: {  	_ =	shalt  }
0x54: {  	_ =	shalt  }
0x55: {  	_ =	shalt  }
0x56: {  	_ =	shalt  }
0x57: {  	_ =	shalt  }
0x58: {  	_ =	shalt  }
0x59: {  	_ =	shalt  }
0x5a: {  	_ =	shalt  }
0x5b: {  	_ =	shalt  }
0x5c: {  	_ =	shalt  }
0x5d: {  	_ =	shalt  }
0x5e: {  	_ =	shalt  }
0x5f: {  	_ =	shalt  }
0x60: {  	_ =	shalt  }
0x61: {  	_ =	shalt  }
0x62: {  	_ =	shalt  }
0x63: {  	_ =	shalt  }
0x64: {  	_ =	shalt  }
0x65: {  	_ =	shalt  }
0x66: {  	_ =	shalt  }
0x67: {  	_ =	shalt  }
0x68: {  	_ =	shalt  }
0x69: {  	_ =	shalt  }
0x6a: {  	_ =	shalt  }
0x6b: {  	_ =	shalt  }
0x6c: {  	_ =	shalt  }
0x6d: {  	_ =	shalt  }
0x6e: {  	_ =	shalt  }
0x6f: {  	_ =	shalt  }
0x70: {  	_ =	shalt  }
0x71: {  	_ =	shalt  }
0x72: {  	_ =	shalt  }
0x73: {  	_ =	shalt  }
0x74: {  	_ =	shalt  }
0x75: {  	_ =	shalt  }
0x76: {  	_ =	shalt  }
0x77: {  	_ =	shalt  }
0x78: {  	_ =	shalt  }
0x79: {  	_ =	shalt  }
0x7a: {  	_ =	shalt  }
0x7b: {  	_ =	shalt  }
0x7c: {  	_ =	shalt  }
0x7d: {  	_ =	shalt  }
0x7e: {  	_ =	shalt  }
0x7f: {  	_ =	shalt  }
0x80: {  	_ =	shalt  }
0x81: {  	_ =	shalt  }
0x82: {  	_ =	shalt  }
0x83: {  	_ =	shalt  }
0x84: {  	_ =	shalt  }
0x85: {  	_ =	shalt  }
0x86: {  	_ =	shalt  }
0x87: {  	_ =	shalt  }
.Lfunc_end0:
.L_simem_size_0:
called_computation.1_lowered:
.L_overlay_start_0:
0x88: {  	s2 =	sld [smem:$0x3FD9]  }
0x89: {  	s3 =	sld [smem:$0x3FFE];
	_ =	sdelay $0x1  }
0x8a: {  	s1 =	srdreg.scid  }
0x8b: {  	s0 =	sand.u32 $0x1, s1  }
0x8c: {  	s16 =	sshll.u32 s0, $0xA;
	s2 =	sadd.s32 s3, s2  }
0x8d: {  	s2 =	sadd.s32 s2, s16  }
0x8e: {  	[smem:$0x3FC2] =	sst s2  }
0x8f: {  	_ = 	snop  }
0x90: {  	(tm) =	ssettm $0x1  }
0x91: {  	s17 =	sld [smem:$0x3FFB];
	_ =	sdelay $0x3  }
0x92: {  	_ =	strace s17  }
0x93: {  	s2 =	sld [smem:$0x3FFC];
	_ =	sdelay $0x3  }
0x94: {  	_ =	strace s2  }
0x95: {  	s2 =	sld [smem:$0x3FFD];
	_ =	sdelay $0x3  }
0x96: {  	_ =	strace s2  }
0x97: {  	_ =	strace $0x8FFFFFFF  }
0x98: {  	s18 =	sld [smem:$0x3FDB];
	_ =	sdelay $0x1  }
0x99: {  	s19 =	simm.s32 $_scs_section_size  }
0x9a: {  	s4 =	simm.s32 $_size__tile_overlayer_lowered;
	s5 =	simm.s32 $_tile_overlayer_lowered  }
0x9b: {  	s22 =	simm.s32 $0x1BFF;
	s21 =	sshll.u32 s5, $0x1;
	s2 =	sadd.s32 s19, s18  }
0x9c: {  	s6 =	simm.s32 $0x0;
	s20 =	sshll.u32 s4, $0x1;
	s4 =	sadd.s32 s21, s2  }
0x9d: {  	[timem:s6], [sflag:s22] =	dma.local [hbm:s4], s20  }
0x9e: {  	_ =	swait.ge [sflag:s22], s20  }
0x9f: {  	s3 =	ssub.s32 $0x0, s20;
	[sflag:s22] =	ssyncset.done $0x0  }
0xa0: {  	[sflag:s22] =	ssyncadd.s32 s3;
	_ =	sdelay $0x1  }
0xa1: {  	s23 =	simm.s32 $0x1B8B  }
0xa2: {  	_ =	swait.ge [sflag:s23], $0x1  }
0xa3: {  	[sflag:s23] =	ssyncset.done $0x0  }
0xa4: {  	s25 =	simm.s32 $0x1B8E;
	s24 =	sld [smem:$0x3FFE];
	[sflag:s23] =	ssyncadd.s32 $0xFFFFFFFF  }
0xa5: {  	s26 =	simm.s32 $execute0_lowered;
	[smem:$0x3FD2] =	sst s25  }
0xa6: {  	s4 =	sshll.u32 s26, $0x1;
	_ =	strace $0x80000049;
	[dreg:$0x1] =	wrdreg $0xFFFFFFFF  }
0xa7: {  	s28 =	simm.s32 $_size_execute0_lowered;
	s2 =	sadd.s32 s2, s4;
	[dreg:$0x0] =	wrdreg $0x0  }
0xa8: {  	s4 =	sshll.u32 s28, $0x1;
	[dreg:$0x2] =	wrdreg s2  }
0xa9: {  	[dreg:$0x3] =	wrdreg s4  }
0xaa: {  	[dreg:$0x4] =	wrdreg $0xC0  }
0xab: {  	_ =	task [dreg:s6], $0x5FFFF  }
0xac: {  	[dreg:$0x1] =	wrdreg $0xFFFFFFFF  }
0xad: {  	[dreg:$0x0] =	wrdreg $0x60  }
0xae: {  	[dreg:$0x2] =	wrdreg s24  }
0xaf: {  	[dreg:$0x3] =	wrdreg $0x90000  }
0xb0: {  	[dreg:$0x4] =	wrdreg $0x9  }
0xb1: {  	_ =	task.clear_ibuf [dreg:s6], $0x5FFFF;
	_ =	strace $0x90000049  }
0xb2: {  	s29 =	simm.s32 $0x9;
	_ =	strace $0x8000004B  }
0xb3: {  	_ =	swait.ge [sflag:s29], $0x1  }
0xb4: {  	[sflag:s29] =	ssyncadd.s32 $0xFFFFFFFF  }
0xb5: {  	_ =	strace $0x9000004B  }
0xb6: {  	_ =	sfence  }
0xb7: {  	s30 =	sld [smem:$0x0];
	_ =	sdelay $0x2  }
0xb8: {  	s31 =	sshll.u32 s1, $0xD;
	s1 =	sshrl.u32 s1, $0x2  }
0xb9: {  	s3 =	sand.u32 $0x4000, s31;
	s1 =	sadd.s32 s1, s30  }
0xba: {  	s0 =	sor.u32 s3, s0;
	s1 =	sshll.u32 s1, $0x11  }
0xbb: {  	s0 =	sor.u32 s1, s0  }
0xbc: {  	s0 =	sadd.s32 $0x8F2B, s0  }
0xbd: {  	[sflag:s0] =	ssyncadd.remote.s32 $0x1  }
0xbe: {  	_ =	sfence.sel $0xFFFF  }
0xbf: {  	[dreg:$0x0] =	wrdreg $0xFFFFFFFF;
	(pc) =	sbr.abs _section_cstart, $3  }
0xc0: {  	[dreg:$0x1] =	wrdreg $0xFFFFFFFF  }
0xc1: {  	_ =	task.clear_ibuf [dreg:s6], $0x2FFFF;
	_ =	strace $0x9FFFFFFF  }
0xc2: {  	(tm) =	ssettm $0x7FFFFFFF  }
0xc3: {  	_ =	shalt  }
tec
execute0_lowered:
.L_overlay_start_1:
0x0: {  	(tag) =	ssettag $0x1  }
0x1: {  	s0 =	srdreg.scid  }
0x2: {  	s8 =	stileid.u32;
	s1 =	rddreg [dreg:$0x0]  }
0x3: {  	s2 =	rddreg [dreg:$0x1];
	s3 =	simm.s32 $0x0;
	s13 =	simm.s32 $0x880  }
0x4: {  	s16 =	simm.s32 $0x200;
	s28 =	simm.s32 $0xC00;
	s29 =	simm.s32 $0x500  }
0x5: {  	s30 =	simm.s32 $0xC80;
	s0 =	sand.u32 $0x1, s0;
	s4 =	smul.u32 $0x5000, s8  }
0x6: {  	[smem:$0x7FF] =	sst s3;
	s6 =	smul.u32 $0x4F000, s8;
	s7 =	sadd.s32 $0x3CC00, s1  }
0x7: {  	s8 =	smul.u32 $0x13C00, s8;
	_ =	strace $0x8000004A;
	[dreg:$0x13] =	wrdreg s7  }
0x8: {  	s31 =	simm.s32 $0x580;
	s5 =	smul.u32 $0x2800, s0;
	[dreg:$0x6] =	wrdreg s13  }
0x9: {  	s18 =	ssub.s32 $0x2, s0;
	s0 =	smul.u32 $0x13C000, s0;
	[dreg:$0x9] =	wrdreg s16  }
0xa: {  	s13 =	simm.s32 $0x700;
	s16 =	simm.s32 $0xF00;
	s9 =	sshrl.u32 s18, $0x1  }
0xb: {  	s6 =	sshrl.u32 s6, $0x2;
	s19 =	sadd.s32 $0x4000, s8;
	s15 =	sadd.s32 $0x8000, s8  }
0xc: {  	s10 =	sadd.s32 $0xC000, s8;
	s11 =	sadd.s32 $0x10000, s8;
	s4 =	sadd.s32 s5, s4  }
0xd: {  	s7 =	ssub.s32 s18, s9;
	s12 =	sadd.s32 s6, s2;
	s20 =	sadd.s32 s19, s2  }
0xe: {  	s14 =	sadd.s32 s15, s2;
	s21 =	sadd.s32 s10, s2;
	s9 =	sadd.s32 s11, s2  }
0xf: {  	s8 =	sadd.s32 s8, s0;
	s6 =	sadd.s32 s0, s19;
	s15 =	sadd.s32 s0, s15  }
0x10: {  	s25 =	sadd.s32 s0, s10;
	s0 =	sadd.s32 s0, s11;
	[dreg:$0x15] =	wrdreg s20  }
0x11: {  	s18 =	simm.s32 $0x980;
	s19 =	simm.s32 $0x280;
	[dreg:$0x17] =	wrdreg s21  }
0x12: {  	s11 =	simm.s32 $0x680;
	s5 =	sshrl.u32 s4, $0x3;
	[dreg:$0xa] =	wrdreg s18  }
0x13: {  	s4 =	sadd.s32 $0x15A00, s1;
	s8 =	sshrl.u32 s8, $0x3;
	[dreg:$0xb] =	wrdreg s19  }
0x14: {  	s10 =	smov.u32 s14;
	s14 =	simm.s32 $0x180;
	[dreg:$0x18] =	wrdreg s9  }
0x15: {  	s22 =	sshrl.u32 s15, $0x3;
	s15 =	simm.s32 $0x900;
	[dreg:$0x7] =	wrdreg s14  }
0x16: {  	s6 =	sshrl.u32 s6, $0x3;
	s17 =	smax.u32 s7, $0x1;
	[dreg:$0x8] =	wrdreg s15  }
0x17: {  	s26 =	sshrl.u32 s25, $0x3;
	s20 =	simm.s32 $0xA00;
	[dreg:$0x1e] =	wrdreg s17  }
0x18: {  	s0 =	sshrl.u32 s0, $0x3;
	s21 =	simm.s32 $0x300;
	[dreg:$0xc] =	wrdreg s20  }
0x19: {  	s18 =	simm.s32 $0x5;
	s25 =	simm.s32 $0x400;
	[dreg:$0xd] =	wrdreg s21  }
0x1a: {  	s19 =	simm.s32 $0x800;
	s7 =	simm.s32 $0x0;
	[dreg:$0x11] =	wrdreg s25  }
0x1b: {  	s5 =	sadd.s32 s5, s1;
	s1 =	sadd.s32 $0x3D400, s1;
	[dreg:$0x1f] =	wrdreg s7  }
0x1c: {  	s17 =	simm.s32 $0x1000;
	[dreg:$0x16] =	wrdreg s10;
	s8 =	sadd.s32 s1, s8  }
0x1d: {  	s20 =	simm.s32 $0x80;
	s6 =	sadd.s32 s1, s6;
	[dreg:$0x19] =	wrdreg s8  }
0x1e: {  	s21 =	simm.s32 $0x5000;
	s23 =	sadd.s32 s1, s22;
	[dreg:$0x1a] =	wrdreg s6  }
0x1f: {  	s25 =	simm.s32 $0x4;
	s24 =	sadd.s32 $0x1A00, s5;
	[dreg:$0x1b] =	wrdreg s23  }
0x20: {  	s14 =	simm.s32 $0xE80;
	s5 =	sadd.s32 $0xBA00, s5;
	[dreg:$0x3] =	wrdreg s24  }
0x21: {  	s15 =	simm.s32 $0x780;
	s0 =	sadd.s32 s1, s0;
	[dreg:$0x4] =	wrdreg s5  }
0x22: {  	s22 =	simm.s32 $0xA80;
	s8 =	smov.u32 s12;
	[dreg:$0x1d] =	wrdreg s0  }
0x23: {  	s12 =	simm.s32 $0x100;
	s6 =	sadd.s32 s1, s26;
	[dreg:$0xe] =	wrdreg s22  }
0x24: {  	s23 =	simm.s32 $0x380;
	s22 =	simm.s32 $0x1;
	[dreg:$0x1c] =	wrdreg s6  }
0x25: {  	s24 =	simm.s32 $0xB00;
	s26 =	simm.s32 $0xB80;
	[dreg:$0x5] =	wrdreg s12  }
0x26: {  	s1 =	simm.s32 $0xD00;
	s0 =	simm.s32 $0x600;
	[dreg:$0xf] =	wrdreg s23  }
0x27: {  	s5 =	simm.s32 $0xD80;
	s23 =	simm.s32 $0x3;
	[dreg:$0x10] =	wrdreg s24  }
0x28: {  	s24 =	simm.s32 $0x2;
	[dreg:$0x12] =	wrdreg s26;
	s26 =	simm.s32 $0x480  }
0x29: {  	s12 =	simm.s32 $0xE00;
	s6 =	simm.s32 $0xF80;
	[dreg:$0x14] =	wrdreg s8  }
.LBB2_1:
0x2a: {  	s7 =	rddreg [dreg:$0x13]  }
0x2b: {  	[tilespmem:s17], [sflag:$0x5] =	stream.linear.gather [hbm4b:s7+s3], $0x4000, $0x38;
	[tilespmem:$0x1CC00] =	vst v63  }
0x2c: {  	_ =	swait.ge [sflag:s18], $0x4000  }
0x2d: {  	[sflag:s18] =	ssyncset.done $0x0  }
0x2e: {  	[sflag:s18] =	ssyncadd.s32 $0xFFFFC000  }
0x2f: {  	[spmem:s8] =	stream.linear.scatter [tilespmem:s17], [sflag:$0x5], $0x4000, $0x38;
	[tilespmem:$0x1CC00] =	vst v63  }
0x30: {  	_ =	swait.ge [sflag:s18], $0x4000  }
0x31: {  	[sflag:s18] =	ssyncset.done $0x0  }
0x32: {  	s8 =	rddreg [dreg:$0x15];
	[sflag:s18] =	ssyncadd.s32 $0xFFFFC000  }
0x33: {  	[spmem:s8] =	stream.linear.scatter [tilespmem:s17], [sflag:$0x5], $0x4000, $0x38;
	[tilespmem:$0x1CC00] =	vst v63  }
0x34: {  	_ =	swait.ge [sflag:s18], $0x4000  }
0x35: {  	[sflag:s18] =	ssyncset.done $0x0  }
0x36: {  	[sflag:s18] =	ssyncadd.s32 $0xFFFFC000  }
0x37: {  	[spmem:s10] =	stream.linear.scatter [tilespmem:s17], [sflag:$0x5], $0x4000, $0x38;
	[tilespmem:$0x1CC00] =	vst v63  }
0x38: {  	_ =	swait.ge [sflag:s18], $0x4000  }
0x39: {  	[sflag:s18] =	ssyncset.done $0x0  }
0x3a: {  	s8 =	rddreg [dreg:$0x17];
	[sflag:s18] =	ssyncadd.s32 $0xFFFFC000  }
0x3b: {  	[spmem:s8] =	stream.linear.scatter [tilespmem:s17], [sflag:$0x5], $0x4000, $0x38;
	[tilespmem:$0x1CC00] =	vst v63  }
0x3c: {  	_ =	swait.ge [sflag:s18], $0x4000  }
0x3d: {  	[sflag:s18] =	ssyncset.done $0x0  }
0x3e: {  	[sflag:s18] =	ssyncadd.s32 $0xFFFFC000  }
0x3f: {  	[spmem:s9] =	stream.linear.scatter [tilespmem:s17], [sflag:$0x5], $0x3C00, $0x38;
	[tilespmem:$0x1CC00] =	vst v63  }
0x40: {  	_ =	swait.ge [sflag:s18], $0x3C00  }
0x41: {  	[sflag:s18] =	ssyncset.done $0x0  }
0x42: {  	[sflag:s18] =	ssyncadd.s32 $0xFFFFC400  }
0x43: {  	[bflag:$0x0] =	sbarrier.arrive $0xFFFF  }
0x44: {  	s10 =	rddreg [dreg:$0x4]  }
0x45: {  	s8 =	sadd.s32 $0x0, s10  }
0x46: {  	[tilespmem:s3], [sflag:$0x5] =	stream.linear.gather [hbm4b:s8+s3], $0x800, $0x38;
	[tilespmem:$0x1CC00] =	vst v63  }
0x47: {  	_ =	swait.ge [sflag:s18], $0x800  }
0x48: {  	s7 =	rddreg [dreg:$0x3];
	[sflag:s18] =	ssyncset.done $0x0  }
0x49: {  	[sflag:s18] =	ssyncadd.s32 $0xFFFFF800;
	s8 =	sadd.s32 $0x0, s7  }
0x4a: {  	[tilespmem:s19], [sflag:$0x5] =	stream.linear.gather [hbm4b:s8+s3], $0x800, $0x38;
	[tilespmem:$0x1CC00] =	vst v63  }
0x4b: {  	_ =	swait.ge [sflag:s18], $0x800  }
0x4c: {  	[sflag:s18] =	ssyncset.done $0x0  }
0x4d: {  	[sflag:s18] =	ssyncadd.s32 $0xFFFFF800  }
0x4e: {  	[tilespmem:s17], [sflag:$0x1] =	stream.indirect.gather [hbm4b:s4+s20], $0x80, s3, s20, $0xb8;
	[tilespmem:$0x1CC00] =	vst v63  }
0x4f: {  	_ = 	snop  }
0x50: {  	[tilespmem:s21], [sflag:$0x2] =	stream.indirect.gather [hbm4b:s4+s20], $0x80, s20, s20, $0xb8;
	[tilespmem:$0x1CC00] =	vst v63  }
0x51: {  	_ =	swait.ge [sflag:s22], $0x4000  }
0x52: {  	[sflag:s22] =	ssyncset.done $0x0  }
0x53: {  	[sflag:s22] =	ssyncadd.s32 $0xFFFFC000  }
0x54: {  	[spmem:s2] =	stream.indirect.scatter.add.f32 [tilespmem:s17], [sflag:$0x3], $0x80, s19, s20, $0xb8;
	[tilespmem:$0x1CC00] =	vst v63  }
0x55: {  	_ =	swait.ge [sflag:s23], $0x4000  }
0x56: {  	[sflag:s23] =	ssyncset.done $0x0  }
0x57: {  	s9 =	rddreg [dreg:$0x5];
	[sflag:s23] =	ssyncadd.s32 $0xFFFFC000  }
0x58: {  	[tilespmem:s17], [sflag:$0x1] =	stream.indirect.gather [hbm4b:s4+s20], $0x80, s9, s20, $0xb8;
	[tilespmem:$0x1CC00] =	vst v63  }
0x59: {  	_ =	swait.ge [sflag:s24], $0x4000  }
0x5a: {  	[sflag:s24] =	ssyncset.done $0x0  }
0x5b: {  	s10 =	rddreg [dreg:$0x6];
	[sflag:s24] =	ssyncadd.s32 $0xFFFFC000  }
0x5c: {  	[spmem:s2] =	stream.indirect.scatter.add.f32 [tilespmem:s21], [sflag:$0x4], $0x80, s10, s20, $0xb8;
	[tilespmem:$0x1CC00] =	vst v63  }
0x5d: {  	_ =	swait.ge [sflag:s25], $0x4000  }
0x5e: {  	[sflag:s25] =	ssyncset.done $0x0  }
0x5f: {  	s7 =	rddreg [dreg:$0x7];
	[sflag:s25] =	ssyncadd.s32 $0xFFFFC000  }
0x60: {  	[tilespmem:s21], [sflag:$0x2] =	stream.indirect.gather [hbm4b:s4+s20], $0x80, s7, s20, $0xb8;
	[tilespmem:$0x1CC00] =	vst v63  }
0x61: {  	_ =	swait.ge [sflag:s22], $0x4000  }
0x62: {  	[sflag:s22] =	ssyncset.done $0x0  }
0x63: {  	s9 =	rddreg [dreg:$0x8];
	[sflag:s22] =	ssyncadd.s32 $0xFFFFC000  }
0x64: {  	[spmem:s2] =	stream.indirect.scatter.add.f32 [tilespmem:s17], [sflag:$0x3], $0x80, s9, s20, $0xb8;
	[tilespmem:$0x1CC00] =	vst v63  }
0x65: {  	_ =	swait.ge [sflag:s23], $0x4000  }
0x66: {  	[sflag:s23] =	ssyncset.done $0x0  }
0x67: {  	s10 =	rddreg [dreg:$0x9];
	[sflag:s23] =	ssyncadd.s32 $0xFFFFC000  }
0x68: {  	[tilespmem:s17], [sflag:$0x1] =	stream.indirect.gather [hbm4b:s4+s20], $0x80, s10, s20, $0xb8;
	[tilespmem:$0x1CC00] =	vst v63  }
0x69: {  	_ =	swait.ge [sflag:s24], $0x4000  }
0x6a: {  	[sflag:s24] =	ssyncset.done $0x0  }
0x6b: {  	s7 =	rddreg [dreg:$0xa];
	[sflag:s24] =	ssyncadd.s32 $0xFFFFC000  }
0x6c: {  	[spmem:s2] =	stream.indirect.scatter.add.f32 [tilespmem:s21], [sflag:$0x4], $0x80, s7, s20, $0xb8;
	[tilespmem:$0x1CC00] =	vst v63  }
0x6d: {  	_ =	swait.ge [sflag:s25], $0x4000  }
0x6e: {  	[sflag:s25] =	ssyncset.done $0x0  }
0x6f: {  	s9 =	rddreg [dreg:$0xb];
	[sflag:s25] =	ssyncadd.s32 $0xFFFFC000  }
0x70: {  	[tilespmem:s21], [sflag:$0x2] =	stream.indirect.gather [hbm4b:s4+s20], $0x80, s9, s20, $0xb8;
	[tilespmem:$0x1CC00] =	vst v63  }
0x71: {  	_ =	swait.ge [sflag:s22], $0x4000  }
0x72: {  	[sflag:s22] =	ssyncset.done $0x0  }
0x73: {  	s10 =	rddreg [dreg:$0xc];
	[sflag:s22] =	ssyncadd.s32 $0xFFFFC000  }
0x74: {  	[spmem:s2] =	stream.indirect.scatter.add.f32 [tilespmem:s17], [sflag:$0x3], $0x80, s10, s20, $0xb8;
	[tilespmem:$0x1CC00] =	vst v63  }
0x75: {  	_ =	swait.ge [sflag:s23], $0x4000  }
0x76: {  	[sflag:s23] =	ssyncset.done $0x0  }
0x77: {  	s7 =	rddreg [dreg:$0xd];
	[sflag:s23] =	ssyncadd.s32 $0xFFFFC000  }
0x78: {  	[tilespmem:s17], [sflag:$0x1] =	stream.indirect.gather [hbm4b:s4+s20], $0x80, s7, s20, $0xb8;
	[tilespmem:$0x1CC00] =	vst v63  }
0x79: {  	_ =	swait.ge [sflag:s24], $0x4000  }
0x7a: {  	[sflag:s24] =	ssyncset.done $0x0  }
0x7b: {  	s9 =	rddreg [dreg:$0xe];
	[sflag:s24] =	ssyncadd.s32 $0xFFFFC000  }
0x7c: {  	[spmem:s2] =	stream.indirect.scatter.add.f32 [tilespmem:s21], [sflag:$0x4], $0x80, s9, s20, $0xb8;
	[tilespmem:$0x1CC00] =	vst v63  }
0x7d: {  	_ =	swait.ge [sflag:s25], $0x4000  }
0x7e: {  	[sflag:s25] =	ssyncset.done $0x0  }
0x7f: {  	s10 =	rddreg [dreg:$0xf];
	[sflag:s25] =	ssyncadd.s32 $0xFFFFC000  }
0x80: {  	[tilespmem:s21], [sflag:$0x2] =	stream.indirect.gather [hbm4b:s4+s20], $0x80, s10, s20, $0xb8;
	[tilespmem:$0x1CC00] =	vst v63  }
0x81: {  	_ =	swait.ge [sflag:s22], $0x4000  }
0x82: {  	[sflag:s22] =	ssyncset.done $0x0  }
0x83: {  	s7 =	rddreg [dreg:$0x10];
	[sflag:s22] =	ssyncadd.s32 $0xFFFFC000  }
0x84: {  	[spmem:s2] =	stream.indirect.scatter.add.f32 [tilespmem:s17], [sflag:$0x3], $0x80, s7, s20, $0xb8;
	[tilespmem:$0x1CC00] =	vst v63  }
0x85: {  	_ =	swait.ge [sflag:s23], $0x4000  }
0x86: {  	[sflag:s23] =	ssyncset.done $0x0  }
0x87: {  	s9 =	rddreg [dreg:$0x11];
	[sflag:s23] =	ssyncadd.s32 $0xFFFFC000  }
0x88: {  	[tilespmem:s17], [sflag:$0x1] =	stream.indirect.gather [hbm4b:s4+s20], $0x80, s9, s20, $0xb8;
	[tilespmem:$0x1CC00] =	vst v63  }
0x89: {  	_ =	swait.ge [sflag:s24], $0x4000  }
0x8a: {  	[sflag:s24] =	ssyncset.done $0x0  }
0x8b: {  	s10 =	rddreg [dreg:$0x12];
	[sflag:s24] =	ssyncadd.s32 $0xFFFFC000  }
0x8c: {  	[spmem:s2] =	stream.indirect.scatter.add.f32 [tilespmem:s21], [sflag:$0x4], $0x80, s10, s20, $0xb8;
	[tilespmem:$0x1CC00] =	vst v63  }
0x8d: {  	_ =	swait.ge [sflag:s25], $0x4000  }
0x8e: {  	[sflag:s25] =	ssyncset.done $0x0  }
0x8f: {  	[sflag:s25] =	ssyncadd.s32 $0xFFFFC000  }
0x90: {  	[tilespmem:s21], [sflag:$0x2] =	stream.indirect.gather [hbm4b:s4+s20], $0x80, s26, s20, $0xb8;
	[tilespmem:$0x1CC00] =	vst v63  }
0x91: {  	_ =	swait.ge [sflag:s22], $0x4000  }
0x92: {  	[sflag:s22] =	ssyncset.done $0x0  }
0x93: {  	[sflag:s22] =	ssyncadd.s32 $0xFFFFC000  }
0x94: {  	[spmem:s2] =	stream.indirect.scatter.add.f32 [tilespmem:s17], [sflag:$0x3], $0x80, s28, s20, $0xb8;
	[tilespmem:$0x1CC00] =	vst v63  }
0x95: {  	_ =	swait.ge [sflag:s23], $0x4000  }
0x96: {  	[sflag:s23] =	ssyncset.done $0x0  }
0x97: {  	[sflag:s23] =	ssyncadd.s32 $0xFFFFC000  }
0x98: {  	[tilespmem:s17], [sflag:$0x1] =	stream.indirect.gather [hbm4b:s4+s20], $0x80, s29, s20, $0xb8;
	[tilespmem:$0x1CC00] =	vst v63  }
0x99: {  	_ =	swait.ge [sflag:s24], $0x4000  }
0x9a: {  	[sflag:s24] =	ssyncset.done $0x0  }
0x9b: {  	[sflag:s24] =	ssyncadd.s32 $0xFFFFC000  }
0x9c: {  	[spmem:s2] =	stream.indirect.scatter.add.f32 [tilespmem:s21], [sflag:$0x4], $0x80, s30, s20, $0xb8;
	[tilespmem:$0x1CC00] =	vst v63  }
0x9d: {  	_ =	swait.ge [sflag:s25], $0x4000  }
0x9e: {  	[sflag:s25] =	ssyncset.done $0x0  }
0x9f: {  	[sflag:s25] =	ssyncadd.s32 $0xFFFFC000  }
0xa0: {  	[tilespmem:s21], [sflag:$0x2] =	stream.indirect.gather [hbm4b:s4+s20], $0x80, s31, s20, $0xb8;
	[tilespmem:$0x1CC00] =	vst v63  }
0xa1: {  	_ =	swait.ge [sflag:s22], $0x4000  }
0xa2: {  	[sflag:s22] =	ssyncset.done $0x0  }
0xa3: {  	[sflag:s22] =	ssyncadd.s32 $0xFFFFC000  }
0xa4: {  	[spmem:s2] =	stream.indirect.scatter.add.f32 [tilespmem:s17], [sflag:$0x3], $0x80, s1, s20, $0xb8;
	[tilespmem:$0x1CC00] =	vst v63  }
0xa5: {  	_ =	swait.ge [sflag:s23], $0x4000  }
0xa6: {  	[sflag:s23] =	ssyncset.done $0x0  }
0xa7: {  	[sflag:s23] =	ssyncadd.s32 $0xFFFFC000  }
0xa8: {  	[tilespmem:s17], [sflag:$0x1] =	stream.indirect.gather [hbm4b:s4+s20], $0x80, s0, s20, $0xb8;
	[tilespmem:$0x1CC00] =	vst v63  }
0xa9: {  	_ =	swait.ge [sflag:s24], $0x4000  }
0xaa: {  	[sflag:s24] =	ssyncset.done $0x0  }
0xab: {  	[sflag:s24] =	ssyncadd.s32 $0xFFFFC000  }
0xac: {  	[spmem:s2] =	stream.indirect.scatter.add.f32 [tilespmem:s21], [sflag:$0x4], $0x80, s5, s20, $0xb8;
	[tilespmem:$0x1CC00] =	vst v63  }
0xad: {  	_ =	swait.ge [sflag:s25], $0x4000  }
0xae: {  	[sflag:s25] =	ssyncset.done $0x0  }
0xaf: {  	[sflag:s25] =	ssyncadd.s32 $0xFFFFC000  }
0xb0: {  	[tilespmem:s21], [sflag:$0x2] =	stream.indirect.gather [hbm4b:s4+s20], $0x80, s11, s20, $0xb8;
	[tilespmem:$0x1CC00] =	vst v63  }
0xb1: {  	_ =	swait.ge [sflag:s22], $0x4000  }
0xb2: {  	[sflag:s22] =	ssyncset.done $0x0  }
0xb3: {  	[sflag:s22] =	ssyncadd.s32 $0xFFFFC000  }
0xb4: {  	[spmem:s2] =	stream.indirect.scatter.add.f32 [tilespmem:s17], [sflag:$0x3], $0x80, s12, s20, $0xb8;
	[tilespmem:$0x1CC00] =	vst v63  }
0xb5: {  	_ =	swait.ge [sflag:s23], $0x4000  }
0xb6: {  	[sflag:s23] =	ssyncset.done $0x0  }
0xb7: {  	[sflag:s23] =	ssyncadd.s32 $0xFFFFC000  }
0xb8: {  	[tilespmem:s17], [sflag:$0x1] =	stream.indirect.gather [hbm4b:s4+s20], $0x80, s13, s20, $0xb8;
	[tilespmem:$0x1CC00] =	vst v63  }
0xb9: {  	_ =	swait.ge [sflag:s24], $0x4000  }
0xba: {  	[sflag:s24] =	ssyncset.done $0x0  }
0xbb: {  	[sflag:s24] =	ssyncadd.s32 $0xFFFFC000  }
0xbc: {  	[spmem:s2] =	stream.indirect.scatter.add.f32 [tilespmem:s21], [sflag:$0x4], $0x80, s14, s20, $0xb8;
	[tilespmem:$0x1CC00] =	vst v63  }
0xbd: {  	_ =	swait.ge [sflag:s25], $0x4000  }
0xbe: {  	[sflag:s25] =	ssyncset.done $0x0  }
0xbf: {  	[sflag:s25] =	ssyncadd.s32 $0xFFFFC000  }
0xc0: {  	[tilespmem:s21], [sflag:$0x2] =	stream.indirect.gather [hbm4b:s4+s20], $0x80, s15, s20, $0xb8;
	[tilespmem:$0x1CC00] =	vst v63  }
0xc1: {  	_ =	swait.ge [sflag:s22], $0x4000  }
0xc2: {  	[sflag:s22] =	ssyncset.done $0x0  }
0xc3: {  	[sflag:s22] =	ssyncadd.s32 $0xFFFFC000  }
0xc4: {  	[spmem:s2] =	stream.indirect.scatter.add.f32 [tilespmem:s17], [sflag:$0x3], $0x80, s16, s20, $0xb8;
	[tilespmem:$0x1CC00] =	vst v63  }
0xc5: {  	_ =	swait.ge [sflag:s24], $0x4000  }
0xc6: {  	[sflag:s24] =	ssyncset.done $0x0  }
0xc7: {  	[sflag:s24] =	ssyncadd.s32 $0xFFFFC000  }
0xc8: {  	[spmem:s2] =	stream.indirect.scatter.add.f32 [tilespmem:s21], [sflag:$0x4], $0x80, s6, s20, $0xb8;
	[tilespmem:$0x1CC00] =	vst v63  }
0xc9: {  	_ =	swait.ge [sflag:s23], $0x4000  }
0xca: {  	[sflag:s23] =	ssyncset.done $0x0  }
0xcb: {  	[sflag:s23] =	ssyncadd.s32 $0xFFFFC000  }
0xcc: {  	s8 =	simm.s32 $0x100;
	_ =	swait.ge [sflag:s25], $0x4000  }
0xcd: {  	s9 =	simm.s32 $0x200;
	s10 =	rddreg [dreg:$0x4];
	[sflag:s25] =	ssyncset.done $0x0  }
.LBB2_2:
0xce: {  	[sflag:s25] =	ssyncadd.s32 $0xFFFFC000;
	s10 =	sadd.s32 s8, s10  }
0xcf: {  	[tilespmem:s3], [sflag:$0x5] =	stream.linear.gather [hbm4b:s10+s3], $0x800, $0x38;
	[tilespmem:$0x1CC00] =	vst v63  }
0xd0: {  	_ =	swait.ge [sflag:s18], $0x800  }
0xd1: {  	s10 =	rddreg [dreg:$0x3];
	[sflag:s18] =	ssyncset.done $0x0  }
0xd2: {  	[sflag:s18] =	ssyncadd.s32 $0xFFFFF800;
	s10 =	sadd.s32 s8, s10  }
0xd3: {  	[tilespmem:s19], [sflag:$0x5] =	stream.linear.gather [hbm4b:s10+s3], $0x800, $0x38;
	[tilespmem:$0x1CC00] =	vst v63  }
0xd4: {  	_ =	swait.ge [sflag:s18], $0x800  }
0xd5: {  	[sflag:s18] =	ssyncset.done $0x0  }
0xd6: {  	[sflag:s18] =	ssyncadd.s32 $0xFFFFF800  }
0xd7: {  	[tilespmem:s17], [sflag:$0x1] =	stream.indirect.gather [hbm4b:s4+s20], $0x80, s3, s20, $0xb8;
	[tilespmem:$0x1CC00] =	vst v63  }
0xd8: {  	_ = 	snop  }
0xd9: {  	[tilespmem:s21], [sflag:$0x2] =	stream.indirect.gather [hbm4b:s4+s20], $0x80, s20, s20, $0xb8;
	[tilespmem:$0x1CC00] =	vst v63  }
0xda: {  	_ =	swait.ge [sflag:s22], $0x4000  }
0xdb: {  	[sflag:s22] =	ssyncset.done $0x0  }
0xdc: {  	[sflag:s22] =	ssyncadd.s32 $0xFFFFC000  }
0xdd: {  	[spmem:s2] =	stream.indirect.scatter.add.f32 [tilespmem:s17], [sflag:$0x3], $0x80, s19, s20, $0xb8;
	[tilespmem:$0x1CC00] =	vst v63  }
0xde: {  	_ =	swait.ge [sflag:s23], $0x4000  }
0xdf: {  	[sflag:s23] =	ssyncset.done $0x0  }
0xe0: {  	s10 =	rddreg [dreg:$0x5];
	[sflag:s23] =	ssyncadd.s32 $0xFFFFC000  }
0xe1: {  	[tilespmem:s17], [sflag:$0x1] =	stream.indirect.gather [hbm4b:s4+s20], $0x80, s10, s20, $0xb8;
	[tilespmem:$0x1CC00] =	vst v63  }
0xe2: {  	_ =	swait.ge [sflag:s24], $0x4000  }
0xe3: {  	[sflag:s24] =	ssyncset.done $0x0  }
0xe4: {  	s10 =	rddreg [dreg:$0x6];
	[sflag:s24] =	ssyncadd.s32 $0xFFFFC000  }
0xe5: {  	[spmem:s2] =	stream.indirect.scatter.add.f32 [tilespmem:s21], [sflag:$0x4], $0x80, s10, s20, $0xb8;
	[tilespmem:$0x1CC00] =	vst v63  }
0xe6: {  	_ =	swait.ge [sflag:s25], $0x4000  }
0xe7: {  	[sflag:s25] =	ssyncset.done $0x0  }
0xe8: {  	s10 =	rddreg [dreg:$0x7];
	[sflag:s25] =	ssyncadd.s32 $0xFFFFC000  }
0xe9: {  	[tilespmem:s21], [sflag:$0x2] =	stream.indirect.gather [hbm4b:s4+s20], $0x80, s10, s20, $0xb8;
	[tilespmem:$0x1CC00] =	vst v63  }
0xea: {  	_ =	swait.ge [sflag:s22], $0x4000  }
0xeb: {  	[sflag:s22] =	ssyncset.done $0x0  }
0xec: {  	s10 =	rddreg [dreg:$0x8];
	[sflag:s22] =	ssyncadd.s32 $0xFFFFC000  }
0xed: {  	[spmem:s2] =	stream.indirect.scatter.add.f32 [tilespmem:s17], [sflag:$0x3], $0x80, s10, s20, $0xb8;
	[tilespmem:$0x1CC00] =	vst v63  }
0xee: {  	_ =	swait.ge [sflag:s23], $0x4000  }
0xef: {  	[sflag:s23] =	ssyncset.done $0x0  }
0xf0: {  	s10 =	rddreg [dreg:$0x9];
	[sflag:s23] =	ssyncadd.s32 $0xFFFFC000  }
0xf1: {  	[tilespmem:s17], [sflag:$0x1] =	stream.indirect.gather [hbm4b:s4+s20], $0x80, s10, s20, $0xb8;
	[tilespmem:$0x1CC00] =	vst v63  }
0xf2: {  	_ =	swait.ge [sflag:s24], $0x4000  }
0xf3: {  	[sflag:s24] =	ssyncset.done $0x0  }
0xf4: {  	s10 =	rddreg [dreg:$0xa];
	[sflag:s24] =	ssyncadd.s32 $0xFFFFC000  }
0xf5: {  	[spmem:s2] =	stream.indirect.scatter.add.f32 [tilespmem:s21], [sflag:$0x4], $0x80, s10, s20, $0xb8;
	[tilespmem:$0x1CC00] =	vst v63  }
0xf6: {  	_ =	swait.ge [sflag:s25], $0x4000  }
0xf7: {  	[sflag:s25] =	ssyncset.done $0x0  }
0xf8: {  	s10 =	rddreg [dreg:$0xb];
	[sflag:s25] =	ssyncadd.s32 $0xFFFFC000  }
0xf9: {  	[tilespmem:s21], [sflag:$0x2] =	stream.indirect.gather [hbm4b:s4+s20], $0x80, s10, s20, $0xb8;
	[tilespmem:$0x1CC00] =	vst v63  }
0xfa: {  	_ =	swait.ge [sflag:s22], $0x4000  }
0xfb: {  	[sflag:s22] =	ssyncset.done $0x0  }
0xfc: {  	s10 =	rddreg [dreg:$0xc];
	[sflag:s22] =	ssyncadd.s32 $0xFFFFC000  }
0xfd: {  	[spmem:s2] =	stream.indirect.scatter.add.f32 [tilespmem:s17], [sflag:$0x3], $0x80, s10, s20, $0xb8;
	[tilespmem:$0x1CC00] =	vst v63  }
0xfe: {  	_ =	swait.ge [sflag:s23], $0x4000  }
0xff: {  	[sflag:s23] =	ssyncset.done $0x0  }
0x100: {  	s10 =	rddreg [dreg:$0xd];
	[sflag:s23] =	ssyncadd.s32 $0xFFFFC000  }
0x101: {  	[tilespmem:s17], [sflag:$0x1] =	stream.indirect.gather [hbm4b:s4+s20], $0x80, s10, s20, $0xb8;
	[tilespmem:$0x1CC00] =	vst v63  }
0x102: {  	_ =	swait.ge [sflag:s24], $0x4000  }
0x103: {  	[sflag:s24] =	ssyncset.done $0x0  }
0x104: {  	s10 =	rddreg [dreg:$0xe];
	[sflag:s24] =	ssyncadd.s32 $0xFFFFC000  }
0x105: {  	[spmem:s2] =	stream.indirect.scatter.add.f32 [tilespmem:s21], [sflag:$0x4], $0x80, s10, s20, $0xb8;
	[tilespmem:$0x1CC00] =	vst v63  }
0x106: {  	_ =	swait.ge [sflag:s25], $0x4000  }
0x107: {  	[sflag:s25] =	ssyncset.done $0x0  }
0x108: {  	s10 =	rddreg [dreg:$0xf];
	[sflag:s25] =	ssyncadd.s32 $0xFFFFC000  }
0x109: {  	[tilespmem:s21], [sflag:$0x2] =	stream.indirect.gather [hbm4b:s4+s20], $0x80, s10, s20, $0xb8;
	[tilespmem:$0x1CC00] =	vst v63  }
0x10a: {  	_ =	swait.ge [sflag:s22], $0x4000  }
0x10b: {  	[sflag:s22] =	ssyncset.done $0x0  }
0x10c: {  	s10 =	rddreg [dreg:$0x10];
	[sflag:s22] =	ssyncadd.s32 $0xFFFFC000  }
0x10d: {  	[spmem:s2] =	stream.indirect.scatter.add.f32 [tilespmem:s17], [sflag:$0x3], $0x80, s10, s20, $0xb8;
	[tilespmem:$0x1CC00] =	vst v63  }
0x10e: {  	_ =	swait.ge [sflag:s23], $0x4000  }
0x10f: {  	[sflag:s23] =	ssyncset.done $0x0  }
0x110: {  	s10 =	rddreg [dreg:$0x11];
	[sflag:s23] =	ssyncadd.s32 $0xFFFFC000  }
0x111: {  	[tilespmem:s17], [sflag:$0x1] =	stream.indirect.gather [hbm4b:s4+s20], $0x80, s10, s20, $0xb8;
	[tilespmem:$0x1CC00] =	vst v63  }
0x112: {  	_ =	swait.ge [sflag:s24], $0x4000  }
0x113: {  	[sflag:s24] =	ssyncset.done $0x0  }
0x114: {  	s10 =	rddreg [dreg:$0x12];
	[sflag:s24] =	ssyncadd.s32 $0xFFFFC000  }
0x115: {  	[spmem:s2] =	stream.indirect.scatter.add.f32 [tilespmem:s21], [sflag:$0x4], $0x80, s10, s20, $0xb8;
	[tilespmem:$0x1CC00] =	vst v63  }
0x116: {  	_ =	swait.ge [sflag:s25], $0x4000  }
0x117: {  	[sflag:s25] =	ssyncset.done $0x0  }
0x118: {  	[sflag:s25] =	ssyncadd.s32 $0xFFFFC000  }
0x119: {  	[tilespmem:s21], [sflag:$0x2] =	stream.indirect.gather [hbm4b:s4+s20], $0x80, s26, s20, $0xb8;
	[tilespmem:$0x1CC00] =	vst v63  }
0x11a: {  	_ =	swait.ge [sflag:s22], $0x4000  }
0x11b: {  	[sflag:s22] =	ssyncset.done $0x0  }
0x11c: {  	[sflag:s22] =	ssyncadd.s32 $0xFFFFC000  }
0x11d: {  	[spmem:s2] =	stream.indirect.scatter.add.f32 [tilespmem:s17], [sflag:$0x3], $0x80, s28, s20, $0xb8;
	[tilespmem:$0x1CC00] =	vst v63  }
0x11e: {  	_ =	swait.ge [sflag:s23], $0x4000  }
0x11f: {  	[sflag:s23] =	ssyncset.done $0x0  }
0x120: {  	[sflag:s23] =	ssyncadd.s32 $0xFFFFC000  }
0x121: {  	[tilespmem:s17], [sflag:$0x1] =	stream.indirect.gather [hbm4b:s4+s20], $0x80, s29, s20, $0xb8;
	[tilespmem:$0x1CC00] =	vst v63  }
0x122: {  	_ =	swait.ge [sflag:s24], $0x4000  }
0x123: {  	[sflag:s24] =	ssyncset.done $0x0  }
0x124: {  	[sflag:s24] =	ssyncadd.s32 $0xFFFFC000  }
0x125: {  	[spmem:s2] =	stream.indirect.scatter.add.f32 [tilespmem:s21], [sflag:$0x4], $0x80, s30, s20, $0xb8;
	[tilespmem:$0x1CC00] =	vst v63  }
0x126: {  	_ =	swait.ge [sflag:s25], $0x4000  }
0x127: {  	[sflag:s25] =	ssyncset.done $0x0  }
0x128: {  	[sflag:s25] =	ssyncadd.s32 $0xFFFFC000  }
0x129: {  	[tilespmem:s21], [sflag:$0x2] =	stream.indirect.gather [hbm4b:s4+s20], $0x80, s31, s20, $0xb8;
	[tilespmem:$0x1CC00] =	vst v63  }
0x12a: {  	_ =	swait.ge [sflag:s22], $0x4000  }
0x12b: {  	[sflag:s22] =	ssyncset.done $0x0  }
0x12c: {  	[sflag:s22] =	ssyncadd.s32 $0xFFFFC000  }
0x12d: {  	[spmem:s2] =	stream.indirect.scatter.add.f32 [tilespmem:s17], [sflag:$0x3], $0x80, s1, s20, $0xb8;
	[tilespmem:$0x1CC00] =	vst v63  }
0x12e: {  	_ =	swait.ge [sflag:s23], $0x4000  }
0x12f: {  	[sflag:s23] =	ssyncset.done $0x0  }
0x130: {  	[sflag:s23] =	ssyncadd.s32 $0xFFFFC000  }
0x131: {  	[tilespmem:s17], [sflag:$0x1] =	stream.indirect.gather [hbm4b:s4+s20], $0x80, s0, s20, $0xb8;
	[tilespmem:$0x1CC00] =	vst v63  }
0x132: {  	_ =	swait.ge [sflag:s24], $0x4000  }
0x133: {  	[sflag:s24] =	ssyncset.done $0x0  }
0x134: {  	[sflag:s24] =	ssyncadd.s32 $0xFFFFC000  }
0x135: {  	[spmem:s2] =	stream.indirect.scatter.add.f32 [tilespmem:s21], [sflag:$0x4], $0x80, s5, s20, $0xb8;
	[tilespmem:$0x1CC00] =	vst v63  }
0x136: {  	_ =	swait.ge [sflag:s25], $0x4000  }
0x137: {  	[sflag:s25] =	ssyncset.done $0x0  }
0x138: {  	[sflag:s25] =	ssyncadd.s32 $0xFFFFC000  }
0x139: {  	[tilespmem:s21], [sflag:$0x2] =	stream.indirect.gather [hbm4b:s4+s20], $0x80, s11, s20, $0xb8;
	[tilespmem:$0x1CC00] =	vst v63  }
0x13a: {  	_ =	swait.ge [sflag:s22], $0x4000  }
0x13b: {  	[sflag:s22] =	ssyncset.done $0x0  }
0x13c: {  	[sflag:s22] =	ssyncadd.s32 $0xFFFFC000  }
0x13d: {  	[spmem:s2] =	stream.indirect.scatter.add.f32 [tilespmem:s17], [sflag:$0x3], $0x80, s12, s20, $0xb8;
	[tilespmem:$0x1CC00] =	vst v63  }
0x13e: {  	_ =	swait.ge [sflag:s23], $0x4000  }
0x13f: {  	[sflag:s23] =	ssyncset.done $0x0  }
0x140: {  	[sflag:s23] =	ssyncadd.s32 $0xFFFFC000  }
0x141: {  	[tilespmem:s17], [sflag:$0x1] =	stream.indirect.gather [hbm4b:s4+s20], $0x80, s13, s20, $0xb8;
	[tilespmem:$0x1CC00] =	vst v63  }
0x142: {  	_ =	swait.ge [sflag:s24], $0x4000  }
0x143: {  	[sflag:s24] =	ssyncset.done $0x0  }
0x144: {  	[sflag:s24] =	ssyncadd.s32 $0xFFFFC000  }
0x145: {  	[spmem:s2] =	stream.indirect.scatter.add.f32 [tilespmem:s21], [sflag:$0x4], $0x80, s14, s20, $0xb8;
	[tilespmem:$0x1CC00] =	vst v63  }
0x146: {  	_ =	swait.ge [sflag:s25], $0x4000  }
0x147: {  	[sflag:s25] =	ssyncset.done $0x0  }
0x148: {  	[sflag:s25] =	ssyncadd.s32 $0xFFFFC000  }
0x149: {  	[tilespmem:s21], [sflag:$0x2] =	stream.indirect.gather [hbm4b:s4+s20], $0x80, s15, s20, $0xb8;
	[tilespmem:$0x1CC00] =	vst v63  }
0x14a: {  	_ =	swait.ge [sflag:s22], $0x4000  }
0x14b: {  	[sflag:s22] =	ssyncset.done $0x0  }
0x14c: {  	[sflag:s22] =	ssyncadd.s32 $0xFFFFC000  }
0x14d: {  	[spmem:s2] =	stream.indirect.scatter.add.f32 [tilespmem:s17], [sflag:$0x3], $0x80, s16, s20, $0xb8;
	[tilespmem:$0x1CC00] =	vst v63  }
0x14e: {  	_ =	swait.ge [sflag:s24], $0x4000  }
0x14f: {  	[sflag:s24] =	ssyncset.done $0x0  }
0x150: {  	p0 =	sne.s32 s9, $0x400;
	[sflag:s24] =	ssyncadd.s32 $0xFFFFC000  }
0x151: {  	[spmem:s2] =	stream.indirect.scatter.add.f32 [tilespmem:s21], [sflag:$0x4], $0x80, s6, s20, $0xb8;
	[tilespmem:$0x1CC00] =	vst v63  }
.Ltmp0:
0x152: {  	_ =	swait.ge [sflag:s23], $0x4000;
	(pc) =	sbr.rel @p0 .LBB2_2-.Ltmp0, $4  }
0x153: {  	[sflag:s23] =	ssyncset.done $0x0  }
0x154: {  	[sflag:s23] =	ssyncadd.s32 $0xFFFFC000  }
0x155: {  	s7 =	smov.u32 s9;
	s9 =	sadd.s32 $0x100, s9;
	_ =	swait.ge [sflag:s25], $0x4000  }
0x156: {  	s8 =	smov.u32 s7;
	s10 =	rddreg [dreg:$0x4];
	[sflag:s25] =	ssyncset.done $0x0  }
0x157: {  	[sflag:s25] =	ssyncadd.s32 $0xFFFFC000;
	s7 =	sadd.s32 s8, s10  }
0x158: {  	[tilespmem:s3], [sflag:$0x5] =	stream.linear.gather [hbm4b:s7+s3], $0x800, $0x38;
	[tilespmem:$0x1CC00] =	vst v63  }
0x159: {  	_ =	swait.ge [sflag:s18], $0x800  }
0x15a: {  	s10 =	rddreg [dreg:$0x3];
	[sflag:s18] =	ssyncset.done $0x0  }
0x15b: {  	s7 =	sadd.s32 s8, s10;
	[sflag:s18] =	ssyncadd.s32 $0xFFFFF800  }
0x15c: {  	[tilespmem:s19], [sflag:$0x5] =	stream.linear.gather [hbm4b:s7+s3], $0x800, $0x38;
	[tilespmem:$0x1CC00] =	vst v63  }
0x15d: {  	_ =	swait.ge [sflag:s18], $0x800  }
0x15e: {  	[sflag:s18] =	ssyncset.done $0x0  }
0x15f: {  	[sflag:s18] =	ssyncadd.s32 $0xFFFFF800  }
0x160: {  	[tilespmem:s17], [sflag:$0x1] =	stream.indirect.gather [hbm4b:s4+s20], $0x80, s3, s20, $0xb8;
	[tilespmem:$0x1CC00] =	vst v63  }
0x161: {  	_ = 	snop  }
0x162: {  	[tilespmem:s21], [sflag:$0x2] =	stream.indirect.gather [hbm4b:s4+s20], $0x80, s20, s20, $0xb8;
	[tilespmem:$0x1CC00] =	vst v63  }
0x163: {  	_ =	swait.ge [sflag:s22], $0x4000  }
0x164: {  	[sflag:s22] =	ssyncset.done $0x0  }
0x165: {  	[sflag:s22] =	ssyncadd.s32 $0xFFFFC000  }
0x166: {  	[spmem:s2] =	stream.indirect.scatter.add.f32 [tilespmem:s17], [sflag:$0x3], $0x80, s19, s20, $0xb8;
	[tilespmem:$0x1CC00] =	vst v63  }
0x167: {  	_ =	swait.ge [sflag:s23], $0x4000  }
0x168: {  	[sflag:s23] =	ssyncset.done $0x0  }
0x169: {  	s9 =	rddreg [dreg:$0x5];
	[sflag:s23] =	ssyncadd.s32 $0xFFFFC000  }
0x16a: {  	[tilespmem:s17], [sflag:$0x1] =	stream.indirect.gather [hbm4b:s4+s20], $0x80, s9, s20, $0xb8;
	[tilespmem:$0x1CC00] =	vst v63  }
0x16b: {  	_ =	swait.ge [sflag:s24], $0x4000  }
0x16c: {  	[sflag:s24] =	ssyncset.done $0x0  }
0x16d: {  	s10 =	rddreg [dreg:$0x6];
	[sflag:s24] =	ssyncadd.s32 $0xFFFFC000  }
0x16e: {  	[spmem:s2] =	stream.indirect.scatter.add.f32 [tilespmem:s21], [sflag:$0x4], $0x80, s10, s20, $0xb8;
	[tilespmem:$0x1CC00] =	vst v63  }
0x16f: {  	_ =	swait.ge [sflag:s25], $0x4000  }
0x170: {  	[sflag:s25] =	ssyncset.done $0x0  }
0x171: {  	s8 =	rddreg [dreg:$0x7];
	[sflag:s25] =	ssyncadd.s32 $0xFFFFC000  }
0x172: {  	[tilespmem:s21], [sflag:$0x2] =	stream.indirect.gather [hbm4b:s4+s20], $0x80, s8, s20, $0xb8;
	[tilespmem:$0x1CC00] =	vst v63  }
0x173: {  	_ =	swait.ge [sflag:s22], $0x4000  }
0x174: {  	[sflag:s22] =	ssyncset.done $0x0  }
0x175: {  	s9 =	rddreg [dreg:$0x8];
	[sflag:s22] =	ssyncadd.s32 $0xFFFFC000  }
0x176: {  	[spmem:s2] =	stream.indirect.scatter.add.f32 [tilespmem:s17], [sflag:$0x3], $0x80, s9, s20, $0xb8;
	[tilespmem:$0x1CC00] =	vst v63  }
0x177: {  	_ =	swait.ge [sflag:s23], $0x4000  }
0x178: {  	[sflag:s23] =	ssyncset.done $0x0  }
0x179: {  	s10 =	rddreg [dreg:$0x9];
	[sflag:s23] =	ssyncadd.s32 $0xFFFFC000  }
0x17a: {  	[tilespmem:s17], [sflag:$0x1] =	stream.indirect.gather [hbm4b:s4+s20], $0x80, s10, s20, $0xb8;
	[tilespmem:$0x1CC00] =	vst v63  }
0x17b: {  	_ =	swait.ge [sflag:s24], $0x4000  }
0x17c: {  	[sflag:s24] =	ssyncset.done $0x0  }
0x17d: {  	s8 =	rddreg [dreg:$0xa];
	[sflag:s24] =	ssyncadd.s32 $0xFFFFC000  }
0x17e: {  	[spmem:s2] =	stream.indirect.scatter.add.f32 [tilespmem:s21], [sflag:$0x4], $0x80, s8, s20, $0xb8;
	[tilespmem:$0x1CC00] =	vst v63  }
0x17f: {  	_ =	swait.ge [sflag:s25], $0x4000  }
0x180: {  	[sflag:s25] =	ssyncset.done $0x0  }
0x181: {  	s9 =	rddreg [dreg:$0xb];
	[sflag:s25] =	ssyncadd.s32 $0xFFFFC000  }
0x182: {  	[tilespmem:s21], [sflag:$0x2] =	stream.indirect.gather [hbm4b:s4+s20], $0x80, s9, s20, $0xb8;
	[tilespmem:$0x1CC00] =	vst v63  }
0x183: {  	_ =	swait.ge [sflag:s22], $0x4000  }
0x184: {  	[sflag:s22] =	ssyncset.done $0x0  }
0x185: {  	s10 =	rddreg [dreg:$0xc];
	[sflag:s22] =	ssyncadd.s32 $0xFFFFC000  }
0x186: {  	[spmem:s2] =	stream.indirect.scatter.add.f32 [tilespmem:s17], [sflag:$0x3], $0x80, s10, s20, $0xb8;
	[tilespmem:$0x1CC00] =	vst v63  }
0x187: {  	_ =	swait.ge [sflag:s23], $0x4000  }
0x188: {  	[sflag:s23] =	ssyncset.done $0x0  }
0x189: {  	s8 =	rddreg [dreg:$0xd];
	[sflag:s23] =	ssyncadd.s32 $0xFFFFC000  }
0x18a: {  	[tilespmem:s17], [sflag:$0x1] =	stream.indirect.gather [hbm4b:s4+s20], $0x80, s8, s20, $0xb8;
	[tilespmem:$0x1CC00] =	vst v63  }
0x18b: {  	_ =	swait.ge [sflag:s24], $0x4000  }
0x18c: {  	[sflag:s24] =	ssyncset.done $0x0  }
0x18d: {  	s9 =	rddreg [dreg:$0xe];
	[sflag:s24] =	ssyncadd.s32 $0xFFFFC000  }
0x18e: {  	[spmem:s2] =	stream.indirect.scatter.add.f32 [tilespmem:s21], [sflag:$0x4], $0x80, s9, s20, $0xb8;
	[tilespmem:$0x1CC00] =	vst v63  }
0x18f: {  	_ =	swait.ge [sflag:s25], $0x4000  }
0x190: {  	[sflag:s25] =	ssyncset.done $0x0  }
0x191: {  	s10 =	rddreg [dreg:$0xf];
	[sflag:s25] =	ssyncadd.s32 $0xFFFFC000  }
0x192: {  	[tilespmem:s21], [sflag:$0x2] =	stream.indirect.gather [hbm4b:s4+s20], $0x80, s10, s20, $0xb8;
	[tilespmem:$0x1CC00] =	vst v63  }
0x193: {  	_ =	swait.ge [sflag:s22], $0x4000  }
0x194: {  	[sflag:s22] =	ssyncset.done $0x0  }
0x195: {  	s8 =	rddreg [dreg:$0x10];
	[sflag:s22] =	ssyncadd.s32 $0xFFFFC000  }
0x196: {  	[spmem:s2] =	stream.indirect.scatter.add.f32 [tilespmem:s17], [sflag:$0x3], $0x80, s8, s20, $0xb8;
	[tilespmem:$0x1CC00] =	vst v63  }
0x197: {  	_ =	swait.ge [sflag:s23], $0x4000  }
0x198: {  	[sflag:s23] =	ssyncset.done $0x0  }
0x199: {  	s9 =	rddreg [dreg:$0x11];
	[sflag:s23] =	ssyncadd.s32 $0xFFFFC000  }
0x19a: {  	[tilespmem:s17], [sflag:$0x1] =	stream.indirect.gather [hbm4b:s4+s20], $0x80, s9, s20, $0xb8;
	[tilespmem:$0x1CC00] =	vst v63  }
0x19b: {  	_ =	swait.ge [sflag:s24], $0x4000  }
0x19c: {  	[sflag:s24] =	ssyncset.done $0x0  }
0x19d: {  	s10 =	rddreg [dreg:$0x12];
	[sflag:s24] =	ssyncadd.s32 $0xFFFFC000  }
0x19e: {  	[spmem:s2] =	stream.indirect.scatter.add.f32 [tilespmem:s21], [sflag:$0x4], $0x80, s10, s20, $0xb8;
	[tilespmem:$0x1CC00] =	vst v63  }
0x19f: {  	_ =	swait.ge [sflag:s25], $0x4000  }
0x1a0: {  	[sflag:s25] =	ssyncset.done $0x0  }
0x1a1: {  	[sflag:s25] =	ssyncadd.s32 $0xFFFFC000  }
0x1a2: {  	[tilespmem:s21], [sflag:$0x2] =	stream.indirect.gather [hbm4b:s4+s20], $0x80, s26, s20, $0xb8;
	[tilespmem:$0x1CC00] =	vst v63  }
0x1a3: {  	_ =	swait.ge [sflag:s22], $0x4000  }
0x1a4: {  	[sflag:s22] =	ssyncset.done $0x0  }
0x1a5: {  	[sflag:s22] =	ssyncadd.s32 $0xFFFFC000  }
0x1a6: {  	[spmem:s2] =	stream.indirect.scatter.add.f32 [tilespmem:s17], [sflag:$0x3], $0x80, s28, s20, $0xb8;
	[tilespmem:$0x1CC00] =	vst v63  }
0x1a7: {  	_ =	swait.ge [sflag:s23], $0x4000  }
0x1a8: {  	[sflag:s23] =	ssyncset.done $0x0  }
0x1a9: {  	[sflag:s23] =	ssyncadd.s32 $0xFFFFC000  }
0x1aa: {  	[tilespmem:s17], [sflag:$0x1] =	stream.indirect.gather [hbm4b:s4+s20], $0x80, s29, s20, $0xb8;
	[tilespmem:$0x1CC00] =	vst v63  }
0x1ab: {  	_ =	swait.ge [sflag:s24], $0x4000  }
0x1ac: {  	[sflag:s24] =	ssyncset.done $0x0  }
0x1ad: {  	[sflag:s24] =	ssyncadd.s32 $0xFFFFC000  }
0x1ae: {  	[spmem:s2] =	stream.indirect.scatter.add.f32 [tilespmem:s21], [sflag:$0x4], $0x80, s30, s20, $0xb8;
	[tilespmem:$0x1CC00] =	vst v63  }
0x1af: {  	_ =	swait.ge [sflag:s25], $0x4000  }
0x1b0: {  	[sflag:s25] =	ssyncset.done $0x0  }
0x1b1: {  	[sflag:s25] =	ssyncadd.s32 $0xFFFFC000  }
0x1b2: {  	[tilespmem:s21], [sflag:$0x2] =	stream.indirect.gather [hbm4b:s4+s20], $0x80, s31, s20, $0xb8;
	[tilespmem:$0x1CC00] =	vst v63  }
0x1b3: {  	_ =	swait.ge [sflag:s22], $0x4000  }
0x1b4: {  	[sflag:s22] =	ssyncset.done $0x0  }
0x1b5: {  	[sflag:s22] =	ssyncadd.s32 $0xFFFFC000  }
0x1b6: {  	[spmem:s2] =	stream.indirect.scatter.add.f32 [tilespmem:s17], [sflag:$0x3], $0x80, s1, s20, $0xb8;
	[tilespmem:$0x1CC00] =	vst v63  }
0x1b7: {  	_ =	swait.ge [sflag:s23], $0x4000  }
0x1b8: {  	[sflag:s23] =	ssyncset.done $0x0  }
0x1b9: {  	[sflag:s23] =	ssyncadd.s32 $0xFFFFC000  }
0x1ba: {  	[tilespmem:s17], [sflag:$0x1] =	stream.indirect.gather [hbm4b:s4+s20], $0x80, s0, s20, $0xb8;
	[tilespmem:$0x1CC00] =	vst v63  }
0x1bb: {  	_ =	swait.ge [sflag:s24], $0x4000  }
0x1bc: {  	[sflag:s24] =	ssyncset.done $0x0  }
0x1bd: {  	[sflag:s24] =	ssyncadd.s32 $0xFFFFC000  }
0x1be: {  	[spmem:s2] =	stream.indirect.scatter.add.f32 [tilespmem:s21], [sflag:$0x4], $0x80, s5, s20, $0xb8;
	[tilespmem:$0x1CC00] =	vst v63  }
0x1bf: {  	_ =	swait.ge [sflag:s25], $0x4000  }
0x1c0: {  	[sflag:s25] =	ssyncset.done $0x0  }
0x1c1: {  	[sflag:s25] =	ssyncadd.s32 $0xFFFFC000  }
0x1c2: {  	[tilespmem:s21], [sflag:$0x2] =	stream.indirect.gather [hbm4b:s4+s20], $0x80, s11, s20, $0xb8;
	[tilespmem:$0x1CC00] =	vst v63  }
0x1c3: {  	_ =	swait.ge [sflag:s22], $0x4000  }
0x1c4: {  	[sflag:s22] =	ssyncset.done $0x0  }
0x1c5: {  	[sflag:s22] =	ssyncadd.s32 $0xFFFFC000  }
0x1c6: {  	[spmem:s2] =	stream.indirect.scatter.add.f32 [tilespmem:s17], [sflag:$0x3], $0x80, s12, s20, $0xb8;
	[tilespmem:$0x1CC00] =	vst v63  }
0x1c7: {  	_ =	swait.ge [sflag:s23], $0x4000  }
0x1c8: {  	[sflag:s23] =	ssyncset.done $0x0  }
0x1c9: {  	[sflag:s23] =	ssyncadd.s32 $0xFFFFC000  }
0x1ca: {  	[tilespmem:s17], [sflag:$0x1] =	stream.indirect.gather [hbm4b:s4+s20], $0x80, s13, s20, $0xb8;
	[tilespmem:$0x1CC00] =	vst v63  }
0x1cb: {  	_ =	swait.ge [sflag:s24], $0x4000  }
0x1cc: {  	[sflag:s24] =	ssyncset.done $0x0  }
0x1cd: {  	[sflag:s24] =	ssyncadd.s32 $0xFFFFC000  }
0x1ce: {  	[spmem:s2] =	stream.indirect.scatter.add.f32 [tilespmem:s21], [sflag:$0x4], $0x80, s14, s20, $0xb8;
	[tilespmem:$0x1CC00] =	vst v63  }
0x1cf: {  	_ =	swait.ge [sflag:s25], $0x4000  }
0x1d0: {  	[sflag:s25] =	ssyncset.done $0x0  }
0x1d1: {  	[sflag:s25] =	ssyncadd.s32 $0xFFFFC000  }
0x1d2: {  	[tilespmem:s21], [sflag:$0x2] =	stream.indirect.gather [hbm4b:s4+s20], $0x80, s15, s20, $0xb8;
	[tilespmem:$0x1CC00] =	vst v63  }
0x1d3: {  	_ =	swait.ge [sflag:s22], $0x4000  }
0x1d4: {  	[sflag:s22] =	ssyncset.done $0x0  }
0x1d5: {  	[sflag:s22] =	ssyncadd.s32 $0xFFFFC000  }
0x1d6: {  	[spmem:s2] =	stream.indirect.scatter.add.f32 [tilespmem:s17], [sflag:$0x3], $0x80, s16, s20, $0xb8;
	[tilespmem:$0x1CC00] =	vst v63  }
0x1d7: {  	_ =	swait.ge [sflag:s24], $0x4000  }
0x1d8: {  	[sflag:s24] =	ssyncset.done $0x0  }
0x1d9: {  	[sflag:s24] =	ssyncadd.s32 $0xFFFFC000  }
0x1da: {  	[spmem:s2] =	stream.indirect.scatter.add.f32 [tilespmem:s21], [sflag:$0x4], $0x80, s6, s20, $0xb8;
	[tilespmem:$0x1CC00] =	vst v63  }
0x1db: {  	_ =	swait.ge [sflag:s23], $0x4000  }
0x1dc: {  	[sflag:s23] =	ssyncset.done $0x0  }
0x1dd: {  	[sflag:s23] =	ssyncadd.s32 $0xFFFFC000  }
0x1de: {  	_ =	swait.ge [sflag:s25], $0x4000  }
0x1df: {  	[sflag:s25] =	ssyncset.done $0x0  }
0x1e0: {  	[sflag:s25] =	ssyncadd.s32 $0xFFFFC000  }
0x1e1: {  	[bflag:$0x0] =	sbarrier.arrive $0xFFFF  }
0x1e2: {  	s8 =	rddreg [dreg:$0x14]  }
0x1e3: {  	[tilespmem:s17], [sflag:$0x5] =	stream.linear.gather [spmem:s8], $0x4000, $0x38;
	[tilespmem:$0x1CC00] =	vst v63  }
0x1e4: {  	_ =	swait.ge [sflag:s18], $0x4000  }
0x1e5: {  	[sflag:s18] =	ssyncset.done $0x0  }
0x1e6: {  	s9 =	rddreg [dreg:$0x19];
	[sflag:s18] =	ssyncadd.s32 $0xFFFFC000  }
0x1e7: {  	[hbm4b:s9+s3] =	stream.linear.scatter [tilespmem:s17], [sflag:$0x5], $0x4000, $0x38;
	[tilespmem:$0x1CC00] =	vst v63  }
0x1e8: {  	_ =	swait.ge [sflag:s18], $0x4000  }
0x1e9: {  	[sflag:s18] =	ssyncset.done $0x0  }
0x1ea: {  	s10 =	rddreg [dreg:$0x15];
	[sflag:s18] =	ssyncadd.s32 $0xFFFFC000  }
0x1eb: {  	[tilespmem:s17], [sflag:$0x5] =	stream.linear.gather [spmem:s10], $0x4000, $0x38;
	[tilespmem:$0x1CC00] =	vst v63  }
0x1ec: {  	_ =	swait.ge [sflag:s18], $0x4000  }
0x1ed: {  	[sflag:s18] =	ssyncset.done $0x0  }
0x1ee: {  	s8 =	rddreg [dreg:$0x1a];
	[sflag:s18] =	ssyncadd.s32 $0xFFFFC000  }
0x1ef: {  	[hbm4b:s8+s3] =	stream.linear.scatter [tilespmem:s17], [sflag:$0x5], $0x4000, $0x38;
	[tilespmem:$0x1CC00] =	vst v63  }
0x1f0: {  	_ =	swait.ge [sflag:s18], $0x4000  }
0x1f1: {  	[sflag:s18] =	ssyncset.done $0x0  }
0x1f2: {  	s10 =	rddreg [dreg:$0x16];
	[sflag:s18] =	ssyncadd.s32 $0xFFFFC000  }
0x1f3: {  	[tilespmem:s17], [sflag:$0x5] =	stream.linear.gather [spmem:s10], $0x4000, $0x38;
	[tilespmem:$0x1CC00] =	vst v63  }
0x1f4: {  	_ =	swait.ge [sflag:s18], $0x4000  }
0x1f5: {  	[sflag:s18] =	ssyncset.done $0x0  }
0x1f6: {  	s9 =	rddreg [dreg:$0x1b];
	[sflag:s18] =	ssyncadd.s32 $0xFFFFC000  }
0x1f7: {  	[hbm4b:s9+s3] =	stream.linear.scatter [tilespmem:s17], [sflag:$0x5], $0x4000, $0x38;
	[tilespmem:$0x1CC00] =	vst v63  }
0x1f8: {  	_ =	swait.ge [sflag:s18], $0x4000  }
0x1f9: {  	[sflag:s18] =	ssyncset.done $0x0  }
0x1fa: {  	s8 =	rddreg [dreg:$0x17];
	[sflag:s18] =	ssyncadd.s32 $0xFFFFC000  }
0x1fb: {  	[tilespmem:s17], [sflag:$0x5] =	stream.linear.gather [spmem:s8], $0x4000, $0x38;
	[tilespmem:$0x1CC00] =	vst v63  }
0x1fc: {  	_ =	swait.ge [sflag:s18], $0x4000  }
0x1fd: {  	[sflag:s18] =	ssyncset.done $0x0  }
0x1fe: {  	s9 =	rddreg [dreg:$0x1c];
	[sflag:s18] =	ssyncadd.s32 $0xFFFFC000  }
0x1ff: {  	[hbm4b:s9+s3] =	stream.linear.scatter [tilespmem:s17], [sflag:$0x5], $0x4000, $0x38;
	[tilespmem:$0x1CC00] =	vst v63  }
0x200: {  	_ =	swait.ge [sflag:s18], $0x4000  }
0x201: {  	[sflag:s18] =	ssyncset.done $0x0  }
0x202: {  	s9 =	rddreg [dreg:$0x18];
	[sflag:s18] =	ssyncadd.s32 $0xFFFFC000  }
0x203: {  	[tilespmem:s17], [sflag:$0x5] =	stream.linear.gather [spmem:s9], $0x3C00, $0x38;
	[tilespmem:$0x1CC00] =	vst v63  }
0x204: {  	_ =	swait.ge [sflag:s18], $0x3C00  }
0x205: {  	[sflag:s18] =	ssyncset.done $0x0  }
0x206: {  	s8 =	rddreg [dreg:$0x1d];
	[sflag:s18] =	ssyncadd.s32 $0xFFFFC400  }
0x207: {  	[hbm4b:s8+s3] =	stream.linear.scatter [tilespmem:s17], [sflag:$0x5], $0x3C00, $0x38;
	[tilespmem:$0x1CC00] =	vst v63  }
0x208: {  	_ =	swait.ge [sflag:s18], $0x3C00  }
0x209: {  	s7 =	rddreg [dreg:$0x1f]  }
0x20a: {  	s8 =	sadd.s32 $0x1, s7;
	s7 =	rddreg [dreg:$0x1e]  }
0x20b: {  	p0 =	sne.s32 s8, s7  }
.Ltmp1:
0x20c: {  	_ = 	snop;
	(pc) =	sbr.rel @p0 .LBB2_1-.Ltmp1, $3  }
0x20d: {  	_ =	sdelay $0x1  }
0x20e: {  	[sflag:s18] =	ssyncset.done $0x0;
	[dreg:$0x1f] =	wrdreg s8  }
0x20f: {  	[sflag:s18] =	ssyncadd.s32 $0xFFFFC400;
	s8 =	rddreg [dreg:$0x14]  }
0x210: {  	_ =	sfence.sel $0x180000  }
0x211: {  	[bflag:$0x0] =	sbarrier.arrive $0xFFFF  }
0x212: {  	_ =	strace $0x9000004A  }
0x213: {  	s0 =	stileid.u32;
	[bflag:$0x2] =	sbarrier.arrive $0xFFFF  }
0x214: {  	p0 =	sne.s32 s0, $0x0;
	s0 =	rddreg [dreg:$0x2]  }
0x215: {  	s0 =	sadd.s32 @!p0 $0x100000, s0  }
0x216: {  	[sflag:s0] =	ssyncadd.tile.s32 @!p0 $0x1;
	_ =	shalt  }
.Lfunc_end2:
_tile_overlayer_lowered:
.L_overlay_start_2:
0x217: {  	(tag) =	ssettag $0x2  }
0x218: {  	s0 =	rddreg [dreg:$0x0];
	s2 =	stileid.u32  }
0x219: {  	s1 =	rddreg [dreg:$0x1];
	p0 =	sne.s32 s2, $0x0  }
0x21a: {  	s3 =	rddreg [dreg:$0x2];
	[bflag:$0x3] =	sbarrier.arrive $0xFFFF;
	s2 =	simm.s32 @!p0 $0x1C05  }
0x21b: {  	[timem:s3], [sflag:s2] =	dma.local @!p0 [hbm:s0], s1  }
0x21c: {  	s0 =	simm.s32 @!p0 $0x5  }
0x21d: {  	_ =	swait.ge @!p0 [sflag:s0], s1  }
0x21e: {  	s1 =	ssub.s32 @!p0 $0x0, s1;
	[sflag:s0] =	ssyncset.done @!p0 $0x0  }
0x21f: {  	[sflag:s0] =	ssyncadd.s32 @!p0 s1  }
0x220: {  	[bflag:$0x3] =	sbarrier.arrive $0xFFFF  }
0x221: {  	_ =	shalt  }

// kernel: kernel.7.cloned.1.call-start
scs
__scs_entry_jumppad:
0x0: {  	(pc) =	sbr.rel $0x88, $3  }
0x1: {  	(tag) =	ssettag $0x0;
	lr =	simm.s32 $0x1  }
0x2: {  	[smem:$0x3F9B] =	sst lr;
	_ =	strace $0xD0000000  }
0x3: {  	_ = 	snop  }
0x4: {  	_ = 	snop  }
0x5: {  	_ = 	snop  }
0x6: {  	_ = 	snop  }
0x7: {  	_ = 	snop  }
__scs_overlays_trampoline_lowered:
0x8: {  	[smem:$0x3FAA] =	sst s0  }
0x9: {  	[smem:$0x3FAB] =	sst s1  }
0xa: {  	[smem:$0x3FAC] =	sst s2  }
0xb: {  	[smem:$0x3FAD] =	sst s3  }
0xc: {  	[smem:$0x3FAE] =	sst s4  }
0xd: {  	[smem:$0x3FAF] =	sst s5  }
0xe: {  	[smem:$0x3FB0] =	sst s6  }
0xf: {  	[smem:$0x3FB1] =	sst s7  }
0x10: {  	[smem:$0x3FB2] =	sst s8  }
0x11: {  	[smem:$0x3FB3] =	sst s9;
	s0 =	simm.s32 @!p0 $0x0  }
0x12: {  	s1 =	sld [smem:$0x3F99];
	s0 =	simm.s32 @p0 $0x1  }
0x13: {  	[smem:$0x3FB4] =	sst s0;
	s0 =	simm.s32 @!p1 $0x0  }
0x14: {  	s2 =	sld [smem:$0x3F98];
	s0 =	simm.s32 @p1 $0x1  }
0x15: {  	[smem:$0x3FB5] =	sst s0;
	s0 =	simm.s32 @!p2 $0x0  }
0x16: {  	s3 =	sld [smem:$0x3FDB];
	s0 =	simm.s32 @p2 $0x1  }
0x17: {  	s4 =	simm.s32 $0x1BF5;
	[smem:$0x3FB7] =	sst s0  }
0x18: {  	s0 =	sld [smem:$0x3F9A];
	_ =	swait.ge [sflag:s4], $0x0  }
0x19: {  	s7 =	sld [smem:$0x3F9B]  }
0x1a: {  	s8 =	sadd.s32 $0xFFFFE003, lr  }
0x1b: {  	s9 =	sadd.s32 $0xFFFFFEF7, lr;
	s5 =	simm.s32 $0xFFFFFFFF;
	p2 =	slt.u32 s8, $0xFFFFF086  }
0x1c: {  	p1 =	slt.u32 s9, $0xF7A;
	s5 =	simm.s32 @!p2 $0x0  }
0x1d: {  	s5 =	simm.s32 @p1 $0x1;
	p0 =	seq.s32 s7, s2  }
0x1e: {  	s7 =	smul.u32 @!p0 $0xF7A, s2;
	p2 =	seq.s32 @!p0 s5, $0x0  }
0x1f: {  	s9 =	smul.u32 $0xF7A, s1;
	s8 =	simm.s32 @!p0 $0x1BF5;
	p2 =	por !p2, p0  }
0x20: {  	[sflag:s8] =	ssyncset.s32 @!p0 $0xFFFFF086;
	s6 =	sadd.s32 @!p0 s3, s7;
	s7 =	simm.s32 @!p0 $0x108  }
0x21: {  	s3 =	sadd.s32 s3, s9;
	s6 =	sadd.s32 @!p0 $0x88, s6;
	s7 =	simm.s32 @p2 $0x1082  }
0x22: {  	[simem:s7], [sflag:s8] =	dma.local @!p0 [hbm:s6], $0xF7A  }
0x23: {  	s9 =	sor.u32 $0xD0000000, s2;
	s6 =	simm.s32 $0x108;
	_ =	swait.ge @!p0 [sflag:s8], $0x0  }
0x24: {  	s3 =	sadd.s32 $0x88, s3;
	s6 =	simm.s32 @!p1 $0x1082;
	[sflag:s4] =	ssyncset.s32 $0xFFFFF086  }
0x25: {  	[simem:s6], [sflag:s4] =	dma.local [hbm:s3], $0xF7A  }
0x26: {  	[smem:$0x3F9B] =	sst s1;
	(tag) =	ssettag s2;
	_ =	strace s9  }
0x27: {  	s1 =	sld [smem:$0x3FAB]  }
0x28: {  	s2 =	sld [smem:$0x3FAC]  }
0x29: {  	s4 =	sld [smem:$0x3FAE]  }
0x2a: {  	p0 =	seq.s32 s5, $0x0;
	s5 =	sld [smem:$0x3FAF]  }
0x2b: {  	s6 =	sld [smem:$0x3FB0]  }
0x2c: {  	s7 =	sld [smem:$0x3FB1]  }
0x2d: {  	s3 =	simm.s32 $0x108;
	s8 =	sld [smem:$0x3FB2]  }
0x2e: {  	s3 =	simm.s32 @!p0 $0x1082;
	s9 =	sld [smem:$0x3FB3]  }
0x2f: {  	lr =	sadd.s32 s0, s3;
	s0 =	sld [smem:$0x3FAA]  }
0x30: {  	s3 =	sld [smem:$0x3FAD]  }
0x31: {  	[smem:$0x3FB6] =	sst s10  }
0x32: {  	s10 =	sld [smem:$0x3FB4];
	_ =	sdelay $0x3  }
0x33: {  	p0 =	seq.s32 s10, $0x1;
	s10 =	sld [smem:$0x3FB6];
	_ =	sdelay $0x3  }
0x34: {  	[smem:$0x3FB6] =	sst s10  }
0x35: {  	s10 =	sld [smem:$0x3FB5];
	_ =	sdelay $0x3  }
0x36: {  	p1 =	seq.s32 s10, $0x1;
	s10 =	sld [smem:$0x3FB6];
	_ =	sdelay $0x3  }
0x37: {  	[smem:$0x3FB6] =	sst s10  }
0x38: {  	s10 =	sld [smem:$0x3FB7]  }
0x39: {  	_ = 	snop;
	(pc) =	sbr.ind lr, $3  }
0x3a: {  	_ = 	snop  }
0x3b: {  	_ = 	snop  }
0x3c: {  	p2 =	seq.s32 s10, $0x1;
	s10 =	sld [smem:$0x3FB6]  }
0x3d: {  	_ =	shalt  }
0x3e: {  	_ =	shalt  }
0x3f: {  	_ =	shalt  }
0x40: {  	_ =	shalt  }
0x41: {  	_ =	shalt  }
0x42: {  	_ =	shalt  }
0x43: {  	_ =	shalt  }
0x44: {  	_ =	shalt  }
0x45: {  	_ =	shalt  }
0x46: {  	_ =	shalt  }
0x47: {  	_ =	shalt  }
0x48: {  	_ =	shalt  }
0x49: {  	_ =	shalt  }
0x4a: {  	_ =	shalt  }
0x4b: {  	_ =	shalt  }
0x4c: {  	_ =	shalt  }
0x4d: {  	_ =	shalt  }
0x4e: {  	_ =	shalt  }
0x4f: {  	_ =	shalt  }
0x50: {  	_ =	shalt  }
0x51: {  	_ =	shalt  }
0x52: {  	_ =	shalt  }
0x53: {  	_ =	shalt  }
0x54: {  	_ =	shalt  }
0x55: {  	_ =	shalt  }
0x56: {  	_ =	shalt  }
0x57: {  	_ =	shalt  }
0x58: {  	_ =	shalt  }
0x59: {  	_ =	shalt  }
0x5a: {  	_ =	shalt  }
0x5b: {  	_ =	shalt  }
0x5c: {  	_ =	shalt  }
0x5d: {  	_ =	shalt  }
0x5e: {  	_ =	shalt  }
0x5f: {  	_ =	shalt  }
0x60: {  	_ =	shalt  }
0x61: {  	_ =	shalt  }
0x62: {  	_ =	shalt  }
0x63: {  	_ =	shalt  }
0x64: {  	_ =	shalt  }
0x65: {  	_ =	shalt  }
0x66: {  	_ =	shalt  }
0x67: {  	_ =	shalt  }
0x68: {  	_ =	shalt  }
0x69: {  	_ =	shalt  }
0x6a: {  	_ =	shalt  }
0x6b: {  	_ =	shalt  }
0x6c: {  	_ =	shalt  }
0x6d: {  	_ =	shalt  }
0x6e: {  	_ =	shalt  }
0x6f: {  	_ =	shalt  }
0x70: {  	_ =	shalt  }
0x71: {  	_ =	shalt  }
0x72: {  	_ =	shalt  }
0x73: {  	_ =	shalt  }
0x74: {  	_ =	shalt  }
0x75: {  	_ =	shalt  }
0x76: {  	_ =	shalt  }
0x77: {  	_ =	shalt  }
0x78: {  	_ =	shalt  }
0x79: {  	_ =	shalt  }
0x7a: {  	_ =	shalt  }
0x7b: {  	_ =	shalt  }
0x7c: {  	_ =	shalt  }
0x7d: {  	_ =	shalt  }
0x7e: {  	_ =	shalt  }
0x7f: {  	_ =	shalt  }
0x80: {  	_ =	shalt  }
0x81: {  	_ =	shalt  }
0x82: {  	_ =	shalt  }
0x83: {  	_ =	shalt  }
0x84: {  	_ =	shalt  }
0x85: {  	_ =	shalt  }
0x86: {  	_ =	shalt  }
0x87: {  	_ =	shalt  }
.Lfunc_end0:
.L_simem_size_0:
called_computation_lowered:
.L_overlay_start_0:
0x88: {  	s2 =	sld [smem:$0x3FD9]  }
0x89: {  	s3 =	sld [smem:$0x3FFE];
	_ =	sdelay $0x1  }
0x8a: {  	s1 =	srdreg.scid  }
0x8b: {  	s0 =	sand.u32 $0x1, s1  }
0x8c: {  	s17 =	sshll.u32 s0, $0xA;
	s2 =	sadd.s32 s3, s2  }
0x8d: {  	s2 =	sadd.s32 s2, s17  }
0x8e: {  	[smem:$0x3FC2] =	sst s2  }
0x8f: {  	_ = 	snop  }
0x90: {  	s2 =	sld [smem:$0x3FD0];
	(tm) =	ssettm $0x1  }
0x91: {  	s18 =	sld [smem:$0x3FFB];
	_ =	sdelay $0x3  }
0x92: {  	_ =	strace s18  }
0x93: {  	s3 =	sld [smem:$0x3FFC];
	_ =	sdelay $0x3  }
0x94: {  	_ =	strace s3  }
0x95: {  	s3 =	sld [smem:$0x3FFD];
	_ =	sdelay $0x3  }
0x96: {  	_ =	strace s3  }
0x97: {  	_ =	strace $0x8FFFFFFF  }
0x98: {  	s19 =	sld [smem:$0x3FDB];
	_ =	sdelay $0x1  }
0x99: {  	s4 =	simm.s32 $_scs_section_size  }
0x9a: {  	s5 =	simm.s32 $_size__tile_overlayer_lowered;
	s6 =	simm.s32 $_tile_overlayer_lowered  }
0x9b: {  	s22 =	simm.s32 $0x1BFF;
	s21 =	sshll.u32 s6, $0x1;
	s3 =	sadd.s32 s4, s19  }
0x9c: {  	s7 =	simm.s32 $0x0;
	s20 =	sshll.u32 s5, $0x1;
	s5 =	sadd.s32 s21, s3  }
0x9d: {  	[timem:s7], [sflag:s22] =	dma.local [hbm:s5], s20  }
0x9e: {  	_ =	swait.ge [sflag:s22], s20  }
0x9f: {  	s4 =	ssub.s32 $0x0, s20;
	[sflag:s22] =	ssyncset.done $0x0  }
0xa0: {  	[sflag:s22] =	ssyncadd.s32 s4;
	_ =	sdelay $0x1  }
0xa1: {  	s23 =	simm.s32 $0x1B8B  }
0xa2: {  	_ =	swait.ge [sflag:s23], $0x1  }
0xa3: {  	[sflag:s23] =	ssyncset.done $0x0  }
0xa4: {  	s25 =	simm.s32 $0x1B8E;
	s24 =	sld [smem:$0x3FFE];
	[sflag:s23] =	ssyncadd.s32 $0xFFFFFFFF  }
0xa5: {  	s26 =	simm.s32 $execute0_lowered;
	[smem:$0x3FD2] =	sst s25  }
0xa6: {  	s5 =	sshll.u32 s26, $0x1;
	_ =	strace $0x80000046;
	[dreg:$0x1] =	wrdreg $0xFFFFFFFF  }
0xa7: {  	s28 =	simm.s32 $_size_execute0_lowered;
	s3 =	sadd.s32 s3, s5;
	[dreg:$0x0] =	wrdreg $0x0  }
0xa8: {  	s5 =	sshll.u32 s28, $0x1;
	[dreg:$0x2] =	wrdreg s3  }
0xa9: {  	[dreg:$0x3] =	wrdreg s5  }
0xaa: {  	[dreg:$0x4] =	wrdreg $0xC0  }
0xab: {  	_ =	task [dreg:s7], $0x5FFFF  }
0xac: {  	[dreg:$0x1] =	wrdreg $0xFFFFFFFF  }
0xad: {  	[dreg:$0x0] =	wrdreg $0x60  }
0xae: {  	[dreg:$0x2] =	wrdreg s24  }
0xaf: {  	[dreg:$0x3] =	wrdreg s2  }
0xb0: {  	[dreg:$0x4] =	wrdreg $0x2B000  }
0xb1: {  	[dreg:$0x5] =	wrdreg $0x9  }
0xb2: {  	_ =	task.clear_ibuf [dreg:s7], $0x6FFFF;
	_ =	strace $0x90000046  }
0xb3: {  	s29 =	simm.s32 $0x9;
	_ =	strace $0x80000048  }
0xb4: {  	_ =	swait.ge [sflag:s29], $0x1  }
0xb5: {  	[sflag:s29] =	ssyncadd.s32 $0xFFFFFFFF  }
0xb6: {  	_ =	strace $0x90000048  }
0xb7: {  	_ =	sfence  }
0xb8: {  	s30 =	sld [smem:$0x0];
	_ =	sdelay $0x2  }
0xb9: {  	s31 =	sshll.u32 s1, $0xD;
	s1 =	sshrl.u32 s1, $0x2  }
0xba: {  	s3 =	sand.u32 $0x4000, s31;
	s1 =	sadd.s32 s1, s30  }
0xbb: {  	s0 =	sor.u32 s3, s0;
	s1 =	sshll.u32 s1, $0x11  }
0xbc: {  	s0 =	sor.u32 s1, s0  }
0xbd: {  	s0 =	sadd.s32 $0x8F2B, s0  }
0xbe: {  	[sflag:s0] =	ssyncadd.remote.s32 $0x1  }
0xbf: {  	_ =	sfence.sel $0xFFFF  }
0xc0: {  	[dreg:$0x0] =	wrdreg $0xFFFFFFFF;
	(pc) =	sbr.abs _section_cstart, $3  }
0xc1: {  	[dreg:$0x1] =	wrdreg $0xFFFFFFFF  }
0xc2: {  	_ =	task.clear_ibuf [dreg:s7], $0x2FFFF;
	_ =	strace $0x9FFFFFFF  }
0xc3: {  	(tm) =	ssettm $0x7FFFFFFF  }
tec
execute0_lowered:
.L_overlay_start_1:
0x0: {  	(tag) =	ssettag $0x1  }
0x1: {  	s6 =	rddreg [dreg:$0x0]  }
0x2: {  	s2 =	rddreg [dreg:$0x1]  }
0x3: {  	s3 =	rddreg [dreg:$0x2]  }
0x4: {  	s0 =	rddreg [dreg:$0x3];
	s4 =	srdreg.scid  }
0x5: {  	s1 =	stileid.u32;
	s12 =	simm.s32 $0x2800;
	s13 =	simm.s32 $0x80  }
0x6: {  	s14 =	simm.s32 $0x0;
	s5 =	sand.u32 $0x1, s4;
	s7 =	sshll.u32 s1, $0x1  }
0x7: {  	s8 =	smul.u32 $0x278, s1;
	s4 =	simm.s32 $0x0;
	s7 =	sor.u32 s5, s7  }
0x8: {  	s9 =	smul.u32 $0x2780, s5;
	[smem:$0x7FF] =	sst s4;
	s10 =	ssub.s32 $0x2, s5  }
0x9: {  	s5 =	sadd.s32 $0x15A00, s6;
	s7 =	smul.u32 $0x500, s7;
	s11 =	sshrl.u32 s10, $0x1  }
0xa: {  	_ =	strace $0x80000047;
	s9 =	sadd.s32 s8, s9;
	s10 =	ssub.s32 s10, s11  }
0xb: {  	s11 =	simm.s32 $0x1;
	s7 =	sadd.s32 s7, s6;
	s9 =	sshrl.u32 s9, $0x3  }
0xc: {  	s9 =	sadd.s32 s9, s6;
	s6 =	sadd.s32 s8, s3;
	s7 =	sadd.s32 $0x1A00, s7  }
0xd: {  	s8 =	sadd.s32 $0x15C00, s9;
	s9 =	smax.u32 s10, $0x1;
	s10 =	simm.s32 $0x2880  }
.LBB2_1:
0xe: {  	[tilespmem:s10], [sflag:$0x1] =	stream.linear.gather [hbm4b:s2+s4], $0x280, $0x38;
	[tilespmem:$0x2D78] =	vst v63  }
0xf: {  	_ =	swait.ge [sflag:s11], $0x280  }
0x10: {  	[sflag:s11] =	ssyncset.done $0x0  }
0x11: {  	[sflag:s11] =	ssyncadd.s32 $0xFFFFFD80  }
0x12: {  	[spmem:s6] =	stream.linear.scatter [tilespmem:s10], [sflag:$0x1], $0x278, $0x38;
	[tilespmem:$0x2D78] =	vst v63  }
0x13: {  	_ =	swait.ge [sflag:s11], $0x278  }
0x14: {  	[sflag:s11] =	ssyncset.done $0x0  }
0x15: {  	[sflag:s11] =	ssyncadd.s32 $0xFFFFFD88  }
0x16: {  	[tilespmem:s12], [sflag:$0x1] =	stream.linear.gather [hbm4b:s5+s4], $0x80, $0x38;
	[tilespmem:$0x2D78] =	vst v63  }
0x17: {  	_ =	swait.ge [sflag:s11], $0x80  }
0x18: {  	[sflag:s11] =	ssyncset.done $0x0  }
0x19: {  	[sflag:s11] =	ssyncadd.s32 $0xFFFFFF80  }
0x1a: {  	[tilespmem:s4], [sflag:$0x1] =	stream.linear.gather [hbm4b:s7+s4], $0x2800, $0x38;
	[tilespmem:$0x2D78] =	vst v63  }
0x1b: {  	_ =	swait.ge [sflag:s11], $0x2800  }
0x1c: {  	[sflag:s11] =	ssyncset.done $0x0  }
0x1d: {  	[sflag:s11] =	ssyncadd.s32 $0xFFFFD800  }
0x1e: {  	s15 =	simm.s32 $0x0;
	[bflag:$0x0] =	sbarrier.arrive $0xFFFF  }
0x1f: {  	[spmem:s3] =	stream.indirect.scatter.add.f32 [tilespmem:s12], [sflag:$0x1], $0x1, s15, s13, $0xb8;
	[tilespmem:$0x2D78] =	vst v63  }
0x20: {  	_ =	swait.ge [sflag:s11], $0x80  }
0x21: {  	s15 =	simm.s32 $0x200;
	[sflag:s11] =	ssyncset.done $0x0  }
.LBB2_2:
0x22: {  	s16 =	sshra.s32 s15, $0x2;
	[sflag:s11] =	ssyncadd.s32 $0xFFFFFF80;
	p0 =	sne.s32 s15, $0x9E00  }
0x23: {  	[spmem:s3] =	stream.indirect.scatter.add.f32 [tilespmem:s12], [sflag:$0x1], $0x1, s16, s13, $0xb8;
	[tilespmem:$0x2D78] =	vst v63  }
.Ltmp0:
0x24: {  	_ = 	snop;
	(pc) =	sbr.rel @p0 .LBB2_2-.Ltmp0, $4  }
0x25: {  	_ = 	snop  }
0x26: {  	s15 =	sadd.s32 $0x200, s15  }
0x27: {  	_ =	swait.ge [sflag:s11], $0x80  }
0x28: {  	[sflag:s11] =	ssyncset.done $0x0  }
0x29: {  	[sflag:s11] =	ssyncadd.s32 $0xFFFFFF80  }
0x2a: {  	[bflag:$0x0] =	sbarrier.arrive $0xFFFF  }
0x2b: {  	[tilespmem:s10], [sflag:$0x1] =	stream.linear.gather [spmem:s6], $0x278, $0x38;
	[tilespmem:$0x2D78] =	vst v63  }
0x2c: {  	s14 =	sadd.s32 $0x1, s14;
	_ =	swait.ge [sflag:s11], $0x278  }
0x2d: {  	p0 =	sne.s32 s14, s9;
	[sflag:s11] =	ssyncset.done $0x0  }
.Ltmp1:
0x2e: {  	[sflag:s11] =	ssyncadd.s32 $0xFFFFFD88;
	(pc) =	sbr.rel @p0 .LBB2_1-.Ltmp1, $4  }
0x2f: {  	[hbm4b:s8+s4] =	stream.linear.scatter [tilespmem:s10], [sflag:$0x1], $0x278, $0x38;
	[tilespmem:$0x2D78] =	vst v63  }
0x30: {  	_ =	swait.ge [sflag:s11], $0x278  }
0x31: {  	[sflag:s11] =	ssyncset.done $0x0  }
0x32: {  	[sflag:s11] =	ssyncadd.s32 $0xFFFFFD88  }
0x33: {  	_ =	sfence.sel $0x180000  }
0x34: {  	[bflag:$0x0] =	sbarrier.arrive $0xFFFF  }
0x35: {  	p0 =	sne.s32 s1, $0x0;
	_ =	strace $0x90000047  }
0x36: {  	s0 =	sadd.s32 @!p0 $0x100000, s0;
	[bflag:$0x2] =	sbarrier.arrive $0xFFFF  }
0x37: {  	[sflag:s0] =	ssyncadd.tile.s32 @!p0 $0x1;
	_ =	shalt  }
.Lfunc_end2:
_tile_overlayer_lowered:
.L_overlay_start_2:
0x38: {  	(tag) =	ssettag $0x2  }
0x39: {  	s0 =	rddreg [dreg:$0x0];
	s2 =	stileid.u32  }
0x3a: {  	s1 =	rddreg [dreg:$0x1];
	p0 =	sne.s32 s2, $0x0  }
0x3b: {  	s3 =	rddreg [dreg:$0x2];
	[bflag:$0x3] =	sbarrier.arrive $0xFFFF;
	s2 =	simm.s32 @!p0 $0x1C01  }
0x3c: {  	[timem:s3], [sflag:s2] =	dma.local @!p0 [hbm:s0], s1  }
0x3d: {  	s0 =	simm.s32 @!p0 $0x1  }
0x3e: {  	_ =	swait.ge @!p0 [sflag:s0], s1  }
0x3f: {  	s1 =	ssub.s32 @!p0 $0x0, s1;
	[sflag:s0] =	ssyncset.done @!p0 $0x0  }
0x40: {  	[sflag:s0] =	ssyncadd.s32 @!p0 s1  }
0x41: {  	[bflag:$0x3] =	sbarrier.arrive $0xFFFF  }
0x42: {  	_ =	shalt  }

</sc_bundles>
